<compile_context>
chip_gen: v7x
topology: tpu7x:2x2x1
jax: 0.10.2.dev20260603
libtpu: 0.0.44.dev20260713+nightly
codegen_flags: <defaults>
</compile_context>

<pallas_src>
import functools

import jax
import jax.numpy as jnp
from jax import lax
from jax.experimental import pallas as pl
from jax.experimental.pallas import tpu as pltpu
from jax.experimental.pallas import tpu_sc as plsc

B, T, D = 2, 4096, 2048
E = 64
TOP_K = 2
TOKENS = B * T
TILE = 512
NTILES = TOKENS // TILE
Q = 4

_NEG_INF = float("-inf")

_info = plsc.get_sparse_core_info()
NC, NS, L = _info.num_cores, _info.num_subcores, _info.num_lanes
NW = NC * NS
TPW = TOKENS // NW
NGROUPS = TPW // L


def _matmul_kernel(x_hbm, w_ref, logits_ref, xbuf, sems):
    i = pl.program_id(0)

    def copy(step, slot):
        return pltpu.make_async_copy(
            x_hbm.at[pl.ds(step * TILE, TILE), :],
            xbuf.at[slot],
            sems.at[slot],
        )

    @pl.when(i == 0)
    def _():
        for q in range(Q):
            copy(q, q).start()

    slot = jax.lax.rem(i, Q)
    copy(i, slot).wait()

    logits_ref[...] = jax.lax.dot_general(
        xbuf[slot], w_ref[...], (((1,), (1,)), ((), ())),
        preferred_element_type=jnp.float32,
    )

    @pl.when(i + Q < NTILES)
    def _():
        copy(i + Q, slot).start()


def _sc_route(logits_hbm, w_hbm, i_hbm, lbuf, wbuf, ibuf, sem):
    wid = lax.axis_index("s") * NC + lax.axis_index("c")
    base = wid * TPW
    pltpu.async_copy(logits_hbm.at[pl.ds(base, TPW), :], lbuf, sem).wait()

    lane = lax.iota(jnp.int32, L)

    def group(g, carry):
        tok = lane + g * L
        zero = jnp.zeros((L,), jnp.int32)
        m1 = plsc.load_gather(lbuf, [tok, zero])
        i1 = zero
        m2 = jnp.full((L,), _NEG_INF, jnp.float32)
        i2 = zero
        for e in range(1, E):
            ev = jnp.full((L,), e, jnp.int32)
            v = plsc.load_gather(lbuf, [tok, ev])
            gt1 = v > m1
            gt2 = v > m2
            m2 = jnp.where(gt1, m1, jnp.where(gt2, v, m2))
            i2 = jnp.where(gt1, i1, jnp.where(gt2, ev, i2))
            m1 = jnp.where(gt1, v, m1)
            i1 = jnp.where(gt1, ev, i1)
        e2 = jnp.exp(m2 - m1)
        denom = 1.0 + e2
        one = jnp.full((L,), 1, jnp.int32)
        plsc.store_scatter(wbuf, [tok, zero], 1.0 / denom)
        plsc.store_scatter(wbuf, [tok, one], e2 / denom)
        plsc.store_scatter(ibuf, [tok, zero], i1)
        plsc.store_scatter(ibuf, [tok, one], i2)
        return carry

    lax.fori_loop(0, NGROUPS, group, 0)

    pltpu.sync_copy(wbuf, w_hbm.at[pl.ds(base, TPW), :])
    pltpu.sync_copy(ibuf, i_hbm.at[pl.ds(base, TPW), :])


_sc_route_call = functools.partial(
    pl.kernel,
    mesh=plsc.VectorSubcoreMesh(core_axis_name="c", subcore_axis_name="s"),
    out_type=[
        jax.ShapeDtypeStruct((TOKENS, TOP_K), jnp.float32),
        jax.ShapeDtypeStruct((TOKENS, TOP_K), jnp.int32),
    ],
    scratch_types=[
        pltpu.VMEM((TPW, E), jnp.float32),
        pltpu.VMEM((TPW, TOP_K), jnp.float32),
        pltpu.VMEM((TPW, TOP_K), jnp.int32),
        pltpu.SemaphoreType.DMA,
    ],
    compiler_params=pltpu.CompilerParams(
        use_tc_tiling_on_sc=False, needs_layout_passes=False
    ),
)(_sc_route)


@jax.jit
def kernel(x, W):
    xt = x.reshape(TOKENS, D)
    logits = pl.pallas_call(
        _matmul_kernel,
        grid=(NTILES,),
        in_specs=[
            pl.BlockSpec(memory_space=pltpu.MemorySpace.HBM),
            pl.BlockSpec((E, D), lambda i: (0, 0)),
        ],
        out_specs=pl.BlockSpec((TILE, E), lambda i: (i, 0)),
        out_shape=jax.ShapeDtypeStruct((TOKENS, E), jnp.float32),
        scratch_shapes=[
            pltpu.VMEM((Q, TILE, D), jnp.float32),
            pltpu.SemaphoreType.DMA((Q,)),
        ],
        compiler_params=pltpu.CompilerParams(
            dimension_semantics=("arbitrary",),
        ),
    )(xt, W)
    weights, indices = _sc_route_call(logits)
    return (
        weights.reshape(B, T, TOP_K),
        indices.reshape(B, T, TOP_K),
        logits.reshape(B, T, E),
    )

# --- scband reference (transcript-rebuilt; emitter-appended) ---
"""Pipeline reference for scband-router-32006096290574 (READ-ONLY COPY).

The authoritative reference and input builder live on the scoring server;
editing this copy changes nothing except your own understanding.
"""

import jax, jax.numpy as jnp
import numpy as np
import math

B, T, D = 2, 4096, 2048
E = 64
TOP_K = 2

def setup_inputs(seed: int = 0) -> dict:
    key = jax.random.key(seed)
    kx, kw = jax.random.split(key)
    x = jax.random.normal(kx, (B, T, D), dtype=jnp.float32)
    # xavier_uniform for nn.Linear weight [E, D]
    limit = math.sqrt(6.0 / (D + E))
    W = jax.random.uniform(kw, (E, D), minval=-limit, maxval=limit, dtype=jnp.float32)
    return {"x": x, "W": W}

def reference(x, W):
    # router_logits = x @ W.T  -> [B, T, E]
    router_logits = jnp.einsum('btd,ed->bte', x, W)
    # eval mode: jitter noise disabled (jitter_noise only applied during training)
    top_k_logits, expert_indices = jax.lax.top_k(router_logits, TOP_K)
    expert_weights = jax.nn.softmax(top_k_logits, axis=-1)
    return (expert_weights, expert_indices, router_logits)

if __name__ == "__main__":
    import jax
    _d = setup_inputs()
    print(jax.jit(kernel)(*tuple(_d.values())))

</pallas_src>

<mosaic_0001>
#map = affine_map<(d0, d1) -> (0, 0)>
module attributes {stable_mosaic.version = 14 : i64} {
  func.func @_sc_route(%arg0: i32, %arg1: i32, %arg2: memref<8192x64xf32, #tpu.memory_space<hbm>>, %arg3: memref<8192x2xf32, #tpu.memory_space<hbm>>, %arg4: memref<8192x2xi32, #tpu.memory_space<hbm>>, %arg5: memref<256x64xf32, #tpu.memory_space<vmem>>, %arg6: memref<256x2xf32, #tpu.memory_space<vmem>>, %arg7: memref<256x2xi32, #tpu.memory_space<vmem>>, %arg8: memref<!tpu.dma_semaphore, #tpu.memory_space<semaphore_mem>>) attributes {dimension_semantics = [#tpu.dimension_semantics<core_parallel>, #tpu.dimension_semantics<subcore_parallel>], iteration_bounds = array<i64: 2, 16>, scalar_prefetch = 0 : i64, scratch_operands = 4 : i64, tpu.core_type = #tpu.core_type<sc_vector_subcore>, window_params = [{transform_indices = #map}, {transform_indices = #map}, {transform_indices = #map}]} {
    %mul3A = arith.constant 2 : i32
    %mul3A_0 = arith.muli %arg1, %mul3A : i32
    %add3A = arith.addi %mul3A_0, %arg0 : i32
    %mul3A_1 = arith.constant 256 : i32
    %mul3A_2 = arith.muli %add3A, %mul3A_1 : i32
    %dma_start3A = arith.constant 0 : i32
    %dma_start3A_3 = tpu.memref_slice %arg2[%mul3A_2, %dma_start3A] : memref<8192x64xf32, #tpu.memory_space<hbm>> -> memref<256x64xf32, #tpu.memory_space<hbm>>
    %dma_start3A_4 = arith.constant 0 : i32
    %dma_start3A_5 = tpu.memref_slice %arg2[%mul3A_2, %dma_start3A_4] : memref<8192x64xf32, #tpu.memory_space<hbm>> -> memref<256x64xf32, #tpu.memory_space<hbm>>
    tpu.enqueue_dma source(%dma_start3A_5 : memref<256x64xf32, #tpu.memory_space<hbm>>) target(%arg5 : memref<256x64xf32, #tpu.memory_space<vmem>>) target_semaphore(%arg8 : memref<!tpu.dma_semaphore, #tpu.memory_space<semaphore_mem>>)
    %dma_wait3A = arith.constant 0 : i32
    %dma_wait3A_6 = tpu.memref_slice %arg2[%mul3A_2, %dma_wait3A] : memref<8192x64xf32, #tpu.memory_space<hbm>> -> memref<256x64xf32, #tpu.memory_space<hbm>>
    %dma_wait3A_7 = arith.constant 0 : i32
    %dma_wait3A_8 = tpu.memref_slice %arg2[%mul3A_2, %dma_wait3A_7] : memref<8192x64xf32, #tpu.memory_space<hbm>> -> memref<256x64xf32, #tpu.memory_space<hbm>>
    tpu.wait_dma2 semaphore(%arg8 : memref<!tpu.dma_semaphore, #tpu.memory_space<semaphore_mem>>) src(%dma_wait3A_8 : memref<256x64xf32, #tpu.memory_space<hbm>>) dst(%arg5 : memref<256x64xf32, #tpu.memory_space<vmem>>)
    %iota3A = tpu.iota {dimensions = array<i32: 0>} : vector<16xi32>
    %scan3A = arith.constant 0 : i32
    %scan3A_9 = arith.constant 0 : i32
    %scan3A_10 = arith.constant 16 : i32
    %scan3A_11 = arith.addi %scan3A_9, %scan3A_10 : i32
    %scan3A_12 = arith.constant 1 : i32
    scf.for %scan3A_14 = %scan3A_9 to %scan3A_11 step %scan3A_12  : i32 {
      %mul3A_15 = arith.constant 16 : i32
      %mul3A_16 = arith.muli %scan3A_14, %mul3A_15 : i32
      %add3A_17 = vector.broadcast %mul3A_16 : i32 to vector<16xi32>
      %add3A_18 = arith.addi %iota3A, %add3A_17 : vector<16xi32>
      %broadcast_in_dim3A = arith.constant 0 : i32
      %broadcast_in_dim3A_19 = vector.broadcast %broadcast_in_dim3A : i32 to vector<16xi32>
      %gather3A = tpu.vector_load_idx %arg5[%add3A_18, %broadcast_in_dim3A_19] : memref<256x64xf32, #tpu.memory_space<vmem>>[vector<16xi32>, vector<16xi32>], vector<16xf32>,
      %broadcast_in_dim3A_20 = arith.constant 0xFF800000 : f32
      %broadcast_in_dim3A_21 = vector.broadcast %broadcast_in_dim3A_20 : f32 to vector<16xf32>
      %broadcast_in_dim3A_22 = arith.constant 1 : i32
      %broadcast_in_dim3A_23 = vector.broadcast %broadcast_in_dim3A_22 : i32 to vector<16xi32>
      %gather3A_24 = tpu.vector_load_idx %arg5[%add3A_18, %broadcast_in_dim3A_23] : memref<256x64xf32, #tpu.memory_space<vmem>>[vector<16xi32>, vector<16xi32>], vector<16xf32>,
      %gt3A = arith.cmpf ogt, %gather3A_24, %gather3A : vector<16xf32>
      %gt3A_25 = arith.cmpf ogt, %gather3A_24, %broadcast_in_dim3A_21 : vector<16xf32>
      %select_n3A = arith.select %gt3A_25, %gather3A_24, %broadcast_in_dim3A_21 : vector<16xi1>, vector<16xf32>
      %select_n3A_26 = arith.select %gt3A, %gather3A, %select_n3A : vector<16xi1>, vector<16xf32>
      %select_n3A_27 = arith.select %gt3A_25, %broadcast_in_dim3A_23, %broadcast_in_dim3A_19 : vector<16xi1>, vector<16xi32>
      %select_n3A_28 = arith.select %gt3A, %broadcast_in_dim3A_19, %select_n3A_27 : vector<16xi1>, vector<16xi32>
      %select_n3A_29 = arith.select %gt3A, %gather3A_24, %gather3A : vector<16xi1>, vector<16xf32>
      %select_n3A_30 = arith.select %gt3A, %broadcast_in_dim3A_23, %broadcast_in_dim3A_19 : vector<16xi1>, vector<16xi32>
      %broadcast_in_dim3A_31 = arith.constant 2 : i32
      %broadcast_in_dim3A_32 = vector.broadcast %broadcast_in_dim3A_31 : i32 to vector<16xi32>
      %gather3A_33 = tpu.vector_load_idx %arg5[%add3A_18, %broadcast_in_dim3A_32] : memref<256x64xf32, #tpu.memory_space<vmem>>[vector<16xi32>, vector<16xi32>], vector<16xf32>,
      %gt3A_34 = arith.cmpf ogt, %gather3A_33, %select_n3A_29 : vector<16xf32>
      %gt3A_35 = arith.cmpf ogt, %gather3A_33, %select_n3A_26 : vector<16xf32>
      %select_n3A_36 = arith.select %gt3A_35, %gather3A_33, %select_n3A_26 : vector<16xi1>, vector<16xf32>
      %select_n3A_37 = arith.select %gt3A_34, %select_n3A_29, %select_n3A_36 : vector<16xi1>, vector<16xf32>
      %select_n3A_38 = arith.select %gt3A_35, %broadcast_in_dim3A_32, %select_n3A_28 : vector<16xi1>, vector<16xi32>
      %select_n3A_39 = arith.select %gt3A_34, %select_n3A_30, %select_n3A_38 : vector<16xi1>, vector<16xi32>
      %select_n3A_40 = arith.select %gt3A_34, %gather3A_33, %select_n3A_29 : vector<16xi1>, vector<16xf32>
      %select_n3A_41 = arith.select %gt3A_34, %broadcast_in_dim3A_32, %select_n3A_30 : vector<16xi1>, vector<16xi32>
      %broadcast_in_dim3A_42 = arith.constant 3 : i32
      %broadcast_in_dim3A_43 = vector.broadcast %broadcast_in_dim3A_42 : i32 to vector<16xi32>
      %gather3A_44 = tpu.vector_load_idx %arg5[%add3A_18, %broadcast_in_dim3A_43] : memref<256x64xf32, #tpu.memory_space<vmem>>[vector<16xi32>, vector<16xi32>], vector<16xf32>,
      %gt3A_45 = arith.cmpf ogt, %gather3A_44, %select_n3A_40 : vector<16xf32>
      %gt3A_46 = arith.cmpf ogt, %gather3A_44, %select_n3A_37 : vector<16xf32>
      %select_n3A_47 = arith.select %gt3A_46, %gather3A_44, %select_n3A_37 : vector<16xi1>, vector<16xf32>
      %select_n3A_48 = arith.select %gt3A_45, %select_n3A_40, %select_n3A_47 : vector<16xi1>, vector<16xf32>
      %select_n3A_49 = arith.select %gt3A_46, %broadcast_in_dim3A_43, %select_n3A_39 : vector<16xi1>, vector<16xi32>
      %select_n3A_50 = arith.select %gt3A_45, %select_n3A_41, %select_n3A_49 : vector<16xi1>, vector<16xi32>
      %select_n3A_51 = arith.select %gt3A_45, %gather3A_44, %select_n3A_40 : vector<16xi1>, vector<16xf32>
      %select_n3A_52 = arith.select %gt3A_45, %broadcast_in_dim3A_43, %select_n3A_41 : vector<16xi1>, vector<16xi32>
      %broadcast_in_dim3A_53 = arith.constant 4 : i32
      %broadcast_in_dim3A_54 = vector.broadcast %broadcast_in_dim3A_53 : i32 to vector<16xi32>
      %gather3A_55 = tpu.vector_load_idx %arg5[%add3A_18, %broadcast_in_dim3A_54] : memref<256x64xf32, #tpu.memory_space<vmem>>[vector<16xi32>, vector<16xi32>], vector<16xf32>,
      %gt3A_56 = arith.cmpf ogt, %gather3A_55, %select_n3A_51 : vector<16xf32>
      %gt3A_57 = arith.cmpf ogt, %gather3A_55, %select_n3A_48 : vector<16xf32>
      %select_n3A_58 = arith.select %gt3A_57, %gather3A_55, %select_n3A_48 : vector<16xi1>, vector<16xf32>
      %select_n3A_59 = arith.select %gt3A_56, %select_n3A_51, %select_n3A_58 : vector<16xi1>, vector<16xf32>
      %select_n3A_60 = arith.select %gt3A_57, %broadcast_in_dim3A_54, %select_n3A_50 : vector<16xi1>, vector<16xi32>
      %select_n3A_61 = arith.select %gt3A_56, %select_n3A_52, %select_n3A_60 : vector<16xi1>, vector<16xi32>
      %select_n3A_62 = arith.select %gt3A_56, %gather3A_55, %select_n3A_51 : vector<16xi1>, vector<16xf32>
      %select_n3A_63 = arith.select %gt3A_56, %broadcast_in_dim3A_54, %select_n3A_52 : vector<16xi1>, vector<16xi32>
      %broadcast_in_dim3A_64 = arith.constant 5 : i32
      %broadcast_in_dim3A_65 = vector.broadcast %broadcast_in_dim3A_64 : i32 to vector<16xi32>
      %gather3A_66 = tpu.vector_load_idx %arg5[%add3A_18, %broadcast_in_dim3A_65] : memref<256x64xf32, #tpu.memory_space<vmem>>[vector<16xi32>, vector<16xi32>], vector<16xf32>,
      %gt3A_67 = arith.cmpf ogt, %gather3A_66, %select_n3A_62 : vector<16xf32>
      %gt3A_68 = arith.cmpf ogt, %gather3A_66, %select_n3A_59 : vector<16xf32>
      %select_n3A_69 = arith.select %gt3A_68, %gather3A_66, %select_n3A_59 : vector<16xi1>, vector<16xf32>
      %select_n3A_70 = arith.select %gt3A_67, %select_n3A_62, %select_n3A_69 : vector<16xi1>, vector<16xf32>
      %select_n3A_71 = arith.select %gt3A_68, %broadcast_in_dim3A_65, %select_n3A_61 : vector<16xi1>, vector<16xi32>
      %select_n3A_72 = arith.select %gt3A_67, %select_n3A_63, %select_n3A_71 : vector<16xi1>, vector<16xi32>
      %select_n3A_73 = arith.select %gt3A_67, %gather3A_66, %select_n3A_62 : vector<16xi1>, vector<16xf32>
      %select_n3A_74 = arith.select %gt3A_67, %broadcast_in_dim3A_65, %select_n3A_63 : vector<16xi1>, vector<16xi32>
      %broadcast_in_dim3A_75 = arith.constant 6 : i32
      %broadcast_in_dim3A_76 = vector.broadcast %broadcast_in_dim3A_75 : i32 to vector<16xi32>
      %gather3A_77 = tpu.vector_load_idx %arg5[%add3A_18, %broadcast_in_dim3A_76] : memref<256x64xf32, #tpu.memory_space<vmem>>[vector<16xi32>, vector<16xi32>], vector<16xf32>,
      %gt3A_78 = arith.cmpf ogt, %gather3A_77, %select_n3A_73 : vector<16xf32>
      %gt3A_79 = arith.cmpf ogt, %gather3A_77, %select_n3A_70 : vector<16xf32>
      %select_n3A_80 = arith.select %gt3A_79, %gather3A_77, %select_n3A_70 : vector<16xi1>, vector<16xf32>
      %select_n3A_81 = arith.select %gt3A_78, %select_n3A_73, %select_n3A_80 : vector<16xi1>, vector<16xf32>
      %select_n3A_82 = arith.select %gt3A_79, %broadcast_in_dim3A_76, %select_n3A_72 : vector<16xi1>, vector<16xi32>
      %select_n3A_83 = arith.select %gt3A_78, %select_n3A_74, %select_n3A_82 : vector<16xi1>, vector<16xi32>
      %select_n3A_84 = arith.select %gt3A_78, %gather3A_77, %select_n3A_73 : vector<16xi1>, vector<16xf32>
      %select_n3A_85 = arith.select %gt3A_78, %broadcast_in_dim3A_76, %select_n3A_74 : vector<16xi1>, vector<16xi32>
      %broadcast_in_dim3A_86 = arith.constant 7 : i32
      %broadcast_in_dim3A_87 = vector.broadcast %broadcast_in_dim3A_86 : i32 to vector<16xi32>
      %gather3A_88 = tpu.vector_load_idx %arg5[%add3A_18, %broadcast_in_dim3A_87] : memref<256x64xf32, #tpu.memory_space<vmem>>[vector<16xi32>, vector<16xi32>], vector<16xf32>,
      %gt3A_89 = arith.cmpf ogt, %gather3A_88, %select_n3A_84 : vector<16xf32>
      %gt3A_90 = arith.cmpf ogt, %gather3A_88, %select_n3A_81 : vector<16xf32>
      %select_n3A_91 = arith.select %gt3A_90, %gather3A_88, %select_n3A_81 : vector<16xi1>, vector<16xf32>
      %select_n3A_92 = arith.select %gt3A_89, %select_n3A_84, %select_n3A_91 : vector<16xi1>, vector<16xf32>
      %select_n3A_93 = arith.select %gt3A_90, %broadcast_in_dim3A_87, %select_n3A_83 : vector<16xi1>, vector<16xi32>
      %select_n3A_94 = arith.select %gt3A_89, %select_n3A_85, %select_n3A_93 : vector<16xi1>, vector<16xi32>
      %select_n3A_95 = arith.select %gt3A_89, %gather3A_88, %select_n3A_84 : vector<16xi1>, vector<16xf32>
      %select_n3A_96 = arith.select %gt3A_89, %broadcast_in_dim3A_87, %select_n3A_85 : vector<16xi1>, vector<16xi32>
      %broadcast_in_dim3A_97 = arith.constant 8 : i32
      %broadcast_in_dim3A_98 = vector.broadcast %broadcast_in_dim3A_97 : i32 to vector<16xi32>
      %gather3A_99 = tpu.vector_load_idx %arg5[%add3A_18, %broadcast_in_dim3A_98] : memref<256x64xf32, #tpu.memory_space<vmem>>[vector<16xi32>, vector<16xi32>], vector<16xf32>,
      %gt3A_100 = arith.cmpf ogt, %gather3A_99, %select_n3A_95 : vector<16xf32>
      %gt3A_101 = arith.cmpf ogt, %gather3A_99, %select_n3A_92 : vector<16xf32>
      %select_n3A_102 = arith.select %gt3A_101, %gather3A_99, %select_n3A_92 : vector<16xi1>, vector<16xf32>
      %select_n3A_103 = arith.select %gt3A_100, %select_n3A_95, %select_n3A_102 : vector<16xi1>, vector<16xf32>
      %select_n3A_104 = arith.select %gt3A_101, %broadcast_in_dim3A_98, %select_n3A_94 : vector<16xi1>, vector<16xi32>
      %select_n3A_105 = arith.select %gt3A_100, %select_n3A_96, %select_n3A_104 : vector<16xi1>, vector<16xi32>
      %select_n3A_106 = arith.select %gt3A_100, %gather3A_99, %select_n3A_95 : vector<16xi1>, vector<16xf32>
      %select_n3A_107 = arith.select %gt3A_100, %broadcast_in_dim3A_98, %select_n3A_96 : vector<16xi1>, vector<16xi32>
      %broadcast_in_dim3A_108 = arith.constant 9 : i32
      %broadcast_in_dim3A_109 = vector.broadcast %broadcast_in_dim3A_108 : i32 to vector<16xi32>
      %gather3A_110 = tpu.vector_load_idx %arg5[%add3A_18, %broadcast_in_dim3A_109] : memref<256x64xf32, #tpu.memory_space<vmem>>[vector<16xi32>, vector<16xi32>], vector<16xf32>,
      %gt3A_111 = arith.cmpf ogt, %gather3A_110, %select_n3A_106 : vector<16xf32>
      %gt3A_112 = arith.cmpf ogt, %gather3A_110, %select_n3A_103 : vector<16xf32>
      %select_n3A_113 = arith.select %gt3A_112, %gather3A_110, %select_n3A_103 : vector<16xi1>, vector<16xf32>
      %select_n3A_114 = arith.select %gt3A_111, %select_n3A_106, %select_n3A_113 : vector<16xi1>, vector<16xf32>
      %select_n3A_115 = arith.select %gt3A_112, %broadcast_in_dim3A_109, %select_n3A_105 : vector<16xi1>, vector<16xi32>
      %select_n3A_116 = arith.select %gt3A_111, %select_n3A_107, %select_n3A_115 : vector<16xi1>, vector<16xi32>
      %select_n3A_117 = arith.select %gt3A_111, %gather3A_110, %select_n3A_106 : vector<16xi1>, vector<16xf32>
      %select_n3A_118 = arith.select %gt3A_111, %broadcast_in_dim3A_109, %select_n3A_107 : vector<16xi1>, vector<16xi32>
      %broadcast_in_dim3A_119 = arith.constant 10 : i32
      %broadcast_in_dim3A_120 = vector.broadcast %broadcast_in_dim3A_119 : i32 to vector<16xi32>
      %gather3A_121 = tpu.vector_load_idx %arg5[%add3A_18, %broadcast_in_dim3A_120] : memref<256x64xf32, #tpu.memory_space<vmem>>[vector<16xi32>, vector<16xi32>], vector<16xf32>,
      %gt3A_122 = arith.cmpf ogt, %gather3A_121, %select_n3A_117 : vector<16xf32>
      %gt3A_123 = arith.cmpf ogt, %gather3A_121, %select_n3A_114 : vector<16xf32>
      %select_n3A_124 = arith.select %gt3A_123, %gather3A_121, %select_n3A_114 : vector<16xi1>, vector<16xf32>
      %select_n3A_125 = arith.select %gt3A_122, %select_n3A_117, %select_n3A_124 : vector<16xi1>, vector<16xf32>
      %select_n3A_126 = arith.select %gt3A_123, %broadcast_in_dim3A_120, %select_n3A_116 : vector<16xi1>, vector<16xi32>
      %select_n3A_127 = arith.select %gt3A_122, %select_n3A_118, %select_n3A_126 : vector<16xi1>, vector<16xi32>
      %select_n3A_128 = arith.select %gt3A_122, %gather3A_121, %select_n3A_117 : vector<16xi1>, vector<16xf32>
      %select_n3A_129 = arith.select %gt3A_122, %broadcast_in_dim3A_120, %select_n3A_118 : vector<16xi1>, vector<16xi32>
      %broadcast_in_dim3A_130 = arith.constant 11 : i32
      %broadcast_in_dim3A_131 = vector.broadcast %broadcast_in_dim3A_130 : i32 to vector<16xi32>
      %gather3A_132 = tpu.vector_load_idx %arg5[%add3A_18, %broadcast_in_dim3A_131] : memref<256x64xf32, #tpu.memory_space<vmem>>[vector<16xi32>, vector<16xi32>], vector<16xf32>,
      %gt3A_133 = arith.cmpf ogt, %gather3A_132, %select_n3A_128 : vector<16xf32>
      %gt3A_134 = arith.cmpf ogt, %gather3A_132, %select_n3A_125 : vector<16xf32>
      %select_n3A_135 = arith.select %gt3A_134, %gather3A_132, %select_n3A_125 : vector<16xi1>, vector<16xf32>
      %select_n3A_136 = arith.select %gt3A_133, %select_n3A_128, %select_n3A_135 : vector<16xi1>, vector<16xf32>
      %select_n3A_137 = arith.select %gt3A_134, %broadcast_in_dim3A_131, %select_n3A_127 : vector<16xi1>, vector<16xi32>
      %select_n3A_138 = arith.select %gt3A_133, %select_n3A_129, %select_n3A_137 : vector<16xi1>, vector<16xi32>
      %select_n3A_139 = arith.select %gt3A_133, %gather3A_132, %select_n3A_128 : vector<16xi1>, vector<16xf32>
      %select_n3A_140 = arith.select %gt3A_133, %broadcast_in_dim3A_131, %select_n3A_129 : vector<16xi1>, vector<16xi32>
      %broadcast_in_dim3A_141 = arith.constant 12 : i32
      %broadcast_in_dim3A_142 = vector.broadcast %broadcast_in_dim3A_141 : i32 to vector<16xi32>
      %gather3A_143 = tpu.vector_load_idx %arg5[%add3A_18, %broadcast_in_dim3A_142] : memref<256x64xf32, #tpu.memory_space<vmem>>[vector<16xi32>, vector<16xi32>], vector<16xf32>,
      %gt3A_144 = arith.cmpf ogt, %gather3A_143, %select_n3A_139 : vector<16xf32>
      %gt3A_145 = arith.cmpf ogt, %gather3A_143, %select_n3A_136 : vector<16xf32>
      %select_n3A_146 = arith.select %gt3A_145, %gather3A_143, %select_n3A_136 : vector<16xi1>, vector<16xf32>
      %select_n3A_147 = arith.select %gt3A_144, %select_n3A_139, %select_n3A_146 : vector<16xi1>, vector<16xf32>
      %select_n3A_148 = arith.select %gt3A_145, %broadcast_in_dim3A_142, %select_n3A_138 : vector<16xi1>, vector<16xi32>
      %select_n3A_149 = arith.select %gt3A_144, %select_n3A_140, %select_n3A_148 : vector<16xi1>, vector<16xi32>
      %select_n3A_150 = arith.select %gt3A_144, %gather3A_143, %select_n3A_139 : vector<16xi1>, vector<16xf32>
      %select_n3A_151 = arith.select %gt3A_144, %broadcast_in_dim3A_142, %select_n3A_140 : vector<16xi1>, vector<16xi32>
      %broadcast_in_dim3A_152 = arith.constant 13 : i32
      %broadcast_in_dim3A_153 = vector.broadcast %broadcast_in_dim3A_152 : i32 to vector<16xi32>
      %gather3A_154 = tpu.vector_load_idx %arg5[%add3A_18, %broadcast_in_dim3A_153] : memref<256x64xf32, #tpu.memory_space<vmem>>[vector<16xi32>, vector<16xi32>], vector<16xf32>,
      %gt3A_155 = arith.cmpf ogt, %gather3A_154, %select_n3A_150 : vector<16xf32>
      %gt3A_156 = arith.cmpf ogt, %gather3A_154, %select_n3A_147 : vector<16xf32>
      %select_n3A_157 = arith.select %gt3A_156, %gather3A_154, %select_n3A_147 : vector<16xi1>, vector<16xf32>
      %select_n3A_158 = arith.select %gt3A_155, %select_n3A_150, %select_n3A_157 : vector<16xi1>, vector<16xf32>
      %select_n3A_159 = arith.select %gt3A_156, %broadcast_in_dim3A_153, %select_n3A_149 : vector<16xi1>, vector<16xi32>
      %select_n3A_160 = arith.select %gt3A_155, %select_n3A_151, %select_n3A_159 : vector<16xi1>, vector<16xi32>
      %select_n3A_161 = arith.select %gt3A_155, %gather3A_154, %select_n3A_150 : vector<16xi1>, vector<16xf32>
      %select_n3A_162 = arith.select %gt3A_155, %broadcast_in_dim3A_153, %select_n3A_151 : vector<16xi1>, vector<16xi32>
      %broadcast_in_dim3A_163 = arith.constant 14 : i32
      %broadcast_in_dim3A_164 = vector.broadcast %broadcast_in_dim3A_163 : i32 to vector<16xi32>
      %gather3A_165 = tpu.vector_load_idx %arg5[%add3A_18, %broadcast_in_dim3A_164] : memref<256x64xf32, #tpu.memory_space<vmem>>[vector<16xi32>, vector<16xi32>], vector<16xf32>,
      %gt3A_166 = arith.cmpf ogt, %gather3A_165, %select_n3A_161 : vector<16xf32>
      %gt3A_167 = arith.cmpf ogt, %gather3A_165, %select_n3A_158 : vector<16xf32>
      %select_n3A_168 = arith.select %gt3A_167, %gather3A_165, %select_n3A_158 : vector<16xi1>, vector<16xf32>
      %select_n3A_169 = arith.select %gt3A_166, %select_n3A_161, %select_n3A_168 : vector<16xi1>, vector<16xf32>
      %select_n3A_170 = arith.select %gt3A_167, %broadcast_in_dim3A_164, %select_n3A_160 : vector<16xi1>, vector<16xi32>
      %select_n3A_171 = arith.select %gt3A_166, %select_n3A_162, %select_n3A_170 : vector<16xi1>, vector<16xi32>
      %select_n3A_172 = arith.select %gt3A_166, %gather3A_165, %select_n3A_161 : vector<16xi1>, vector<16xf32>
      %select_n3A_173 = arith.select %gt3A_166, %broadcast_in_dim3A_164, %select_n3A_162 : vector<16xi1>, vector<16xi32>
      %broadcast_in_dim3A_174 = arith.constant 15 : i32
      %broadcast_in_dim3A_175 = vector.broadcast %broadcast_in_dim3A_174 : i32 to vector<16xi32>
      %gather3A_176 = tpu.vector_load_idx %arg5[%add3A_18, %broadcast_in_dim3A_175] : memref<256x64xf32, #tpu.memory_space<vmem>>[vector<16xi32>, vector<16xi32>], vector<16xf32>,
      %gt3A_177 = arith.cmpf ogt, %gather3A_176, %select_n3A_172 : vector<16xf32>
      %gt3A_178 = arith.cmpf ogt, %gather3A_176, %select_n3A_169 : vector<16xf32>
      %select_n3A_179 = arith.select %gt3A_178, %gather3A_176, %select_n3A_169 : vector<16xi1>, vector<16xf32>
      %select_n3A_180 = arith.select %gt3A_177, %select_n3A_172, %select_n3A_179 : vector<16xi1>, vector<16xf32>
      %select_n3A_181 = arith.select %gt3A_178, %broadcast_in_dim3A_175, %select_n3A_171 : vector<16xi1>, vector<16xi32>
      %select_n3A_182 = arith.select %gt3A_177, %select_n3A_173, %select_n3A_181 : vector<16xi1>, vector<16xi32>
      %select_n3A_183 = arith.select %gt3A_177, %gather3A_176, %select_n3A_172 : vector<16xi1>, vector<16xf32>
      %select_n3A_184 = arith.select %gt3A_177, %broadcast_in_dim3A_175, %select_n3A_173 : vector<16xi1>, vector<16xi32>
      %broadcast_in_dim3A_185 = arith.constant 16 : i32
      %broadcast_in_dim3A_186 = vector.broadcast %broadcast_in_dim3A_185 : i32 to vector<16xi32>
      %gather3A_187 = tpu.vector_load_idx %arg5[%add3A_18, %broadcast_in_dim3A_186] : memref<256x64xf32, #tpu.memory_space<vmem>>[vector<16xi32>, vector<16xi32>], vector<16xf32>,
      %gt3A_188 = arith.cmpf ogt, %gather3A_187, %select_n3A_183 : vector<16xf32>
      %gt3A_189 = arith.cmpf ogt, %gather3A_187, %select_n3A_180 : vector<16xf32>
      %select_n3A_190 = arith.select %gt3A_189, %gather3A_187, %select_n3A_180 : vector<16xi1>, vector<16xf32>
      %select_n3A_191 = arith.select %gt3A_188, %select_n3A_183, %select_n3A_190 : vector<16xi1>, vector<16xf32>
      %select_n3A_192 = arith.select %gt3A_189, %broadcast_in_dim3A_186, %select_n3A_182 : vector<16xi1>, vector<16xi32>
      %select_n3A_193 = arith.select %gt3A_188, %select_n3A_184, %select_n3A_192 : vector<16xi1>, vector<16xi32>
      %select_n3A_194 = arith.select %gt3A_188, %gather3A_187, %select_n3A_183 : vector<16xi1>, vector<16xf32>
      %select_n3A_195 = arith.select %gt3A_188, %broadcast_in_dim3A_186, %select_n3A_184 : vector<16xi1>, vector<16xi32>
      %broadcast_in_dim3A_196 = arith.constant 17 : i32
      %broadcast_in_dim3A_197 = vector.broadcast %broadcast_in_dim3A_196 : i32 to vector<16xi32>
      %gather3A_198 = tpu.vector_load_idx %arg5[%add3A_18, %broadcast_in_dim3A_197] : memref<256x64xf32, #tpu.memory_space<vmem>>[vector<16xi32>, vector<16xi32>], vector<16xf32>,
      %gt3A_199 = arith.cmpf ogt, %gather3A_198, %select_n3A_194 : vector<16xf32>
      %gt3A_200 = arith.cmpf ogt, %gather3A_198, %select_n3A_191 : vector<16xf32>
      %select_n3A_201 = arith.select %gt3A_200, %gather3A_198, %select_n3A_191 : vector<16xi1>, vector<16xf32>
      %select_n3A_202 = arith.select %gt3A_199, %select_n3A_194, %select_n3A_201 : vector<16xi1>, vector<16xf32>
      %select_n3A_203 = arith.select %gt3A_200, %broadcast_in_dim3A_197, %select_n3A_193 : vector<16xi1>, vector<16xi32>
      %select_n3A_204 = arith.select %gt3A_199, %select_n3A_195, %select_n3A_203 : vector<16xi1>, vector<16xi32>
      %select_n3A_205 = arith.select %gt3A_199, %gather3A_198, %select_n3A_194 : vector<16xi1>, vector<16xf32>
      %select_n3A_206 = arith.select %gt3A_199, %broadcast_in_dim3A_197, %select_n3A_195 : vector<16xi1>, vector<16xi32>
      %broadcast_in_dim3A_207 = arith.constant 18 : i32
      %broadcast_in_dim3A_208 = vector.broadcast %broadcast_in_dim3A_207 : i32 to vector<16xi32>
      %gather3A_209 = tpu.vector_load_idx %arg5[%add3A_18, %broadcast_in_dim3A_208] : memref<256x64xf32, #tpu.memory_space<vmem>>[vector<16xi32>, vector<16xi32>], vector<16xf32>,
      %gt3A_210 = arith.cmpf ogt, %gather3A_209, %select_n3A_205 : vector<16xf32>
      %gt3A_211 = arith.cmpf ogt, %gather3A_209, %select_n3A_202 : vector<16xf32>
      %select_n3A_212 = arith.select %gt3A_211, %gather3A_209, %select_n3A_202 : vector<16xi1>, vector<16xf32>
      %select_n3A_213 = arith.select %gt3A_210, %select_n3A_205, %select_n3A_212 : vector<16xi1>, vector<16xf32>
      %select_n3A_214 = arith.select %gt3A_211, %broadcast_in_dim3A_208, %select_n3A_204 : vector<16xi1>, vector<16xi32>
      %select_n3A_215 = arith.select %gt3A_210, %select_n3A_206, %select_n3A_214 : vector<16xi1>, vector<16xi32>
      %select_n3A_216 = arith.select %gt3A_210, %gather3A_209, %select_n3A_205 : vector<16xi1>, vector<16xf32>
      %select_n3A_217 = arith.select %gt3A_210, %broadcast_in_dim3A_208, %select_n3A_206 : vector<16xi1>, vector<16xi32>
      %broadcast_in_dim3A_218 = arith.constant 19 : i32
      %broadcast_in_dim3A_219 = vector.broadcast %broadcast_in_dim3A_218 : i32 to vector<16xi32>
      %gather3A_220 = tpu.vector_load_idx %arg5[%add3A_18, %broadcast_in_dim3A_219] : memref<256x64xf32, #tpu.memory_space<vmem>>[vector<16xi32>, vector<16xi32>], vector<16xf32>,
      %gt3A_221 = arith.cmpf ogt, %gather3A_220, %select_n3A_216 : vector<16xf32>
      %gt3A_222 = arith.cmpf ogt, %gather3A_220, %select_n3A_213 : vector<16xf32>
      %select_n3A_223 = arith.select %gt3A_222, %gather3A_220, %select_n3A_213 : vector<16xi1>, vector<16xf32>
      %select_n3A_224 = arith.select %gt3A_221, %select_n3A_216, %select_n3A_223 : vector<16xi1>, vector<16xf32>
      %select_n3A_225 = arith.select %gt3A_222, %broadcast_in_dim3A_219, %select_n3A_215 : vector<16xi1>, vector<16xi32>
      %select_n3A_226 = arith.select %gt3A_221, %select_n3A_217, %select_n3A_225 : vector<16xi1>, vector<16xi32>
      %select_n3A_227 = arith.select %gt3A_221, %gather3A_220, %select_n3A_216 : vector<16xi1>, vector<16xf32>
      %select_n3A_228 = arith.select %gt3A_221, %broadcast_in_dim3A_219, %select_n3A_217 : vector<16xi1>, vector<16xi32>
      %broadcast_in_dim3A_229 = arith.constant 20 : i32
      %broadcast_in_dim3A_230 = vector.broadcast %broadcast_in_dim3A_229 : i32 to vector<16xi32>
      %gather3A_231 = tpu.vector_load_idx %arg5[%add3A_18, %broadcast_in_dim3A_230] : memref<256x64xf32, #tpu.memory_space<vmem>>[vector<16xi32>, vector<16xi32>], vector<16xf32>,
      %gt3A_232 = arith.cmpf ogt, %gather3A_231, %select_n3A_227 : vector<16xf32>
      %gt3A_233 = arith.cmpf ogt, %gather3A_231, %select_n3A_224 : vector<16xf32>
      %select_n3A_234 = arith.select %gt3A_233, %gather3A_231, %select_n3A_224 : vector<16xi1>, vector<16xf32>
      %select_n3A_235 = arith.select %gt3A_232, %select_n3A_227, %select_n3A_234 : vector<16xi1>, vector<16xf32>
      %select_n3A_236 = arith.select %gt3A_233, %broadcast_in_dim3A_230, %select_n3A_226 : vector<16xi1>, vector<16xi32>
      %select_n3A_237 = arith.select %gt3A_232, %select_n3A_228, %select_n3A_236 : vector<16xi1>, vector<16xi32>
      %select_n3A_238 = arith.select %gt3A_232, %gather3A_231, %select_n3A_227 : vector<16xi1>, vector<16xf32>
      %select_n3A_239 = arith.select %gt3A_232, %broadcast_in_dim3A_230, %select_n3A_228 : vector<16xi1>, vector<16xi32>
      %broadcast_in_dim3A_240 = arith.constant 21 : i32
      %broadcast_in_dim3A_241 = vector.broadcast %broadcast_in_dim3A_240 : i32 to vector<16xi32>
      %gather3A_242 = tpu.vector_load_idx %arg5[%add3A_18, %broadcast_in_dim3A_241] : memref<256x64xf32, #tpu.memory_space<vmem>>[vector<16xi32>, vector<16xi32>], vector<16xf32>,
      %gt3A_243 = arith.cmpf ogt, %gather3A_242, %select_n3A_238 : vector<16xf32>
      %gt3A_244 = arith.cmpf ogt, %gather3A_242, %select_n3A_235 : vector<16xf32>
      %select_n3A_245 = arith.select %gt3A_244, %gather3A_242, %select_n3A_235 : vector<16xi1>, vector<16xf32>
      %select_n3A_246 = arith.select %gt3A_243, %select_n3A_238, %select_n3A_245 : vector<16xi1>, vector<16xf32>
      %select_n3A_247 = arith.select %gt3A_244, %broadcast_in_dim3A_241, %select_n3A_237 : vector<16xi1>, vector<16xi32>
      %select_n3A_248 = arith.select %gt3A_243, %select_n3A_239, %select_n3A_247 : vector<16xi1>, vector<16xi32>
      %select_n3A_249 = arith.select %gt3A_243, %gather3A_242, %select_n3A_238 : vector<16xi1>, vector<16xf32>
      %select_n3A_250 = arith.select %gt3A_243, %broadcast_in_dim3A_241, %select_n3A_239 : vector<16xi1>, vector<16xi32>
      %broadcast_in_dim3A_251 = arith.constant 22 : i32
      %broadcast_in_dim3A_252 = vector.broadcast %broadcast_in_dim3A_251 : i32 to vector<16xi32>
      %gather3A_253 = tpu.vector_load_idx %arg5[%add3A_18, %broadcast_in_dim3A_252] : memref<256x64xf32, #tpu.memory_space<vmem>>[vector<16xi32>, vector<16xi32>], vector<16xf32>,
      %gt3A_254 = arith.cmpf ogt, %gather3A_253, %select_n3A_249 : vector<16xf32>
      %gt3A_255 = arith.cmpf ogt, %gather3A_253, %select_n3A_246 : vector<16xf32>
      %select_n3A_256 = arith.select %gt3A_255, %gather3A_253, %select_n3A_246 : vector<16xi1>, vector<16xf32>
      %select_n3A_257 = arith.select %gt3A_254, %select_n3A_249, %select_n3A_256 : vector<16xi1>, vector<16xf32>
      %select_n3A_258 = arith.select %gt3A_255, %broadcast_in_dim3A_252, %select_n3A_248 : vector<16xi1>, vector<16xi32>
      %select_n3A_259 = arith.select %gt3A_254, %select_n3A_250, %select_n3A_258 : vector<16xi1>, vector<16xi32>
      %select_n3A_260 = arith.select %gt3A_254, %gather3A_253, %select_n3A_249 : vector<16xi1>, vector<16xf32>
      %select_n3A_261 = arith.select %gt3A_254, %broadcast_in_dim3A_252, %select_n3A_250 : vector<16xi1>, vector<16xi32>
      %broadcast_in_dim3A_262 = arith.constant 23 : i32
      %broadcast_in_dim3A_263 = vector.broadcast %broadcast_in_dim3A_262 : i32 to vector<16xi32>
      %gather3A_264 = tpu.vector_load_idx %arg5[%add3A_18, %broadcast_in_dim3A_263] : memref<256x64xf32, #tpu.memory_space<vmem>>[vector<16xi32>, vector<16xi32>], vector<16xf32>,
      %gt3A_265 = arith.cmpf ogt, %gather3A_264, %select_n3A_260 : vector<16xf32>
      %gt3A_266 = arith.cmpf ogt, %gather3A_264, %select_n3A_257 : vector<16xf32>
      %select_n3A_267 = arith.select %gt3A_266, %gather3A_264, %select_n3A_257 : vector<16xi1>, vector<16xf32>
      %select_n3A_268 = arith.select %gt3A_265, %select_n3A_260, %select_n3A_267 : vector<16xi1>, vector<16xf32>
      %select_n3A_269 = arith.select %gt3A_266, %broadcast_in_dim3A_263, %select_n3A_259 : vector<16xi1>, vector<16xi32>
      %select_n3A_270 = arith.select %gt3A_265, %select_n3A_261, %select_n3A_269 : vector<16xi1>, vector<16xi32>
      %select_n3A_271 = arith.select %gt3A_265, %gather3A_264, %select_n3A_260 : vector<16xi1>, vector<16xf32>
      %select_n3A_272 = arith.select %gt3A_265, %broadcast_in_dim3A_263, %select_n3A_261 : vector<16xi1>, vector<16xi32>
      %broadcast_in_dim3A_273 = arith.constant 24 : i32
      %broadcast_in_dim3A_274 = vector.broadcast %broadcast_in_dim3A_273 : i32 to vector<16xi32>
      %gather3A_275 = tpu.vector_load_idx %arg5[%add3A_18, %broadcast_in_dim3A_274] : memref<256x64xf32, #tpu.memory_space<vmem>>[vector<16xi32>, vector<16xi32>], vector<16xf32>,
      %gt3A_276 = arith.cmpf ogt, %gather3A_275, %select_n3A_271 : vector<16xf32>
      %gt3A_277 = arith.cmpf ogt, %gather3A_275, %select_n3A_268 : vector<16xf32>
      %select_n3A_278 = arith.select %gt3A_277, %gather3A_275, %select_n3A_268 : vector<16xi1>, vector<16xf32>
      %select_n3A_279 = arith.select %gt3A_276, %select_n3A_271, %select_n3A_278 : vector<16xi1>, vector<16xf32>
      %select_n3A_280 = arith.select %gt3A_277, %broadcast_in_dim3A_274, %select_n3A_270 : vector<16xi1>, vector<16xi32>
      %select_n3A_281 = arith.select %gt3A_276, %select_n3A_272, %select_n3A_280 : vector<16xi1>, vector<16xi32>
      %select_n3A_282 = arith.select %gt3A_276, %gather3A_275, %select_n3A_271 : vector<16xi1>, vector<16xf32>
      %select_n3A_283 = arith.select %gt3A_276, %broadcast_in_dim3A_274, %select_n3A_272 : vector<16xi1>, vector<16xi32>
      %broadcast_in_dim3A_284 = arith.constant 25 : i32
      %broadcast_in_dim3A_285 = vector.broadcast %broadcast_in_dim3A_284 : i32 to vector<16xi32>
      %gather3A_286 = tpu.vector_load_idx %arg5[%add3A_18, %broadcast_in_dim3A_285] : memref<256x64xf32, #tpu.memory_space<vmem>>[vector<16xi32>, vector<16xi32>], vector<16xf32>,
      %gt3A_287 = arith.cmpf ogt, %gather3A_286, %select_n3A_282 : vector<16xf32>
      %gt3A_288 = arith.cmpf ogt, %gather3A_286, %select_n3A_279 : vector<16xf32>
      %select_n3A_289 = arith.select %gt3A_288, %gather3A_286, %select_n3A_279 : vector<16xi1>, vector<16xf32>
      %select_n3A_290 = arith.select %gt3A_287, %select_n3A_282, %select_n3A_289 : vector<16xi1>, vector<16xf32>
      %select_n3A_291 = arith.select %gt3A_288, %broadcast_in_dim3A_285, %select_n3A_281 : vector<16xi1>, vector<16xi32>
      %select_n3A_292 = arith.select %gt3A_287, %select_n3A_283, %select_n3A_291 : vector<16xi1>, vector<16xi32>
      %select_n3A_293 = arith.select %gt3A_287, %gather3A_286, %select_n3A_282 : vector<16xi1>, vector<16xf32>
      %select_n3A_294 = arith.select %gt3A_287, %broadcast_in_dim3A_285, %select_n3A_283 : vector<16xi1>, vector<16xi32>
      %broadcast_in_dim3A_295 = arith.constant 26 : i32
      %broadcast_in_dim3A_296 = vector.broadcast %broadcast_in_dim3A_295 : i32 to vector<16xi32>
      %gather3A_297 = tpu.vector_load_idx %arg5[%add3A_18, %broadcast_in_dim3A_296] : memref<256x64xf32, #tpu.memory_space<vmem>>[vector<16xi32>, vector<16xi32>], vector<16xf32>,
      %gt3A_298 = arith.cmpf ogt, %gather3A_297, %select_n3A_293 : vector<16xf32>
      %gt3A_299 = arith.cmpf ogt, %gather3A_297, %select_n3A_290 : vector<16xf32>
      %select_n3A_300 = arith.select %gt3A_299, %gather3A_297, %select_n3A_290 : vector<16xi1>, vector<16xf32>
      %select_n3A_301 = arith.select %gt3A_298, %select_n3A_293, %select_n3A_300 : vector<16xi1>, vector<16xf32>
      %select_n3A_302 = arith.select %gt3A_299, %broadcast_in_dim3A_296, %select_n3A_292 : vector<16xi1>, vector<16xi32>
      %select_n3A_303 = arith.select %gt3A_298, %select_n3A_294, %select_n3A_302 : vector<16xi1>, vector<16xi32>
      %select_n3A_304 = arith.select %gt3A_298, %gather3A_297, %select_n3A_293 : vector<16xi1>, vector<16xf32>
      %select_n3A_305 = arith.select %gt3A_298, %broadcast_in_dim3A_296, %select_n3A_294 : vector<16xi1>, vector<16xi32>
      %broadcast_in_dim3A_306 = arith.constant 27 : i32
      %broadcast_in_dim3A_307 = vector.broadcast %broadcast_in_dim3A_306 : i32 to vector<16xi32>
      %gather3A_308 = tpu.vector_load_idx %arg5[%add3A_18, %broadcast_in_dim3A_307] : memref<256x64xf32, #tpu.memory_space<vmem>>[vector<16xi32>, vector<16xi32>], vector<16xf32>,
      %gt3A_309 = arith.cmpf ogt, %gather3A_308, %select_n3A_304 : vector<16xf32>
      %gt3A_310 = arith.cmpf ogt, %gather3A_308, %select_n3A_301 : vector<16xf32>
      %select_n3A_311 = arith.select %gt3A_310, %gather3A_308, %select_n3A_301 : vector<16xi1>, vector<16xf32>
      %select_n3A_312 = arith.select %gt3A_309, %select_n3A_304, %select_n3A_311 : vector<16xi1>, vector<16xf32>
      %select_n3A_313 = arith.select %gt3A_310, %broadcast_in_dim3A_307, %select_n3A_303 : vector<16xi1>, vector<16xi32>
      %select_n3A_314 = arith.select %gt3A_309, %select_n3A_305, %select_n3A_313 : vector<16xi1>, vector<16xi32>
      %select_n3A_315 = arith.select %gt3A_309, %gather3A_308, %select_n3A_304 : vector<16xi1>, vector<16xf32>
      %select_n3A_316 = arith.select %gt3A_309, %broadcast_in_dim3A_307, %select_n3A_305 : vector<16xi1>, vector<16xi32>
      %broadcast_in_dim3A_317 = arith.constant 28 : i32
      %broadcast_in_dim3A_318 = vector.broadcast %broadcast_in_dim3A_317 : i32 to vector<16xi32>
      %gather3A_319 = tpu.vector_load_idx %arg5[%add3A_18, %broadcast_in_dim3A_318] : memref<256x64xf32, #tpu.memory_space<vmem>>[vector<16xi32>, vector<16xi32>], vector<16xf32>,
      %gt3A_320 = arith.cmpf ogt, %gather3A_319, %select_n3A_315 : vector<16xf32>
      %gt3A_321 = arith.cmpf ogt, %gather3A_319, %select_n3A_312 : vector<16xf32>
      %select_n3A_322 = arith.select %gt3A_321, %gather3A_319, %select_n3A_312 : vector<16xi1>, vector<16xf32>
      %select_n3A_323 = arith.select %gt3A_320, %select_n3A_315, %select_n3A_322 : vector<16xi1>, vector<16xf32>
      %select_n3A_324 = arith.select %gt3A_321, %broadcast_in_dim3A_318, %select_n3A_314 : vector<16xi1>, vector<16xi32>
      %select_n3A_325 = arith.select %gt3A_320, %select_n3A_316, %select_n3A_324 : vector<16xi1>, vector<16xi32>
      %select_n3A_326 = arith.select %gt3A_320, %gather3A_319, %select_n3A_315 : vector<16xi1>, vector<16xf32>
      %select_n3A_327 = arith.select %gt3A_320, %broadcast_in_dim3A_318, %select_n3A_316 : vector<16xi1>, vector<16xi32>
      %broadcast_in_dim3A_328 = arith.constant 29 : i32
      %broadcast_in_dim3A_329 = vector.broadcast %broadcast_in_dim3A_328 : i32 to vector<16xi32>
      %gather3A_330 = tpu.vector_load_idx %arg5[%add3A_18, %broadcast_in_dim3A_329] : memref<256x64xf32, #tpu.memory_space<vmem>>[vector<16xi32>, vector<16xi32>], vector<16xf32>,
      %gt3A_331 = arith.cmpf ogt, %gather3A_330, %select_n3A_326 : vector<16xf32>
      %gt3A_332 = arith.cmpf ogt, %gather3A_330, %select_n3A_323 : vector<16xf32>
      %select_n3A_333 = arith.select %gt3A_332, %gather3A_330, %select_n3A_323 : vector<16xi1>, vector<16xf32>
      %select_n3A_334 = arith.select %gt3A_331, %select_n3A_326, %select_n3A_333 : vector<16xi1>, vector<16xf32>
      %select_n3A_335 = arith.select %gt3A_332, %broadcast_in_dim3A_329, %select_n3A_325 : vector<16xi1>, vector<16xi32>
      %select_n3A_336 = arith.select %gt3A_331, %select_n3A_327, %select_n3A_335 : vector<16xi1>, vector<16xi32>
      %select_n3A_337 = arith.select %gt3A_331, %gather3A_330, %select_n3A_326 : vector<16xi1>, vector<16xf32>
      %select_n3A_338 = arith.select %gt3A_331, %broadcast_in_dim3A_329, %select_n3A_327 : vector<16xi1>, vector<16xi32>
      %broadcast_in_dim3A_339 = arith.constant 30 : i32
      %broadcast_in_dim3A_340 = vector.broadcast %broadcast_in_dim3A_339 : i32 to vector<16xi32>
      %gather3A_341 = tpu.vector_load_idx %arg5[%add3A_18, %broadcast_in_dim3A_340] : memref<256x64xf32, #tpu.memory_space<vmem>>[vector<16xi32>, vector<16xi32>], vector<16xf32>,
      %gt3A_342 = arith.cmpf ogt, %gather3A_341, %select_n3A_337 : vector<16xf32>
      %gt3A_343 = arith.cmpf ogt, %gather3A_341, %select_n3A_334 : vector<16xf32>
      %select_n3A_344 = arith.select %gt3A_343, %gather3A_341, %select_n3A_334 : vector<16xi1>, vector<16xf32>
      %select_n3A_345 = arith.select %gt3A_342, %select_n3A_337, %select_n3A_344 : vector<16xi1>, vector<16xf32>
      %select_n3A_346 = arith.select %gt3A_343, %broadcast_in_dim3A_340, %select_n3A_336 : vector<16xi1>, vector<16xi32>
      %select_n3A_347 = arith.select %gt3A_342, %select_n3A_338, %select_n3A_346 : vector<16xi1>, vector<16xi32>
      %select_n3A_348 = arith.select %gt3A_342, %gather3A_341, %select_n3A_337 : vector<16xi1>, vector<16xf32>
      %select_n3A_349 = arith.select %gt3A_342, %broadcast_in_dim3A_340, %select_n3A_338 : vector<16xi1>, vector<16xi32>
      %broadcast_in_dim3A_350 = arith.constant 31 : i32
      %broadcast_in_dim3A_351 = vector.broadcast %broadcast_in_dim3A_350 : i32 to vector<16xi32>
      %gather3A_352 = tpu.vector_load_idx %arg5[%add3A_18, %broadcast_in_dim3A_351] : memref<256x64xf32, #tpu.memory_space<vmem>>[vector<16xi32>, vector<16xi32>], vector<16xf32>,
      %gt3A_353 = arith.cmpf ogt, %gather3A_352, %select_n3A_348 : vector<16xf32>
      %gt3A_354 = arith.cmpf ogt, %gather3A_352, %select_n3A_345 : vector<16xf32>
      %select_n3A_355 = arith.select %gt3A_354, %gather3A_352, %select_n3A_345 : vector<16xi1>, vector<16xf32>
      %select_n3A_356 = arith.select %gt3A_353, %select_n3A_348, %select_n3A_355 : vector<16xi1>, vector<16xf32>
      %select_n3A_357 = arith.select %gt3A_354, %broadcast_in_dim3A_351, %select_n3A_347 : vector<16xi1>, vector<16xi32>
      %select_n3A_358 = arith.select %gt3A_353, %select_n3A_349, %select_n3A_357 : vector<16xi1>, vector<16xi32>
      %select_n3A_359 = arith.select %gt3A_353, %gather3A_352, %select_n3A_348 : vector<16xi1>, vector<16xf32>
      %select_n3A_360 = arith.select %gt3A_353, %broadcast_in_dim3A_351, %select_n3A_349 : vector<16xi1>, vector<16xi32>
      %broadcast_in_dim3A_361 = arith.constant 32 : i32
      %broadcast_in_dim3A_362 = vector.broadcast %broadcast_in_dim3A_361 : i32 to vector<16xi32>
      %gather3A_363 = tpu.vector_load_idx %arg5[%add3A_18, %broadcast_in_dim3A_362] : memref<256x64xf32, #tpu.memory_space<vmem>>[vector<16xi32>, vector<16xi32>], vector<16xf32>,
      %gt3A_364 = arith.cmpf ogt, %gather3A_363, %select_n3A_359 : vector<16xf32>
      %gt3A_365 = arith.cmpf ogt, %gather3A_363, %select_n3A_356 : vector<16xf32>
      %select_n3A_366 = arith.select %gt3A_365, %gather3A_363, %select_n3A_356 : vector<16xi1>, vector<16xf32>
      %select_n3A_367 = arith.select %gt3A_364, %select_n3A_359, %select_n3A_366 : vector<16xi1>, vector<16xf32>
      %select_n3A_368 = arith.select %gt3A_365, %broadcast_in_dim3A_362, %select_n3A_358 : vector<16xi1>, vector<16xi32>
      %select_n3A_369 = arith.select %gt3A_364, %select_n3A_360, %select_n3A_368 : vector<16xi1>, vector<16xi32>
      %select_n3A_370 = arith.select %gt3A_364, %gather3A_363, %select_n3A_359 : vector<16xi1>, vector<16xf32>
      %select_n3A_371 = arith.select %gt3A_364, %broadcast_in_dim3A_362, %select_n3A_360 : vector<16xi1>, vector<16xi32>
      %broadcast_in_dim3A_372 = arith.constant 33 : i32
      %broadcast_in_dim3A_373 = vector.broadcast %broadcast_in_dim3A_372 : i32 to vector<16xi32>
      %gather3A_374 = tpu.vector_load_idx %arg5[%add3A_18, %broadcast_in_dim3A_373] : memref<256x64xf32, #tpu.memory_space<vmem>>[vector<16xi32>, vector<16xi32>], vector<16xf32>,
      %gt3A_375 = arith.cmpf ogt, %gather3A_374, %select_n3A_370 : vector<16xf32>
      %gt3A_376 = arith.cmpf ogt, %gather3A_374, %select_n3A_367 : vector<16xf32>
      %select_n3A_377 = arith.select %gt3A_376, %gather3A_374, %select_n3A_367 : vector<16xi1>, vector<16xf32>
      %select_n3A_378 = arith.select %gt3A_375, %select_n3A_370, %select_n3A_377 : vector<16xi1>, vector<16xf32>
      %select_n3A_379 = arith.select %gt3A_376, %broadcast_in_dim3A_373, %select_n3A_369 : vector<16xi1>, vector<16xi32>
      %select_n3A_380 = arith.select %gt3A_375, %select_n3A_371, %select_n3A_379 : vector<16xi1>, vector<16xi32>
      %select_n3A_381 = arith.select %gt3A_375, %gather3A_374, %select_n3A_370 : vector<16xi1>, vector<16xf32>
      %select_n3A_382 = arith.select %gt3A_375, %broadcast_in_dim3A_373, %select_n3A_371 : vector<16xi1>, vector<16xi32>
      %broadcast_in_dim3A_383 = arith.constant 34 : i32
      %broadcast_in_dim3A_384 = vector.broadcast %broadcast_in_dim3A_383 : i32 to vector<16xi32>
      %gather3A_385 = tpu.vector_load_idx %arg5[%add3A_18, %broadcast_in_dim3A_384] : memref<256x64xf32, #tpu.memory_space<vmem>>[vector<16xi32>, vector<16xi32>], vector<16xf32>,
      %gt3A_386 = arith.cmpf ogt, %gather3A_385, %select_n3A_381 : vector<16xf32>
      %gt3A_387 = arith.cmpf ogt, %gather3A_385, %select_n3A_378 : vector<16xf32>
      %select_n3A_388 = arith.select %gt3A_387, %gather3A_385, %select_n3A_378 : vector<16xi1>, vector<16xf32>
      %select_n3A_389 = arith.select %gt3A_386, %select_n3A_381, %select_n3A_388 : vector<16xi1>, vector<16xf32>
      %select_n3A_390 = arith.select %gt3A_387, %broadcast_in_dim3A_384, %select_n3A_380 : vector<16xi1>, vector<16xi32>
      %select_n3A_391 = arith.select %gt3A_386, %select_n3A_382, %select_n3A_390 : vector<16xi1>, vector<16xi32>
      %select_n3A_392 = arith.select %gt3A_386, %gather3A_385, %select_n3A_381 : vector<16xi1>, vector<16xf32>
      %select_n3A_393 = arith.select %gt3A_386, %broadcast_in_dim3A_384, %select_n3A_382 : vector<16xi1>, vector<16xi32>
      %broadcast_in_dim3A_394 = arith.constant 35 : i32
      %broadcast_in_dim3A_395 = vector.broadcast %broadcast_in_dim3A_394 : i32 to vector<16xi32>
      %gather3A_396 = tpu.vector_load_idx %arg5[%add3A_18, %broadcast_in_dim3A_395] : memref<256x64xf32, #tpu.memory_space<vmem>>[vector<16xi32>, vector<16xi32>], vector<16xf32>,
      %gt3A_397 = arith.cmpf ogt, %gather3A_396, %select_n3A_392 : vector<16xf32>
      %gt3A_398 = arith.cmpf ogt, %gather3A_396, %select_n3A_389 : vector<16xf32>
      %select_n3A_399 = arith.select %gt3A_398, %gather3A_396, %select_n3A_389 : vector<16xi1>, vector<16xf32>
      %select_n3A_400 = arith.select %gt3A_397, %select_n3A_392, %select_n3A_399 : vector<16xi1>, vector<16xf32>
      %select_n3A_401 = arith.select %gt3A_398, %broadcast_in_dim3A_395, %select_n3A_391 : vector<16xi1>, vector<16xi32>
      %select_n3A_402 = arith.select %gt3A_397, %select_n3A_393, %select_n3A_401 : vector<16xi1>, vector<16xi32>
      %select_n3A_403 = arith.select %gt3A_397, %gather3A_396, %select_n3A_392 : vector<16xi1>, vector<16xf32>
      %select_n3A_404 = arith.select %gt3A_397, %broadcast_in_dim3A_395, %select_n3A_393 : vector<16xi1>, vector<16xi32>
      %broadcast_in_dim3A_405 = arith.constant 36 : i32
      %broadcast_in_dim3A_406 = vector.broadcast %broadcast_in_dim3A_405 : i32 to vector<16xi32>
      %gather3A_407 = tpu.vector_load_idx %arg5[%add3A_18, %broadcast_in_dim3A_406] : memref<256x64xf32, #tpu.memory_space<vmem>>[vector<16xi32>, vector<16xi32>], vector<16xf32>,
      %gt3A_408 = arith.cmpf ogt, %gather3A_407, %select_n3A_403 : vector<16xf32>
      %gt3A_409 = arith.cmpf ogt, %gather3A_407, %select_n3A_400 : vector<16xf32>
      %select_n3A_410 = arith.select %gt3A_409, %gather3A_407, %select_n3A_400 : vector<16xi1>, vector<16xf32>
      %select_n3A_411 = arith.select %gt3A_408, %select_n3A_403, %select_n3A_410 : vector<16xi1>, vector<16xf32>
      %select_n3A_412 = arith.select %gt3A_409, %broadcast_in_dim3A_406, %select_n3A_402 : vector<16xi1>, vector<16xi32>
      %select_n3A_413 = arith.select %gt3A_408, %select_n3A_404, %select_n3A_412 : vector<16xi1>, vector<16xi32>
      %select_n3A_414 = arith.select %gt3A_408, %gather3A_407, %select_n3A_403 : vector<16xi1>, vector<16xf32>
      %select_n3A_415 = arith.select %gt3A_408, %broadcast_in_dim3A_406, %select_n3A_404 : vector<16xi1>, vector<16xi32>
      %broadcast_in_dim3A_416 = arith.constant 37 : i32
      %broadcast_in_dim3A_417 = vector.broadcast %broadcast_in_dim3A_416 : i32 to vector<16xi32>
      %gather3A_418 = tpu.vector_load_idx %arg5[%add3A_18, %broadcast_in_dim3A_417] : memref<256x64xf32, #tpu.memory_space<vmem>>[vector<16xi32>, vector<16xi32>], vector<16xf32>,
      %gt3A_419 = arith.cmpf ogt, %gather3A_418, %select_n3A_414 : vector<16xf32>
      %gt3A_420 = arith.cmpf ogt, %gather3A_418, %select_n3A_411 : vector<16xf32>
      %select_n3A_421 = arith.select %gt3A_420, %gather3A_418, %select_n3A_411 : vector<16xi1>, vector<16xf32>
      %select_n3A_422 = arith.select %gt3A_419, %select_n3A_414, %select_n3A_421 : vector<16xi1>, vector<16xf32>
      %select_n3A_423 = arith.select %gt3A_420, %broadcast_in_dim3A_417, %select_n3A_413 : vector<16xi1>, vector<16xi32>
      %select_n3A_424 = arith.select %gt3A_419, %select_n3A_415, %select_n3A_423 : vector<16xi1>, vector<16xi32>
      %select_n3A_425 = arith.select %gt3A_419, %gather3A_418, %select_n3A_414 : vector<16xi1>, vector<16xf32>
      %select_n3A_426 = arith.select %gt3A_419, %broadcast_in_dim3A_417, %select_n3A_415 : vector<16xi1>, vector<16xi32>
      %broadcast_in_dim3A_427 = arith.constant 38 : i32
      %broadcast_in_dim3A_428 = vector.broadcast %broadcast_in_dim3A_427 : i32 to vector<16xi32>
      %gather3A_429 = tpu.vector_load_idx %arg5[%add3A_18, %broadcast_in_dim3A_428] : memref<256x64xf32, #tpu.memory_space<vmem>>[vector<16xi32>, vector<16xi32>], vector<16xf32>,
      %gt3A_430 = arith.cmpf ogt, %gather3A_429, %select_n3A_425 : vector<16xf32>
      %gt3A_431 = arith.cmpf ogt, %gather3A_429, %select_n3A_422 : vector<16xf32>
      %select_n3A_432 = arith.select %gt3A_431, %gather3A_429, %select_n3A_422 : vector<16xi1>, vector<16xf32>
      %select_n3A_433 = arith.select %gt3A_430, %select_n3A_425, %select_n3A_432 : vector<16xi1>, vector<16xf32>
      %select_n3A_434 = arith.select %gt3A_431, %broadcast_in_dim3A_428, %select_n3A_424 : vector<16xi1>, vector<16xi32>
      %select_n3A_435 = arith.select %gt3A_430, %select_n3A_426, %select_n3A_434 : vector<16xi1>, vector<16xi32>
      %select_n3A_436 = arith.select %gt3A_430, %gather3A_429, %select_n3A_425 : vector<16xi1>, vector<16xf32>
      %select_n3A_437 = arith.select %gt3A_430, %broadcast_in_dim3A_428, %select_n3A_426 : vector<16xi1>, vector<16xi32>
      %broadcast_in_dim3A_438 = arith.constant 39 : i32
      %broadcast_in_dim3A_439 = vector.broadcast %broadcast_in_dim3A_438 : i32 to vector<16xi32>
      %gather3A_440 = tpu.vector_load_idx %arg5[%add3A_18, %broadcast_in_dim3A_439] : memref<256x64xf32, #tpu.memory_space<vmem>>[vector<16xi32>, vector<16xi32>], vector<16xf32>,
      %gt3A_441 = arith.cmpf ogt, %gather3A_440, %select_n3A_436 : vector<16xf32>
      %gt3A_442 = arith.cmpf ogt, %gather3A_440, %select_n3A_433 : vector<16xf32>
      %select_n3A_443 = arith.select %gt3A_442, %gather3A_440, %select_n3A_433 : vector<16xi1>, vector<16xf32>
      %select_n3A_444 = arith.select %gt3A_441, %select_n3A_436, %select_n3A_443 : vector<16xi1>, vector<16xf32>
      %select_n3A_445 = arith.select %gt3A_442, %broadcast_in_dim3A_439, %select_n3A_435 : vector<16xi1>, vector<16xi32>
      %select_n3A_446 = arith.select %gt3A_441, %select_n3A_437, %select_n3A_445 : vector<16xi1>, vector<16xi32>
      %select_n3A_447 = arith.select %gt3A_441, %gather3A_440, %select_n3A_436 : vector<16xi1>, vector<16xf32>
      %select_n3A_448 = arith.select %gt3A_441, %broadcast_in_dim3A_439, %select_n3A_437 : vector<16xi1>, vector<16xi32>
      %broadcast_in_dim3A_449 = arith.constant 40 : i32
      %broadcast_in_dim3A_450 = vector.broadcast %broadcast_in_dim3A_449 : i32 to vector<16xi32>
      %gather3A_451 = tpu.vector_load_idx %arg5[%add3A_18, %broadcast_in_dim3A_450] : memref<256x64xf32, #tpu.memory_space<vmem>>[vector<16xi32>, vector<16xi32>], vector<16xf32>,
      %gt3A_452 = arith.cmpf ogt, %gather3A_451, %select_n3A_447 : vector<16xf32>
      %gt3A_453 = arith.cmpf ogt, %gather3A_451, %select_n3A_444 : vector<16xf32>
      %select_n3A_454 = arith.select %gt3A_453, %gather3A_451, %select_n3A_444 : vector<16xi1>, vector<16xf32>
      %select_n3A_455 = arith.select %gt3A_452, %select_n3A_447, %select_n3A_454 : vector<16xi1>, vector<16xf32>
      %select_n3A_456 = arith.select %gt3A_453, %broadcast_in_dim3A_450, %select_n3A_446 : vector<16xi1>, vector<16xi32>
      %select_n3A_457 = arith.select %gt3A_452, %select_n3A_448, %select_n3A_456 : vector<16xi1>, vector<16xi32>
      %select_n3A_458 = arith.select %gt3A_452, %gather3A_451, %select_n3A_447 : vector<16xi1>, vector<16xf32>
      %select_n3A_459 = arith.select %gt3A_452, %broadcast_in_dim3A_450, %select_n3A_448 : vector<16xi1>, vector<16xi32>
      %broadcast_in_dim3A_460 = arith.constant 41 : i32
      %broadcast_in_dim3A_461 = vector.broadcast %broadcast_in_dim3A_460 : i32 to vector<16xi32>
      %gather3A_462 = tpu.vector_load_idx %arg5[%add3A_18, %broadcast_in_dim3A_461] : memref<256x64xf32, #tpu.memory_space<vmem>>[vector<16xi32>, vector<16xi32>], vector<16xf32>,
      %gt3A_463 = arith.cmpf ogt, %gather3A_462, %select_n3A_458 : vector<16xf32>
      %gt3A_464 = arith.cmpf ogt, %gather3A_462, %select_n3A_455 : vector<16xf32>
      %select_n3A_465 = arith.select %gt3A_464, %gather3A_462, %select_n3A_455 : vector<16xi1>, vector<16xf32>
      %select_n3A_466 = arith.select %gt3A_463, %select_n3A_458, %select_n3A_465 : vector<16xi1>, vector<16xf32>
      %select_n3A_467 = arith.select %gt3A_464, %broadcast_in_dim3A_461, %select_n3A_457 : vector<16xi1>, vector<16xi32>
      %select_n3A_468 = arith.select %gt3A_463, %select_n3A_459, %select_n3A_467 : vector<16xi1>, vector<16xi32>
      %select_n3A_469 = arith.select %gt3A_463, %gather3A_462, %select_n3A_458 : vector<16xi1>, vector<16xf32>
      %select_n3A_470 = arith.select %gt3A_463, %broadcast_in_dim3A_461, %select_n3A_459 : vector<16xi1>, vector<16xi32>
      %broadcast_in_dim3A_471 = arith.constant 42 : i32
      %broadcast_in_dim3A_472 = vector.broadcast %broadcast_in_dim3A_471 : i32 to vector<16xi32>
      %gather3A_473 = tpu.vector_load_idx %arg5[%add3A_18, %broadcast_in_dim3A_472] : memref<256x64xf32, #tpu.memory_space<vmem>>[vector<16xi32>, vector<16xi32>], vector<16xf32>,
      %gt3A_474 = arith.cmpf ogt, %gather3A_473, %select_n3A_469 : vector<16xf32>
      %gt3A_475 = arith.cmpf ogt, %gather3A_473, %select_n3A_466 : vector<16xf32>
      %select_n3A_476 = arith.select %gt3A_475, %gather3A_473, %select_n3A_466 : vector<16xi1>, vector<16xf32>
      %select_n3A_477 = arith.select %gt3A_474, %select_n3A_469, %select_n3A_476 : vector<16xi1>, vector<16xf32>
      %select_n3A_478 = arith.select %gt3A_475, %broadcast_in_dim3A_472, %select_n3A_468 : vector<16xi1>, vector<16xi32>
      %select_n3A_479 = arith.select %gt3A_474, %select_n3A_470, %select_n3A_478 : vector<16xi1>, vector<16xi32>
      %select_n3A_480 = arith.select %gt3A_474, %gather3A_473, %select_n3A_469 : vector<16xi1>, vector<16xf32>
      %select_n3A_481 = arith.select %gt3A_474, %broadcast_in_dim3A_472, %select_n3A_470 : vector<16xi1>, vector<16xi32>
      %broadcast_in_dim3A_482 = arith.constant 43 : i32
      %broadcast_in_dim3A_483 = vector.broadcast %broadcast_in_dim3A_482 : i32 to vector<16xi32>
      %gather3A_484 = tpu.vector_load_idx %arg5[%add3A_18, %broadcast_in_dim3A_483] : memref<256x64xf32, #tpu.memory_space<vmem>>[vector<16xi32>, vector<16xi32>], vector<16xf32>,
      %gt3A_485 = arith.cmpf ogt, %gather3A_484, %select_n3A_480 : vector<16xf32>
      %gt3A_486 = arith.cmpf ogt, %gather3A_484, %select_n3A_477 : vector<16xf32>
      %select_n3A_487 = arith.select %gt3A_486, %gather3A_484, %select_n3A_477 : vector<16xi1>, vector<16xf32>
      %select_n3A_488 = arith.select %gt3A_485, %select_n3A_480, %select_n3A_487 : vector<16xi1>, vector<16xf32>
      %select_n3A_489 = arith.select %gt3A_486, %broadcast_in_dim3A_483, %select_n3A_479 : vector<16xi1>, vector<16xi32>
      %select_n3A_490 = arith.select %gt3A_485, %select_n3A_481, %select_n3A_489 : vector<16xi1>, vector<16xi32>
      %select_n3A_491 = arith.select %gt3A_485, %gather3A_484, %select_n3A_480 : vector<16xi1>, vector<16xf32>
      %select_n3A_492 = arith.select %gt3A_485, %broadcast_in_dim3A_483, %select_n3A_481 : vector<16xi1>, vector<16xi32>
      %broadcast_in_dim3A_493 = arith.constant 44 : i32
      %broadcast_in_dim3A_494 = vector.broadcast %broadcast_in_dim3A_493 : i32 to vector<16xi32>
      %gather3A_495 = tpu.vector_load_idx %arg5[%add3A_18, %broadcast_in_dim3A_494] : memref<256x64xf32, #tpu.memory_space<vmem>>[vector<16xi32>, vector<16xi32>], vector<16xf32>,
      %gt3A_496 = arith.cmpf ogt, %gather3A_495, %select_n3A_491 : vector<16xf32>
      %gt3A_497 = arith.cmpf ogt, %gather3A_495, %select_n3A_488 : vector<16xf32>
      %select_n3A_498 = arith.select %gt3A_497, %gather3A_495, %select_n3A_488 : vector<16xi1>, vector<16xf32>
      %select_n3A_499 = arith.select %gt3A_496, %select_n3A_491, %select_n3A_498 : vector<16xi1>, vector<16xf32>
      %select_n3A_500 = arith.select %gt3A_497, %broadcast_in_dim3A_494, %select_n3A_490 : vector<16xi1>, vector<16xi32>
      %select_n3A_501 = arith.select %gt3A_496, %select_n3A_492, %select_n3A_500 : vector<16xi1>, vector<16xi32>
      %select_n3A_502 = arith.select %gt3A_496, %gather3A_495, %select_n3A_491 : vector<16xi1>, vector<16xf32>
      %select_n3A_503 = arith.select %gt3A_496, %broadcast_in_dim3A_494, %select_n3A_492 : vector<16xi1>, vector<16xi32>
      %broadcast_in_dim3A_504 = arith.constant 45 : i32
      %broadcast_in_dim3A_505 = vector.broadcast %broadcast_in_dim3A_504 : i32 to vector<16xi32>
      %gather3A_506 = tpu.vector_load_idx %arg5[%add3A_18, %broadcast_in_dim3A_505] : memref<256x64xf32, #tpu.memory_space<vmem>>[vector<16xi32>, vector<16xi32>], vector<16xf32>,
      %gt3A_507 = arith.cmpf ogt, %gather3A_506, %select_n3A_502 : vector<16xf32>
      %gt3A_508 = arith.cmpf ogt, %gather3A_506, %select_n3A_499 : vector<16xf32>
      %select_n3A_509 = arith.select %gt3A_508, %gather3A_506, %select_n3A_499 : vector<16xi1>, vector<16xf32>
      %select_n3A_510 = arith.select %gt3A_507, %select_n3A_502, %select_n3A_509 : vector<16xi1>, vector<16xf32>
      %select_n3A_511 = arith.select %gt3A_508, %broadcast_in_dim3A_505, %select_n3A_501 : vector<16xi1>, vector<16xi32>
      %select_n3A_512 = arith.select %gt3A_507, %select_n3A_503, %select_n3A_511 : vector<16xi1>, vector<16xi32>
      %select_n3A_513 = arith.select %gt3A_507, %gather3A_506, %select_n3A_502 : vector<16xi1>, vector<16xf32>
      %select_n3A_514 = arith.select %gt3A_507, %broadcast_in_dim3A_505, %select_n3A_503 : vector<16xi1>, vector<16xi32>
      %broadcast_in_dim3A_515 = arith.constant 46 : i32
      %broadcast_in_dim3A_516 = vector.broadcast %broadcast_in_dim3A_515 : i32 to vector<16xi32>
      %gather3A_517 = tpu.vector_load_idx %arg5[%add3A_18, %broadcast_in_dim3A_516] : memref<256x64xf32, #tpu.memory_space<vmem>>[vector<16xi32>, vector<16xi32>], vector<16xf32>,
      %gt3A_518 = arith.cmpf ogt, %gather3A_517, %select_n3A_513 : vector<16xf32>
      %gt3A_519 = arith.cmpf ogt, %gather3A_517, %select_n3A_510 : vector<16xf32>
      %select_n3A_520 = arith.select %gt3A_519, %gather3A_517, %select_n3A_510 : vector<16xi1>, vector<16xf32>
      %select_n3A_521 = arith.select %gt3A_518, %select_n3A_513, %select_n3A_520 : vector<16xi1>, vector<16xf32>
      %select_n3A_522 = arith.select %gt3A_519, %broadcast_in_dim3A_516, %select_n3A_512 : vector<16xi1>, vector<16xi32>
      %select_n3A_523 = arith.select %gt3A_518, %select_n3A_514, %select_n3A_522 : vector<16xi1>, vector<16xi32>
      %select_n3A_524 = arith.select %gt3A_518, %gather3A_517, %select_n3A_513 : vector<16xi1>, vector<16xf32>
      %select_n3A_525 = arith.select %gt3A_518, %broadcast_in_dim3A_516, %select_n3A_514 : vector<16xi1>, vector<16xi32>
      %broadcast_in_dim3A_526 = arith.constant 47 : i32
      %broadcast_in_dim3A_527 = vector.broadcast %broadcast_in_dim3A_526 : i32 to vector<16xi32>
      %gather3A_528 = tpu.vector_load_idx %arg5[%add3A_18, %broadcast_in_dim3A_527] : memref<256x64xf32, #tpu.memory_space<vmem>>[vector<16xi32>, vector<16xi32>], vector<16xf32>,
      %gt3A_529 = arith.cmpf ogt, %gather3A_528, %select_n3A_524 : vector<16xf32>
      %gt3A_530 = arith.cmpf ogt, %gather3A_528, %select_n3A_521 : vector<16xf32>
      %select_n3A_531 = arith.select %gt3A_530, %gather3A_528, %select_n3A_521 : vector<16xi1>, vector<16xf32>
      %select_n3A_532 = arith.select %gt3A_529, %select_n3A_524, %select_n3A_531 : vector<16xi1>, vector<16xf32>
      %select_n3A_533 = arith.select %gt3A_530, %broadcast_in_dim3A_527, %select_n3A_523 : vector<16xi1>, vector<16xi32>
      %select_n3A_534 = arith.select %gt3A_529, %select_n3A_525, %select_n3A_533 : vector<16xi1>, vector<16xi32>
      %select_n3A_535 = arith.select %gt3A_529, %gather3A_528, %select_n3A_524 : vector<16xi1>, vector<16xf32>
      %select_n3A_536 = arith.select %gt3A_529, %broadcast_in_dim3A_527, %select_n3A_525 : vector<16xi1>, vector<16xi32>
      %broadcast_in_dim3A_537 = arith.constant 48 : i32
      %broadcast_in_dim3A_538 = vector.broadcast %broadcast_in_dim3A_537 : i32 to vector<16xi32>
      %gather3A_539 = tpu.vector_load_idx %arg5[%add3A_18, %broadcast_in_dim3A_538] : memref<256x64xf32, #tpu.memory_space<vmem>>[vector<16xi32>, vector<16xi32>], vector<16xf32>,
      %gt3A_540 = arith.cmpf ogt, %gather3A_539, %select_n3A_535 : vector<16xf32>
      %gt3A_541 = arith.cmpf ogt, %gather3A_539, %select_n3A_532 : vector<16xf32>
      %select_n3A_542 = arith.select %gt3A_541, %gather3A_539, %select_n3A_532 : vector<16xi1>, vector<16xf32>
      %select_n3A_543 = arith.select %gt3A_540, %select_n3A_535, %select_n3A_542 : vector<16xi1>, vector<16xf32>
      %select_n3A_544 = arith.select %gt3A_541, %broadcast_in_dim3A_538, %select_n3A_534 : vector<16xi1>, vector<16xi32>
      %select_n3A_545 = arith.select %gt3A_540, %select_n3A_536, %select_n3A_544 : vector<16xi1>, vector<16xi32>
      %select_n3A_546 = arith.select %gt3A_540, %gather3A_539, %select_n3A_535 : vector<16xi1>, vector<16xf32>
      %select_n3A_547 = arith.select %gt3A_540, %broadcast_in_dim3A_538, %select_n3A_536 : vector<16xi1>, vector<16xi32>
      %broadcast_in_dim3A_548 = arith.constant 49 : i32
      %broadcast_in_dim3A_549 = vector.broadcast %broadcast_in_dim3A_548 : i32 to vector<16xi32>
      %gather3A_550 = tpu.vector_load_idx %arg5[%add3A_18, %broadcast_in_dim3A_549] : memref<256x64xf32, #tpu.memory_space<vmem>>[vector<16xi32>, vector<16xi32>], vector<16xf32>,
      %gt3A_551 = arith.cmpf ogt, %gather3A_550, %select_n3A_546 : vector<16xf32>
      %gt3A_552 = arith.cmpf ogt, %gather3A_550, %select_n3A_543 : vector<16xf32>
      %select_n3A_553 = arith.select %gt3A_552, %gather3A_550, %select_n3A_543 : vector<16xi1>, vector<16xf32>
      %select_n3A_554 = arith.select %gt3A_551, %select_n3A_546, %select_n3A_553 : vector<16xi1>, vector<16xf32>
      %select_n3A_555 = arith.select %gt3A_552, %broadcast_in_dim3A_549, %select_n3A_545 : vector<16xi1>, vector<16xi32>
      %select_n3A_556 = arith.select %gt3A_551, %select_n3A_547, %select_n3A_555 : vector<16xi1>, vector<16xi32>
      %select_n3A_557 = arith.select %gt3A_551, %gather3A_550, %select_n3A_546 : vector<16xi1>, vector<16xf32>
      %select_n3A_558 = arith.select %gt3A_551, %broadcast_in_dim3A_549, %select_n3A_547 : vector<16xi1>, vector<16xi32>
      %broadcast_in_dim3A_559 = arith.constant 50 : i32
      %broadcast_in_dim3A_560 = vector.broadcast %broadcast_in_dim3A_559 : i32 to vector<16xi32>
      %gather3A_561 = tpu.vector_load_idx %arg5[%add3A_18, %broadcast_in_dim3A_560] : memref<256x64xf32, #tpu.memory_space<vmem>>[vector<16xi32>, vector<16xi32>], vector<16xf32>,
      %gt3A_562 = arith.cmpf ogt, %gather3A_561, %select_n3A_557 : vector<16xf32>
      %gt3A_563 = arith.cmpf ogt, %gather3A_561, %select_n3A_554 : vector<16xf32>
      %select_n3A_564 = arith.select %gt3A_563, %gather3A_561, %select_n3A_554 : vector<16xi1>, vector<16xf32>
      %select_n3A_565 = arith.select %gt3A_562, %select_n3A_557, %select_n3A_564 : vector<16xi1>, vector<16xf32>
      %select_n3A_566 = arith.select %gt3A_563, %broadcast_in_dim3A_560, %select_n3A_556 : vector<16xi1>, vector<16xi32>
      %select_n3A_567 = arith.select %gt3A_562, %select_n3A_558, %select_n3A_566 : vector<16xi1>, vector<16xi32>
      %select_n3A_568 = arith.select %gt3A_562, %gather3A_561, %select_n3A_557 : vector<16xi1>, vector<16xf32>
      %select_n3A_569 = arith.select %gt3A_562, %broadcast_in_dim3A_560, %select_n3A_558 : vector<16xi1>, vector<16xi32>
      %broadcast_in_dim3A_570 = arith.constant 51 : i32
      %broadcast_in_dim3A_571 = vector.broadcast %broadcast_in_dim3A_570 : i32 to vector<16xi32>
      %gather3A_572 = tpu.vector_load_idx %arg5[%add3A_18, %broadcast_in_dim3A_571] : memref<256x64xf32, #tpu.memory_space<vmem>>[vector<16xi32>, vector<16xi32>], vector<16xf32>,
      %gt3A_573 = arith.cmpf ogt, %gather3A_572, %select_n3A_568 : vector<16xf32>
      %gt3A_574 = arith.cmpf ogt, %gather3A_572, %select_n3A_565 : vector<16xf32>
      %select_n3A_575 = arith.select %gt3A_574, %gather3A_572, %select_n3A_565 : vector<16xi1>, vector<16xf32>
      %select_n3A_576 = arith.select %gt3A_573, %select_n3A_568, %select_n3A_575 : vector<16xi1>, vector<16xf32>
      %select_n3A_577 = arith.select %gt3A_574, %broadcast_in_dim3A_571, %select_n3A_567 : vector<16xi1>, vector<16xi32>
      %select_n3A_578 = arith.select %gt3A_573, %select_n3A_569, %select_n3A_577 : vector<16xi1>, vector<16xi32>
      %select_n3A_579 = arith.select %gt3A_573, %gather3A_572, %select_n3A_568 : vector<16xi1>, vector<16xf32>
      %select_n3A_580 = arith.select %gt3A_573, %broadcast_in_dim3A_571, %select_n3A_569 : vector<16xi1>, vector<16xi32>
      %broadcast_in_dim3A_581 = arith.constant 52 : i32
      %broadcast_in_dim3A_582 = vector.broadcast %broadcast_in_dim3A_581 : i32 to vector<16xi32>
      %gather3A_583 = tpu.vector_load_idx %arg5[%add3A_18, %broadcast_in_dim3A_582] : memref<256x64xf32, #tpu.memory_space<vmem>>[vector<16xi32>, vector<16xi32>], vector<16xf32>,
      %gt3A_584 = arith.cmpf ogt, %gather3A_583, %select_n3A_579 : vector<16xf32>
      %gt3A_585 = arith.cmpf ogt, %gather3A_583, %select_n3A_576 : vector<16xf32>
      %select_n3A_586 = arith.select %gt3A_585, %gather3A_583, %select_n3A_576 : vector<16xi1>, vector<16xf32>
      %select_n3A_587 = arith.select %gt3A_584, %select_n3A_579, %select_n3A_586 : vector<16xi1>, vector<16xf32>
      %select_n3A_588 = arith.select %gt3A_585, %broadcast_in_dim3A_582, %select_n3A_578 : vector<16xi1>, vector<16xi32>
      %select_n3A_589 = arith.select %gt3A_584, %select_n3A_580, %select_n3A_588 : vector<16xi1>, vector<16xi32>
      %select_n3A_590 = arith.select %gt3A_584, %gather3A_583, %select_n3A_579 : vector<16xi1>, vector<16xf32>
      %select_n3A_591 = arith.select %gt3A_584, %broadcast_in_dim3A_582, %select_n3A_580 : vector<16xi1>, vector<16xi32>
      %broadcast_in_dim3A_592 = arith.constant 53 : i32
      %broadcast_in_dim3A_593 = vector.broadcast %broadcast_in_dim3A_592 : i32 to vector<16xi32>
      %gather3A_594 = tpu.vector_load_idx %arg5[%add3A_18, %broadcast_in_dim3A_593] : memref<256x64xf32, #tpu.memory_space<vmem>>[vector<16xi32>, vector<16xi32>], vector<16xf32>,
      %gt3A_595 = arith.cmpf ogt, %gather3A_594, %select_n3A_590 : vector<16xf32>
      %gt3A_596 = arith.cmpf ogt, %gather3A_594, %select_n3A_587 : vector<16xf32>
      %select_n3A_597 = arith.select %gt3A_596, %gather3A_594, %select_n3A_587 : vector<16xi1>, vector<16xf32>
      %select_n3A_598 = arith.select %gt3A_595, %select_n3A_590, %select_n3A_597 : vector<16xi1>, vector<16xf32>
      %select_n3A_599 = arith.select %gt3A_596, %broadcast_in_dim3A_593, %select_n3A_589 : vector<16xi1>, vector<16xi32>
      %select_n3A_600 = arith.select %gt3A_595, %select_n3A_591, %select_n3A_599 : vector<16xi1>, vector<16xi32>
      %select_n3A_601 = arith.select %gt3A_595, %gather3A_594, %select_n3A_590 : vector<16xi1>, vector<16xf32>
      %select_n3A_602 = arith.select %gt3A_595, %broadcast_in_dim3A_593, %select_n3A_591 : vector<16xi1>, vector<16xi32>
      %broadcast_in_dim3A_603 = arith.constant 54 : i32
      %broadcast_in_dim3A_604 = vector.broadcast %broadcast_in_dim3A_603 : i32 to vector<16xi32>
      %gather3A_605 = tpu.vector_load_idx %arg5[%add3A_18, %broadcast_in_dim3A_604] : memref<256x64xf32, #tpu.memory_space<vmem>>[vector<16xi32>, vector<16xi32>], vector<16xf32>,
      %gt3A_606 = arith.cmpf ogt, %gather3A_605, %select_n3A_601 : vector<16xf32>
      %gt3A_607 = arith.cmpf ogt, %gather3A_605, %select_n3A_598 : vector<16xf32>
      %select_n3A_608 = arith.select %gt3A_607, %gather3A_605, %select_n3A_598 : vector<16xi1>, vector<16xf32>
      %select_n3A_609 = arith.select %gt3A_606, %select_n3A_601, %select_n3A_608 : vector<16xi1>, vector<16xf32>
      %select_n3A_610 = arith.select %gt3A_607, %broadcast_in_dim3A_604, %select_n3A_600 : vector<16xi1>, vector<16xi32>
      %select_n3A_611 = arith.select %gt3A_606, %select_n3A_602, %select_n3A_610 : vector<16xi1>, vector<16xi32>
      %select_n3A_612 = arith.select %gt3A_606, %gather3A_605, %select_n3A_601 : vector<16xi1>, vector<16xf32>
      %select_n3A_613 = arith.select %gt3A_606, %broadcast_in_dim3A_604, %select_n3A_602 : vector<16xi1>, vector<16xi32>
      %broadcast_in_dim3A_614 = arith.constant 55 : i32
      %broadcast_in_dim3A_615 = vector.broadcast %broadcast_in_dim3A_614 : i32 to vector<16xi32>
      %gather3A_616 = tpu.vector_load_idx %arg5[%add3A_18, %broadcast_in_dim3A_615] : memref<256x64xf32, #tpu.memory_space<vmem>>[vector<16xi32>, vector<16xi32>], vector<16xf32>,
      %gt3A_617 = arith.cmpf ogt, %gather3A_616, %select_n3A_612 : vector<16xf32>
      %gt3A_618 = arith.cmpf ogt, %gather3A_616, %select_n3A_609 : vector<16xf32>
      %select_n3A_619 = arith.select %gt3A_618, %gather3A_616, %select_n3A_609 : vector<16xi1>, vector<16xf32>
      %select_n3A_620 = arith.select %gt3A_617, %select_n3A_612, %select_n3A_619 : vector<16xi1>, vector<16xf32>
      %select_n3A_621 = arith.select %gt3A_618, %broadcast_in_dim3A_615, %select_n3A_611 : vector<16xi1>, vector<16xi32>
      %select_n3A_622 = arith.select %gt3A_617, %select_n3A_613, %select_n3A_621 : vector<16xi1>, vector<16xi32>
      %select_n3A_623 = arith.select %gt3A_617, %gather3A_616, %select_n3A_612 : vector<16xi1>, vector<16xf32>
      %select_n3A_624 = arith.select %gt3A_617, %broadcast_in_dim3A_615, %select_n3A_613 : vector<16xi1>, vector<16xi32>
      %broadcast_in_dim3A_625 = arith.constant 56 : i32
      %broadcast_in_dim3A_626 = vector.broadcast %broadcast_in_dim3A_625 : i32 to vector<16xi32>
      %gather3A_627 = tpu.vector_load_idx %arg5[%add3A_18, %broadcast_in_dim3A_626] : memref<256x64xf32, #tpu.memory_space<vmem>>[vector<16xi32>, vector<16xi32>], vector<16xf32>,
      %gt3A_628 = arith.cmpf ogt, %gather3A_627, %select_n3A_623 : vector<16xf32>
      %gt3A_629 = arith.cmpf ogt, %gather3A_627, %select_n3A_620 : vector<16xf32>
      %select_n3A_630 = arith.select %gt3A_629, %gather3A_627, %select_n3A_620 : vector<16xi1>, vector<16xf32>
      %select_n3A_631 = arith.select %gt3A_628, %select_n3A_623, %select_n3A_630 : vector<16xi1>, vector<16xf32>
      %select_n3A_632 = arith.select %gt3A_629, %broadcast_in_dim3A_626, %select_n3A_622 : vector<16xi1>, vector<16xi32>
      %select_n3A_633 = arith.select %gt3A_628, %select_n3A_624, %select_n3A_632 : vector<16xi1>, vector<16xi32>
      %select_n3A_634 = arith.select %gt3A_628, %gather3A_627, %select_n3A_623 : vector<16xi1>, vector<16xf32>
      %select_n3A_635 = arith.select %gt3A_628, %broadcast_in_dim3A_626, %select_n3A_624 : vector<16xi1>, vector<16xi32>
      %broadcast_in_dim3A_636 = arith.constant 57 : i32
      %broadcast_in_dim3A_637 = vector.broadcast %broadcast_in_dim3A_636 : i32 to vector<16xi32>
      %gather3A_638 = tpu.vector_load_idx %arg5[%add3A_18, %broadcast_in_dim3A_637] : memref<256x64xf32, #tpu.memory_space<vmem>>[vector<16xi32>, vector<16xi32>], vector<16xf32>,
      %gt3A_639 = arith.cmpf ogt, %gather3A_638, %select_n3A_634 : vector<16xf32>
      %gt3A_640 = arith.cmpf ogt, %gather3A_638, %select_n3A_631 : vector<16xf32>
      %select_n3A_641 = arith.select %gt3A_640, %gather3A_638, %select_n3A_631 : vector<16xi1>, vector<16xf32>
      %select_n3A_642 = arith.select %gt3A_639, %select_n3A_634, %select_n3A_641 : vector<16xi1>, vector<16xf32>
      %select_n3A_643 = arith.select %gt3A_640, %broadcast_in_dim3A_637, %select_n3A_633 : vector<16xi1>, vector<16xi32>
      %select_n3A_644 = arith.select %gt3A_639, %select_n3A_635, %select_n3A_643 : vector<16xi1>, vector<16xi32>
      %select_n3A_645 = arith.select %gt3A_639, %gather3A_638, %select_n3A_634 : vector<16xi1>, vector<16xf32>
      %select_n3A_646 = arith.select %gt3A_639, %broadcast_in_dim3A_637, %select_n3A_635 : vector<16xi1>, vector<16xi32>
      %broadcast_in_dim3A_647 = arith.constant 58 : i32
      %broadcast_in_dim3A_648 = vector.broadcast %broadcast_in_dim3A_647 : i32 to vector<16xi32>
      %gather3A_649 = tpu.vector_load_idx %arg5[%add3A_18, %broadcast_in_dim3A_648] : memref<256x64xf32, #tpu.memory_space<vmem>>[vector<16xi32>, vector<16xi32>], vector<16xf32>,
      %gt3A_650 = arith.cmpf ogt, %gather3A_649, %select_n3A_645 : vector<16xf32>
      %gt3A_651 = arith.cmpf ogt, %gather3A_649, %select_n3A_642 : vector<16xf32>
      %select_n3A_652 = arith.select %gt3A_651, %gather3A_649, %select_n3A_642 : vector<16xi1>, vector<16xf32>
      %select_n3A_653 = arith.select %gt3A_650, %select_n3A_645, %select_n3A_652 : vector<16xi1>, vector<16xf32>
      %select_n3A_654 = arith.select %gt3A_651, %broadcast_in_dim3A_648, %select_n3A_644 : vector<16xi1>, vector<16xi32>
      %select_n3A_655 = arith.select %gt3A_650, %select_n3A_646, %select_n3A_654 : vector<16xi1>, vector<16xi32>
      %select_n3A_656 = arith.select %gt3A_650, %gather3A_649, %select_n3A_645 : vector<16xi1>, vector<16xf32>
      %select_n3A_657 = arith.select %gt3A_650, %broadcast_in_dim3A_648, %select_n3A_646 : vector<16xi1>, vector<16xi32>
      %broadcast_in_dim3A_658 = arith.constant 59 : i32
      %broadcast_in_dim3A_659 = vector.broadcast %broadcast_in_dim3A_658 : i32 to vector<16xi32>
      %gather3A_660 = tpu.vector_load_idx %arg5[%add3A_18, %broadcast_in_dim3A_659] : memref<256x64xf32, #tpu.memory_space<vmem>>[vector<16xi32>, vector<16xi32>], vector<16xf32>,
      %gt3A_661 = arith.cmpf ogt, %gather3A_660, %select_n3A_656 : vector<16xf32>
      %gt3A_662 = arith.cmpf ogt, %gather3A_660, %select_n3A_653 : vector<16xf32>
      %select_n3A_663 = arith.select %gt3A_662, %gather3A_660, %select_n3A_653 : vector<16xi1>, vector<16xf32>
      %select_n3A_664 = arith.select %gt3A_661, %select_n3A_656, %select_n3A_663 : vector<16xi1>, vector<16xf32>
      %select_n3A_665 = arith.select %gt3A_662, %broadcast_in_dim3A_659, %select_n3A_655 : vector<16xi1>, vector<16xi32>
      %select_n3A_666 = arith.select %gt3A_661, %select_n3A_657, %select_n3A_665 : vector<16xi1>, vector<16xi32>
      %select_n3A_667 = arith.select %gt3A_661, %gather3A_660, %select_n3A_656 : vector<16xi1>, vector<16xf32>
      %select_n3A_668 = arith.select %gt3A_661, %broadcast_in_dim3A_659, %select_n3A_657 : vector<16xi1>, vector<16xi32>
      %broadcast_in_dim3A_669 = arith.constant 60 : i32
      %broadcast_in_dim3A_670 = vector.broadcast %broadcast_in_dim3A_669 : i32 to vector<16xi32>
      %gather3A_671 = tpu.vector_load_idx %arg5[%add3A_18, %broadcast_in_dim3A_670] : memref<256x64xf32, #tpu.memory_space<vmem>>[vector<16xi32>, vector<16xi32>], vector<16xf32>,
      %gt3A_672 = arith.cmpf ogt, %gather3A_671, %select_n3A_667 : vector<16xf32>
      %gt3A_673 = arith.cmpf ogt, %gather3A_671, %select_n3A_664 : vector<16xf32>
      %select_n3A_674 = arith.select %gt3A_673, %gather3A_671, %select_n3A_664 : vector<16xi1>, vector<16xf32>
      %select_n3A_675 = arith.select %gt3A_672, %select_n3A_667, %select_n3A_674 : vector<16xi1>, vector<16xf32>
      %select_n3A_676 = arith.select %gt3A_673, %broadcast_in_dim3A_670, %select_n3A_666 : vector<16xi1>, vector<16xi32>
      %select_n3A_677 = arith.select %gt3A_672, %select_n3A_668, %select_n3A_676 : vector<16xi1>, vector<16xi32>
      %select_n3A_678 = arith.select %gt3A_672, %gather3A_671, %select_n3A_667 : vector<16xi1>, vector<16xf32>
      %select_n3A_679 = arith.select %gt3A_672, %broadcast_in_dim3A_670, %select_n3A_668 : vector<16xi1>, vector<16xi32>
      %broadcast_in_dim3A_680 = arith.constant 61 : i32
      %broadcast_in_dim3A_681 = vector.broadcast %broadcast_in_dim3A_680 : i32 to vector<16xi32>
      %gather3A_682 = tpu.vector_load_idx %arg5[%add3A_18, %broadcast_in_dim3A_681] : memref<256x64xf32, #tpu.memory_space<vmem>>[vector<16xi32>, vector<16xi32>], vector<16xf32>,
      %gt3A_683 = arith.cmpf ogt, %gather3A_682, %select_n3A_678 : vector<16xf32>
      %gt3A_684 = arith.cmpf ogt, %gather3A_682, %select_n3A_675 : vector<16xf32>
      %select_n3A_685 = arith.select %gt3A_684, %gather3A_682, %select_n3A_675 : vector<16xi1>, vector<16xf32>
      %select_n3A_686 = arith.select %gt3A_683, %select_n3A_678, %select_n3A_685 : vector<16xi1>, vector<16xf32>
      %select_n3A_687 = arith.select %gt3A_684, %broadcast_in_dim3A_681, %select_n3A_677 : vector<16xi1>, vector<16xi32>
      %select_n3A_688 = arith.select %gt3A_683, %select_n3A_679, %select_n3A_687 : vector<16xi1>, vector<16xi32>
      %select_n3A_689 = arith.select %gt3A_683, %gather3A_682, %select_n3A_678 : vector<16xi1>, vector<16xf32>
      %select_n3A_690 = arith.select %gt3A_683, %broadcast_in_dim3A_681, %select_n3A_679 : vector<16xi1>, vector<16xi32>
      %broadcast_in_dim3A_691 = arith.constant 62 : i32
      %broadcast_in_dim3A_692 = vector.broadcast %broadcast_in_dim3A_691 : i32 to vector<16xi32>
      %gather3A_693 = tpu.vector_load_idx %arg5[%add3A_18, %broadcast_in_dim3A_692] : memref<256x64xf32, #tpu.memory_space<vmem>>[vector<16xi32>, vector<16xi32>], vector<16xf32>,
      %gt3A_694 = arith.cmpf ogt, %gather3A_693, %select_n3A_689 : vector<16xf32>
      %gt3A_695 = arith.cmpf ogt, %gather3A_693, %select_n3A_686 : vector<16xf32>
      %select_n3A_696 = arith.select %gt3A_695, %gather3A_693, %select_n3A_686 : vector<16xi1>, vector<16xf32>
      %select_n3A_697 = arith.select %gt3A_694, %select_n3A_689, %select_n3A_696 : vector<16xi1>, vector<16xf32>
      %select_n3A_698 = arith.select %gt3A_695, %broadcast_in_dim3A_692, %select_n3A_688 : vector<16xi1>, vector<16xi32>
      %select_n3A_699 = arith.select %gt3A_694, %select_n3A_690, %select_n3A_698 : vector<16xi1>, vector<16xi32>
      %select_n3A_700 = arith.select %gt3A_694, %gather3A_693, %select_n3A_689 : vector<16xi1>, vector<16xf32>
      %select_n3A_701 = arith.select %gt3A_694, %broadcast_in_dim3A_692, %select_n3A_690 : vector<16xi1>, vector<16xi32>
      %broadcast_in_dim3A_702 = arith.constant 63 : i32
      %broadcast_in_dim3A_703 = vector.broadcast %broadcast_in_dim3A_702 : i32 to vector<16xi32>
      %gather3A_704 = tpu.vector_load_idx %arg5[%add3A_18, %broadcast_in_dim3A_703] : memref<256x64xf32, #tpu.memory_space<vmem>>[vector<16xi32>, vector<16xi32>], vector<16xf32>,
      %gt3A_705 = arith.cmpf ogt, %gather3A_704, %select_n3A_700 : vector<16xf32>
      %gt3A_706 = arith.cmpf ogt, %gather3A_704, %select_n3A_697 : vector<16xf32>
      %select_n3A_707 = arith.select %gt3A_706, %gather3A_704, %select_n3A_697 : vector<16xi1>, vector<16xf32>
      %select_n3A_708 = arith.select %gt3A_705, %select_n3A_700, %select_n3A_707 : vector<16xi1>, vector<16xf32>
      %select_n3A_709 = arith.select %gt3A_706, %broadcast_in_dim3A_703, %select_n3A_699 : vector<16xi1>, vector<16xi32>
      %select_n3A_710 = arith.select %gt3A_705, %select_n3A_701, %select_n3A_709 : vector<16xi1>, vector<16xi32>
      %select_n3A_711 = arith.select %gt3A_705, %gather3A_704, %select_n3A_700 : vector<16xi1>, vector<16xf32>
      %select_n3A_712 = arith.select %gt3A_705, %broadcast_in_dim3A_703, %select_n3A_701 : vector<16xi1>, vector<16xi32>
      %sub3A = arith.subf %select_n3A_708, %select_n3A_711 : vector<16xf32>
      %exp3A = math.exp %sub3A : vector<16xf32>
      %add3A_713 = arith.constant 1.000000e+00 : f32
      %add3A_714 = vector.broadcast %add3A_713 : f32 to vector<16xf32>
      %add3A_715 = arith.addf %add3A_714, %exp3A : vector<16xf32>
      %broadcast_in_dim3A_716 = arith.constant 1 : i32
      %broadcast_in_dim3A_717 = vector.broadcast %broadcast_in_dim3A_716 : i32 to vector<16xi32>
      %div3A = arith.constant 1.000000e+00 : f32
      %div3A_718 = vector.broadcast %div3A : f32 to vector<16xf32>
      %div3A_719 = arith.divf %div3A_718, %add3A_715 : vector<16xf32>
      tpu.vector_store_idx %arg6[%add3A_18, %broadcast_in_dim3A_19], %div3A_719 : memref<256x2xf32, #tpu.memory_space<vmem>>[vector<16xi32>, vector<16xi32>], vector<16xf32>,
      %div3A_720 = arith.divf %exp3A, %add3A_715 : vector<16xf32>
      tpu.vector_store_idx %arg6[%add3A_18, %broadcast_in_dim3A_717], %div3A_720 : memref<256x2xf32, #tpu.memory_space<vmem>>[vector<16xi32>, vector<16xi32>], vector<16xf32>,
      tpu.vector_store_idx %arg7[%add3A_18, %broadcast_in_dim3A_19], %select_n3A_712 : memref<256x2xi32, #tpu.memory_space<vmem>>[vector<16xi32>, vector<16xi32>], vector<16xi32>,
      tpu.vector_store_idx %arg7[%add3A_18, %broadcast_in_dim3A_717], %select_n3A_710 : memref<256x2xi32, #tpu.memory_space<vmem>>[vector<16xi32>, vector<16xi32>], vector<16xi32>,
    }
    %scan3A_13 = arith.constant 16 : i32
    "tpu.region"() ({
      %run_scoped3A = tpu.sem_alloc : memref<!tpu.dma_semaphore, #tpu.memory_space<semaphore_mem>>
      %dma_start3A_14 = arith.constant 0 : i32
      %dma_start3A_15 = tpu.memref_slice %arg3[%mul3A_2, %dma_start3A_14] : memref<8192x2xf32, #tpu.memory_space<hbm>> -> memref<256x2xf32, #tpu.memory_space<hbm>>
      %dma_start3A_16 = arith.constant 0 : i32
      %dma_start3A_17 = tpu.memref_slice %arg3[%mul3A_2, %dma_start3A_16] : memref<8192x2xf32, #tpu.memory_space<hbm>> -> memref<256x2xf32, #tpu.memory_space<hbm>>
      tpu.enqueue_dma source(%arg6 : memref<256x2xf32, #tpu.memory_space<vmem>>) target(%dma_start3A_17 : memref<256x2xf32, #tpu.memory_space<hbm>>) target_semaphore(%run_scoped3A : memref<!tpu.dma_semaphore, #tpu.memory_space<semaphore_mem>>)
      %dma_wait3A_18 = arith.constant 0 : i32
      %dma_wait3A_19 = tpu.memref_slice %arg3[%mul3A_2, %dma_wait3A_18] : memref<8192x2xf32, #tpu.memory_space<hbm>> -> memref<256x2xf32, #tpu.memory_space<hbm>>
      %dma_wait3A_20 = arith.constant 0 : i32
      %dma_wait3A_21 = tpu.memref_slice %arg3[%mul3A_2, %dma_wait3A_20] : memref<8192x2xf32, #tpu.memory_space<hbm>> -> memref<256x2xf32, #tpu.memory_space<hbm>>
      tpu.wait_dma2 semaphore(%run_scoped3A : memref<!tpu.dma_semaphore, #tpu.memory_space<semaphore_mem>>) src(%arg6 : memref<256x2xf32, #tpu.memory_space<vmem>>) dst(%dma_wait3A_21 : memref<256x2xf32, #tpu.memory_space<hbm>>)
      tpu.yield
    }) : () -> ()
    "tpu.region"() ({
      %run_scoped3A = tpu.sem_alloc : memref<!tpu.dma_semaphore, #tpu.memory_space<semaphore_mem>>
      %dma_start3A_14 = arith.constant 0 : i32
      %dma_start3A_15 = tpu.memref_slice %arg4[%mul3A_2, %dma_start3A_14] : memref<8192x2xi32, #tpu.memory_space<hbm>> -> memref<256x2xi32, #tpu.memory_space<hbm>>
      %dma_start3A_16 = arith.constant 0 : i32
      %dma_start3A_17 = tpu.memref_slice %arg4[%mul3A_2, %dma_start3A_16] : memref<8192x2xi32, #tpu.memory_space<hbm>> -> memref<256x2xi32, #tpu.memory_space<hbm>>
      tpu.enqueue_dma source(%arg7 : memref<256x2xi32, #tpu.memory_space<vmem>>) target(%dma_start3A_17 : memref<256x2xi32, #tpu.memory_space<hbm>>) target_semaphore(%run_scoped3A : memref<!tpu.dma_semaphore, #tpu.memory_space<semaphore_mem>>)
      %dma_wait3A_18 = arith.constant 0 : i32
      %dma_wait3A_19 = tpu.memref_slice %arg4[%mul3A_2, %dma_wait3A_18] : memref<8192x2xi32, #tpu.memory_space<hbm>> -> memref<256x2xi32, #tpu.memory_space<hbm>>
      %dma_wait3A_20 = arith.constant 0 : i32
      %dma_wait3A_21 = tpu.memref_slice %arg4[%mul3A_2, %dma_wait3A_20] : memref<8192x2xi32, #tpu.memory_space<hbm>> -> memref<256x2xi32, #tpu.memory_space<hbm>>
      tpu.wait_dma2 semaphore(%run_scoped3A : memref<!tpu.dma_semaphore, #tpu.memory_space<semaphore_mem>>) src(%arg7 : memref<256x2xi32, #tpu.memory_space<vmem>>) dst(%dma_wait3A_21 : memref<256x2xi32, #tpu.memory_space<hbm>>)
      tpu.yield
    }) : () -> ()
    return
  }
}

module attributes {stable_mosaic.version = 14 : i64} {
  func.func @_matmul_kernel(%arg0: i32, %arg1: memref<8192x2048xf32, #tpu.memory_space<hbm>>, %arg2: memref<64x2048xf32, #tpu.memory_space<vmem>>, %arg3: memref<512x64xf32, #tpu.memory_space<vmem>>, %arg4: memref<4x512x2048xf32, #tpu.memory_space<vmem>>, %arg5: memref<4x!tpu.dma_semaphore, #tpu.memory_space<semaphore_mem>>) attributes {dimension_semantics = [#tpu.dimension_semantics<arbitrary>], iteration_bounds = array<i64: 16>, scalar_prefetch = 0 : i64, scratch_operands = 2 : i64, tpu.core_type = #tpu.core_type<tc>, window_params = [{}, {pipeline_mode = #tpu.pipeline_mode<synchronous>, transform_indices = @transform_1, window_bounds = array<i64: 64, 2048>}, {transform_indices = @transform_2, window_bounds = array<i64: 512, 64>}]} {
    %eq3A = arith.constant 0 : i32
    %eq3A_0 = arith.cmpi eq, %arg0, %eq3A : i32
    %convert_element_type3A = arith.extui %eq3A_0 : i1 to i32
    %cond3A = arith.constant 0 : i32
    %cond3A_1 = arith.cmpi ne, %convert_element_type3A, %cond3A : i32
    scf.if %cond3A_1 {
      %dma_start3A = arith.constant 0 : i32
      %dma_start3A_26 = arith.constant 0 : i32
      %dma_start3A_27 = tpu.memref_slice %arg5[%dma_start3A_26] : memref<4x!tpu.dma_semaphore, #tpu.memory_space<semaphore_mem>> -> memref<1x!tpu.dma_semaphore, #tpu.memory_space<semaphore_mem>>
      %dma_start3A_28 = tpu.memref_squeeze %dma_start3A_27 : memref<1x!tpu.dma_semaphore, #tpu.memory_space<semaphore_mem>> -> memref<!tpu.dma_semaphore, #tpu.memory_space<semaphore_mem>>
      %dma_start3A_29 = arith.constant 0 : i32
      %dma_start3A_30 = arith.constant 0 : i32
      %dma_start3A_31 = tpu.memref_slice %arg4[%dma_start3A, %dma_start3A_29, %dma_start3A_30] : memref<4x512x2048xf32, #tpu.memory_space<vmem>> -> memref<1x512x2048xf32, #tpu.memory_space<vmem>>
      %dma_start3A_32 = tpu.memref_squeeze %dma_start3A_31 : memref<1x512x2048xf32, #tpu.memory_space<vmem>> -> memref<512x2048xf32, #tpu.memory_space<vmem>>
      %dma_start3A_33 = arith.constant 0 : i32
      %dma_start3A_34 = arith.constant 0 : i32
      %dma_start3A_35 = tpu.memref_slice %arg1[%dma_start3A_33, %dma_start3A_34] : memref<8192x2048xf32, #tpu.memory_space<hbm>> -> memref<512x2048xf32, #tpu.memory_space<hbm>>
      tpu.enqueue_dma source(%dma_start3A_35 : memref<512x2048xf32, #tpu.memory_space<hbm>>) target(%dma_start3A_32 : memref<512x2048xf32, #tpu.memory_space<vmem>>) target_semaphore(%dma_start3A_28 : memref<!tpu.dma_semaphore, #tpu.memory_space<semaphore_mem>>)
      %dma_start3A_36 = arith.constant 1 : i32
      %dma_start3A_37 = arith.constant 1 : i32
      %dma_start3A_38 = tpu.memref_slice %arg5[%dma_start3A_37] : memref<4x!tpu.dma_semaphore, #tpu.memory_space<semaphore_mem>> -> memref<1x!tpu.dma_semaphore, #tpu.memory_space<semaphore_mem>>
      %dma_start3A_39 = tpu.memref_squeeze %dma_start3A_38 : memref<1x!tpu.dma_semaphore, #tpu.memory_space<semaphore_mem>> -> memref<!tpu.dma_semaphore, #tpu.memory_space<semaphore_mem>>
      %dma_start3A_40 = arith.constant 0 : i32
      %dma_start3A_41 = arith.constant 0 : i32
      %dma_start3A_42 = tpu.memref_slice %arg4[%dma_start3A_36, %dma_start3A_40, %dma_start3A_41] : memref<4x512x2048xf32, #tpu.memory_space<vmem>> -> memref<1x512x2048xf32, #tpu.memory_space<vmem>>
      %dma_start3A_43 = tpu.memref_squeeze %dma_start3A_42 : memref<1x512x2048xf32, #tpu.memory_space<vmem>> -> memref<512x2048xf32, #tpu.memory_space<vmem>>
      %dma_start3A_44 = arith.constant 512 : i32
      %dma_start3A_45 = arith.constant 0 : i32
      %dma_start3A_46 = tpu.memref_slice %arg1[%dma_start3A_44, %dma_start3A_45] : memref<8192x2048xf32, #tpu.memory_space<hbm>> -> memref<512x2048xf32, #tpu.memory_space<hbm>>
      tpu.enqueue_dma source(%dma_start3A_46 : memref<512x2048xf32, #tpu.memory_space<hbm>>) target(%dma_start3A_43 : memref<512x2048xf32, #tpu.memory_space<vmem>>) target_semaphore(%dma_start3A_39 : memref<!tpu.dma_semaphore, #tpu.memory_space<semaphore_mem>>)
      %dma_start3A_47 = arith.constant 2 : i32
      %dma_start3A_48 = arith.constant 2 : i32
      %dma_start3A_49 = tpu.memref_slice %arg5[%dma_start3A_48] : memref<4x!tpu.dma_semaphore, #tpu.memory_space<semaphore_mem>> -> memref<1x!tpu.dma_semaphore, #tpu.memory_space<semaphore_mem>>
      %dma_start3A_50 = tpu.memref_squeeze %dma_start3A_49 : memref<1x!tpu.dma_semaphore, #tpu.memory_space<semaphore_mem>> -> memref<!tpu.dma_semaphore, #tpu.memory_space<semaphore_mem>>
      %dma_start3A_51 = arith.constant 0 : i32
      %dma_start3A_52 = arith.constant 0 : i32
      %dma_start3A_53 = tpu.memref_slice %arg4[%dma_start3A_47, %dma_start3A_51, %dma_start3A_52] : memref<4x512x2048xf32, #tpu.memory_space<vmem>> -> memref<1x512x2048xf32, #tpu.memory_space<vmem>>
      %dma_start3A_54 = tpu.memref_squeeze %dma_start3A_53 : memref<1x512x2048xf32, #tpu.memory_space<vmem>> -> memref<512x2048xf32, #tpu.memory_space<vmem>>
      %dma_start3A_55 = arith.constant 1024 : i32
      %dma_start3A_56 = arith.constant 0 : i32
      %dma_start3A_57 = tpu.memref_slice %arg1[%dma_start3A_55, %dma_start3A_56] : memref<8192x2048xf32, #tpu.memory_space<hbm>> -> memref<512x2048xf32, #tpu.memory_space<hbm>>
      tpu.enqueue_dma source(%dma_start3A_57 : memref<512x2048xf32, #tpu.memory_space<hbm>>) target(%dma_start3A_54 : memref<512x2048xf32, #tpu.memory_space<vmem>>) target_semaphore(%dma_start3A_50 : memref<!tpu.dma_semaphore, #tpu.memory_space<semaphore_mem>>)
      %dma_start3A_58 = arith.constant 3 : i32
      %dma_start3A_59 = arith.constant 3 : i32
      %dma_start3A_60 = tpu.memref_slice %arg5[%dma_start3A_59] : memref<4x!tpu.dma_semaphore, #tpu.memory_space<semaphore_mem>> -> memref<1x!tpu.dma_semaphore, #tpu.memory_space<semaphore_mem>>
      %dma_start3A_61 = tpu.memref_squeeze %dma_start3A_60 : memref<1x!tpu.dma_semaphore, #tpu.memory_space<semaphore_mem>> -> memref<!tpu.dma_semaphore, #tpu.memory_space<semaphore_mem>>
      %dma_start3A_62 = arith.constant 0 : i32
      %dma_start3A_63 = arith.constant 0 : i32
      %dma_start3A_64 = tpu.memref_slice %arg4[%dma_start3A_58, %dma_start3A_62, %dma_start3A_63] : memref<4x512x2048xf32, #tpu.memory_space<vmem>> -> memref<1x512x2048xf32, #tpu.memory_space<vmem>>
      %dma_start3A_65 = tpu.memref_squeeze %dma_start3A_64 : memref<1x512x2048xf32, #tpu.memory_space<vmem>> -> memref<512x2048xf32, #tpu.memory_space<vmem>>
      %dma_start3A_66 = arith.constant 1536 : i32
      %dma_start3A_67 = arith.constant 0 : i32
      %dma_start3A_68 = tpu.memref_slice %arg1[%dma_start3A_66, %dma_start3A_67] : memref<8192x2048xf32, #tpu.memory_space<hbm>> -> memref<512x2048xf32, #tpu.memory_space<hbm>>
      tpu.enqueue_dma source(%dma_start3A_68 : memref<512x2048xf32, #tpu.memory_space<hbm>>) target(%dma_start3A_65 : memref<512x2048xf32, #tpu.memory_space<vmem>>) target_semaphore(%dma_start3A_61 : memref<!tpu.dma_semaphore, #tpu.memory_space<semaphore_mem>>)
    } else {
    }
    %rem3A = arith.constant 4 : i32
    %rem3A_2 = arith.remsi %arg0, %rem3A : i32
    %mul3A = arith.constant 512 : i32
    %mul3A_3 = arith.muli %arg0, %mul3A : i32
    %dma_wait3A = tpu.memref_slice %arg5[%rem3A_2] : memref<4x!tpu.dma_semaphore, #tpu.memory_space<semaphore_mem>> -> memref<1x!tpu.dma_semaphore, #tpu.memory_space<semaphore_mem>>
    %dma_wait3A_4 = tpu.memref_squeeze %dma_wait3A : memref<1x!tpu.dma_semaphore, #tpu.memory_space<semaphore_mem>> -> memref<!tpu.dma_semaphore, #tpu.memory_space<semaphore_mem>>
    %dma_wait3A_5 = arith.constant 0 : i32
    %dma_wait3A_6 = arith.constant 0 : i32
    %dma_wait3A_7 = tpu.memref_slice %arg4[%rem3A_2, %dma_wait3A_5, %dma_wait3A_6] : memref<4x512x2048xf32, #tpu.memory_space<vmem>> -> memref<1x512x2048xf32, #tpu.memory_space<vmem>>
    %dma_wait3A_8 = tpu.memref_squeeze %dma_wait3A_7 : memref<1x512x2048xf32, #tpu.memory_space<vmem>> -> memref<512x2048xf32, #tpu.memory_space<vmem>>
    %dma_wait3A_9 = arith.constant 0 : i32
    %dma_wait3A_10 = tpu.memref_slice %arg1[%mul3A_3, %dma_wait3A_9] : memref<8192x2048xf32, #tpu.memory_space<hbm>> -> memref<512x2048xf32, #tpu.memory_space<hbm>>
    tpu.wait_dma2 semaphore(%dma_wait3A_4 : memref<!tpu.dma_semaphore, #tpu.memory_space<semaphore_mem>>) src(%dma_wait3A_10 : memref<512x2048xf32, #tpu.memory_space<hbm>>) dst(%dma_wait3A_8 : memref<512x2048xf32, #tpu.memory_space<vmem>>)
    %get3A = arith.index_cast %rem3A_2 : i32 to index
    %get3A_11 = arith.constant 0 : index
    %get3A_12 = arith.constant 0 : index
    %get3A_13 = vector.load %arg4[%get3A, %get3A_11, %get3A_12] : memref<4x512x2048xf32, #tpu.memory_space<vmem>>, vector<1x512x2048xf32>
    %get3A_14 = vector.shape_cast %get3A_13 : vector<1x512x2048xf32> to vector<512x2048xf32>
    %get3A_15 = arith.constant 0 : index
    %get3A_16 = arith.constant 0 : index
    %get3A_17 = vector.load %arg2[%get3A_15, %get3A_16] : memref<64x2048xf32, #tpu.memory_space<vmem>>, vector<64x2048xf32>
    %dot_general3A = arith.constant dense<0.000000e+00> : vector<512x64xf32>
    %dot_general3A_18 = tpu.matmul %get3A_14, %get3A_17, %dot_general3A {dimension_numbers = #tpu.dot_dimension_numbers<[1], [1], [0], [0], [0, 0, 1, 0], [], []>, transpose_lhs_hint = false} : vector<512x2048xf32>, vector<64x2048xf32>, vector<512x64xf32> -> vector<512x64xf32>
    %swap3A = arith.constant 0 : index
    %swap3A_19 = arith.constant 0 : index
    %swap3A_20 = vector.load %arg3[%swap3A, %swap3A_19] : memref<512x64xf32, #tpu.memory_space<vmem>>, vector<512x64xf32>
    tpu.vector_store %arg3[%swap3A, %swap3A_19], %dot_general3A_18 {strides = array<i32>} : memref<512x64xf32, #tpu.memory_space<vmem>>, vector<512x64xf32>,
    %add3A = arith.constant 4 : i32
    %add3A_21 = arith.addi %arg0, %add3A : i32
    %lt3A = arith.constant 16 : i32
    %lt3A_22 = arith.cmpi slt, %add3A_21, %lt3A : i32
    %convert_element_type3A_23 = arith.extui %lt3A_22 : i1 to i32
    %cond3A_24 = arith.constant 0 : i32
    %cond3A_25 = arith.cmpi ne, %convert_element_type3A_23, %cond3A_24 : i32
    scf.if %cond3A_25 {
      %add3A_26 = arith.constant 4 : i32
      %add3A_27 = arith.addi %arg0, %add3A_26 : i32
      %mul3A_28 = arith.constant 512 : i32
      %mul3A_29 = arith.muli %add3A_27, %mul3A_28 : i32
      %dma_start3A = tpu.memref_slice %arg5[%rem3A_2] : memref<4x!tpu.dma_semaphore, #tpu.memory_space<semaphore_mem>> -> memref<1x!tpu.dma_semaphore, #tpu.memory_space<semaphore_mem>>
      %dma_start3A_30 = tpu.memref_squeeze %dma_start3A : memref<1x!tpu.dma_semaphore, #tpu.memory_space<semaphore_mem>> -> memref<!tpu.dma_semaphore, #tpu.memory_space<semaphore_mem>>
      %dma_start3A_31 = arith.constant 0 : i32
      %dma_start3A_32 = arith.constant 0 : i32
      %dma_start3A_33 = tpu.memref_slice %arg4[%rem3A_2, %dma_start3A_31, %dma_start3A_32] : memref<4x512x2048xf32, #tpu.memory_space<vmem>> -> memref<1x512x2048xf32, #tpu.memory_space<vmem>>
      %dma_start3A_34 = tpu.memref_squeeze %dma_start3A_33 : memref<1x512x2048xf32, #tpu.memory_space<vmem>> -> memref<512x2048xf32, #tpu.memory_space<vmem>>
      %dma_start3A_35 = arith.constant 0 : i32
      %dma_start3A_36 = tpu.memref_slice %arg1[%mul3A_29, %dma_start3A_35] : memref<8192x2048xf32, #tpu.memory_space<hbm>> -> memref<512x2048xf32, #tpu.memory_space<hbm>>
      tpu.enqueue_dma source(%dma_start3A_36 : memref<512x2048xf32, #tpu.memory_space<hbm>>) target(%dma_start3A_34 : memref<512x2048xf32, #tpu.memory_space<vmem>>) target_semaphore(%dma_start3A_30 : memref<!tpu.dma_semaphore, #tpu.memory_space<semaphore_mem>>)
    } else {
    }
    return
  }
  func.func @transform_1(%arg0: i32) -> (i32, i32) {
    %c0_i32 = arith.constant 0 : i32
    %c0_i32_0 = arith.constant 0 : i32
    %c0_i32_1 = arith.constant 0 : i32
    return %c0_i32, %c0_i32_0 : i32, i32
  }
  func.func @transform_2(%arg0: i32) -> (i32, i32) {
    %c0_i32 = arith.constant 0 : i32
    %c0_i32_0 = arith.constant 0 : i32
    return %arg0, %c0_i32 : i32, i32
  }
}

</mosaic_0001>

<sc_bundles>
// kernel: kernel.4.cloned.1.call-start
scs
__scs_entry_jumppad:
0x0: {  	(pc) =	sbr.rel $0x88, $3  }
0x1: {  	(tag) =	ssettag $0x0;
	lr =	simm.s32 $0x1  }
0x2: {  	[smem:$0x3F9F] =	sst lr;
	_ =	strace $0xD0000000  }
0x3: {  	_ = 	snop  }
0x4: {  	_ = 	snop  }
0x5: {  	_ = 	snop  }
0x6: {  	_ = 	snop  }
0x7: {  	_ = 	snop  }
__scs_overlays_trampoline_lowered:
0x8: {  	[smem:$0x3FAE] =	sst s0  }
0x9: {  	[smem:$0x3FAF] =	sst s1  }
0xa: {  	[smem:$0x3FB0] =	sst s2  }
0xb: {  	[smem:$0x3FB1] =	sst s3  }
0xc: {  	[smem:$0x3FB2] =	sst s4  }
0xd: {  	[smem:$0x3FB3] =	sst s5  }
0xe: {  	[smem:$0x3FB4] =	sst s6  }
0xf: {  	[smem:$0x3FB5] =	sst s7  }
0x10: {  	[smem:$0x3FB6] =	sst s8  }
0x11: {  	[smem:$0x3FB7] =	sst s9;
	s0 =	simm.s32 @!p0 $0x0  }
0x12: {  	s1 =	sld [smem:$0x3F9D];
	s0 =	simm.s32 @p0 $0x1  }
0x13: {  	[smem:$0x3FB8] =	sst s0;
	s0 =	simm.s32 @!p1 $0x0  }
0x14: {  	s2 =	sld [smem:$0x3F9C];
	s0 =	simm.s32 @p1 $0x1  }
0x15: {  	[smem:$0x3FB9] =	sst s0;
	s0 =	simm.s32 @!p2 $0x0  }
0x16: {  	s3 =	sld [smem:$0x3FDB];
	s0 =	simm.s32 @p2 $0x1  }
0x17: {  	s4 =	simm.s32 $0x1BF5;
	[smem:$0x3FBB] =	sst s0  }
0x18: {  	s0 =	sld [smem:$0x3F9E];
	_ =	swait.ge [sflag:s4], $0x0  }
0x19: {  	s7 =	sld [smem:$0x3F9F]  }
0x1a: {  	s8 =	sadd.s32 $0xFFFFE003, lr  }
0x1b: {  	s9 =	sadd.s32 $0xFFFFFEF7, lr;
	s5 =	simm.s32 $0xFFFFFFFF;
	p2 =	slt.u32 s8, $0xFFFFF086  }
0x1c: {  	p1 =	slt.u32 s9, $0xF7A;
	s5 =	simm.s32 @!p2 $0x0  }
0x1d: {  	s5 =	simm.s32 @p1 $0x1;
	p0 =	seq.s32 s7, s2  }
0x1e: {  	s7 =	smul.u32 @!p0 $0xF7A, s2;
	p2 =	seq.s32 @!p0 s5, $0x0  }
0x1f: {  	s9 =	smul.u32 $0xF7A, s1;
	s8 =	simm.s32 @!p0 $0x1BF5;
	p2 =	por !p2, p0  }
0x20: {  	[sflag:s8] =	ssyncset.s32 @!p0 $0xFFFFF086;
	s6 =	sadd.s32 @!p0 s3, s7;
	s7 =	simm.s32 @!p0 $0x108  }
0x21: {  	s3 =	sadd.s32 s3, s9;
	s6 =	sadd.s32 @!p0 $0x88, s6;
	s7 =	simm.s32 @p2 $0x1082  }
0x22: {  	[simem:s7], [sflag:s8] =	dma.local @!p0 [hbm:s6], $0xF7A  }
0x23: {  	s9 =	sor.u32 $0xD0000000, s2;
	s6 =	simm.s32 $0x108;
	_ =	swait.ge @!p0 [sflag:s8], $0x0  }
0x24: {  	s3 =	sadd.s32 $0x88, s3;
	s6 =	simm.s32 @!p1 $0x1082;
	[sflag:s4] =	ssyncset.s32 $0xFFFFF086  }
0x25: {  	[simem:s6], [sflag:s4] =	dma.local [hbm:s3], $0xF7A  }
0x26: {  	[smem:$0x3F9F] =	sst s1;
	(tag) =	ssettag s2;
	_ =	strace s9  }
0x27: {  	s1 =	sld [smem:$0x3FAF]  }
0x28: {  	s2 =	sld [smem:$0x3FB0]  }
0x29: {  	s4 =	sld [smem:$0x3FB2]  }
0x2a: {  	p0 =	seq.s32 s5, $0x0;
	s5 =	sld [smem:$0x3FB3]  }
0x2b: {  	s6 =	sld [smem:$0x3FB4]  }
0x2c: {  	s7 =	sld [smem:$0x3FB5]  }
0x2d: {  	s3 =	simm.s32 $0x108;
	s8 =	sld [smem:$0x3FB6]  }
0x2e: {  	s3 =	simm.s32 @!p0 $0x1082;
	s9 =	sld [smem:$0x3FB7]  }
0x2f: {  	lr =	sadd.s32 s0, s3;
	s0 =	sld [smem:$0x3FAE]  }
0x30: {  	s3 =	sld [smem:$0x3FB1]  }
0x31: {  	[smem:$0x3FBA] =	sst s10  }
0x32: {  	s10 =	sld [smem:$0x3FB8];
	_ =	sdelay $0x3  }
0x33: {  	p0 =	seq.s32 s10, $0x1;
	s10 =	sld [smem:$0x3FBA];
	_ =	sdelay $0x3  }
0x34: {  	[smem:$0x3FBA] =	sst s10  }
0x35: {  	s10 =	sld [smem:$0x3FB9];
	_ =	sdelay $0x3  }
0x36: {  	p1 =	seq.s32 s10, $0x1;
	s10 =	sld [smem:$0x3FBA];
	_ =	sdelay $0x3  }
0x37: {  	[smem:$0x3FBA] =	sst s10  }
0x38: {  	s10 =	sld [smem:$0x3FBB]  }
0x39: {  	_ = 	snop;
	(pc) =	sbr.ind lr, $3  }
0x3a: {  	_ = 	snop  }
0x3b: {  	_ = 	snop  }
0x3c: {  	p2 =	seq.s32 s10, $0x1;
	s10 =	sld [smem:$0x3FBA]  }
0x3d: {  	_ =	shalt  }
0x3e: {  	_ =	shalt  }
0x3f: {  	_ =	shalt  }
0x40: {  	_ =	shalt  }
0x41: {  	_ =	shalt  }
0x42: {  	_ =	shalt  }
0x43: {  	_ =	shalt  }
0x44: {  	_ =	shalt  }
0x45: {  	_ =	shalt  }
0x46: {  	_ =	shalt  }
0x47: {  	_ =	shalt  }
0x48: {  	_ =	shalt  }
0x49: {  	_ =	shalt  }
0x4a: {  	_ =	shalt  }
0x4b: {  	_ =	shalt  }
0x4c: {  	_ =	shalt  }
0x4d: {  	_ =	shalt  }
0x4e: {  	_ =	shalt  }
0x4f: {  	_ =	shalt  }
0x50: {  	_ =	shalt  }
0x51: {  	_ =	shalt  }
0x52: {  	_ =	shalt  }
0x53: {  	_ =	shalt  }
0x54: {  	_ =	shalt  }
0x55: {  	_ =	shalt  }
0x56: {  	_ =	shalt  }
0x57: {  	_ =	shalt  }
0x58: {  	_ =	shalt  }
0x59: {  	_ =	shalt  }
0x5a: {  	_ =	shalt  }
0x5b: {  	_ =	shalt  }
0x5c: {  	_ =	shalt  }
0x5d: {  	_ =	shalt  }
0x5e: {  	_ =	shalt  }
0x5f: {  	_ =	shalt  }
0x60: {  	_ =	shalt  }
0x61: {  	_ =	shalt  }
0x62: {  	_ =	shalt  }
0x63: {  	_ =	shalt  }
0x64: {  	_ =	shalt  }
0x65: {  	_ =	shalt  }
0x66: {  	_ =	shalt  }
0x67: {  	_ =	shalt  }
0x68: {  	_ =	shalt  }
0x69: {  	_ =	shalt  }
0x6a: {  	_ =	shalt  }
0x6b: {  	_ =	shalt  }
0x6c: {  	_ =	shalt  }
0x6d: {  	_ =	shalt  }
0x6e: {  	_ =	shalt  }
0x6f: {  	_ =	shalt  }
0x70: {  	_ =	shalt  }
0x71: {  	_ =	shalt  }
0x72: {  	_ =	shalt  }
0x73: {  	_ =	shalt  }
0x74: {  	_ =	shalt  }
0x75: {  	_ =	shalt  }
0x76: {  	_ =	shalt  }
0x77: {  	_ =	shalt  }
0x78: {  	_ =	shalt  }
0x79: {  	_ =	shalt  }
0x7a: {  	_ =	shalt  }
0x7b: {  	_ =	shalt  }
0x7c: {  	_ =	shalt  }
0x7d: {  	_ =	shalt  }
0x7e: {  	_ =	shalt  }
0x7f: {  	_ =	shalt  }
0x80: {  	_ =	shalt  }
0x81: {  	_ =	shalt  }
0x82: {  	_ =	shalt  }
0x83: {  	_ =	shalt  }
0x84: {  	_ =	shalt  }
0x85: {  	_ =	shalt  }
0x86: {  	_ =	shalt  }
0x87: {  	_ =	shalt  }
.Lfunc_end0:
.L_simem_size_0:
called_computation_lowered:
.L_overlay_start_0:
0x88: {  	s2 =	sld [smem:$0x3FD9]  }
0x89: {  	s3 =	sld [smem:$0x3FFE];
	_ =	sdelay $0x1  }
0x8a: {  	s1 =	srdreg.scid  }
0x8b: {  	s0 =	sand.u32 $0x1, s1  }
0x8c: {  	s16 =	sshll.u32 s0, $0xA;
	s2 =	sadd.s32 s3, s2  }
0x8d: {  	s2 =	sadd.s32 s2, s16  }
0x8e: {  	[smem:$0x3FC6] =	sst s2  }
0x8f: {  	_ = 	snop  }
0x90: {  	(tm) =	ssettm $0x1  }
0x91: {  	s17 =	sld [smem:$0x3FFB];
	_ =	sdelay $0x3  }
0x92: {  	_ =	strace s17  }
0x93: {  	s2 =	sld [smem:$0x3FFC];
	_ =	sdelay $0x3  }
0x94: {  	_ =	strace s2  }
0x95: {  	s2 =	sld [smem:$0x3FFD];
	_ =	sdelay $0x3  }
0x96: {  	_ =	strace s2  }
0x97: {  	_ =	strace $0x8FFFFFFF  }
0x98: {  	s18 =	sld [smem:$0x3FDB];
	_ =	sdelay $0x1  }
0x99: {  	s19 =	simm.s32 $_scs_section_size  }
0x9a: {  	s4 =	simm.s32 $_size__tile_overlayer_lowered;
	s5 =	simm.s32 $_tile_overlayer_lowered  }
0x9b: {  	s22 =	simm.s32 $0x1BFF;
	s21 =	sshll.u32 s5, $0x1;
	s2 =	sadd.s32 s19, s18  }
0x9c: {  	s6 =	simm.s32 $0x0;
	s20 =	sshll.u32 s4, $0x1;
	s4 =	sadd.s32 s21, s2  }
0x9d: {  	[timem:s6], [sflag:s22] =	dma.local [hbm:s4], s20  }
0x9e: {  	_ =	swait.ge [sflag:s22], s20  }
0x9f: {  	s3 =	ssub.s32 $0x0, s20;
	[sflag:s22] =	ssyncset.done $0x0  }
0xa0: {  	[sflag:s22] =	ssyncadd.s32 s3;
	_ =	sdelay $0x1  }
0xa1: {  	s23 =	simm.s32 $0x1B8B  }
0xa2: {  	_ =	swait.ge [sflag:s23], $0x1  }
0xa3: {  	[sflag:s23] =	ssyncset.done $0x0  }
0xa4: {  	s25 =	simm.s32 $0x1B8E;
	s24 =	sld [smem:$0x3FFE];
	[sflag:s23] =	ssyncadd.s32 $0xFFFFFFFF  }
0xa5: {  	s26 =	simm.s32 $execute0_lowered;
	[smem:$0x3FD2] =	sst s25  }
0xa6: {  	s4 =	sshll.u32 s26, $0x1;
	_ =	strace $0x80000046;
	[dreg:$0x1] =	wrdreg $0xFFFFFFFF  }
0xa7: {  	s28 =	simm.s32 $_size_execute0_lowered;
	s2 =	sadd.s32 s2, s4;
	[dreg:$0x0] =	wrdreg $0x0  }
0xa8: {  	s4 =	sshll.u32 s28, $0x1;
	[dreg:$0x2] =	wrdreg s2  }
0xa9: {  	[dreg:$0x3] =	wrdreg s4  }
0xaa: {  	[dreg:$0x4] =	wrdreg $0xC0  }
0xab: {  	_ =	task [dreg:s6], $0x5FFFF  }
0xac: {  	[dreg:$0x1] =	wrdreg $0xFFFFFFFF  }
0xad: {  	[dreg:$0x0] =	wrdreg $0x60  }
0xae: {  	[dreg:$0x2] =	wrdreg s24  }
0xaf: {  	[dreg:$0x3] =	wrdreg $0x9  }
0xb0: {  	_ =	task.clear_ibuf [dreg:s6], $0x4FFFF;
	_ =	strace $0x90000046  }
0xb1: {  	s29 =	simm.s32 $0x9;
	_ =	strace $0x80000048  }
0xb2: {  	_ =	swait.ge [sflag:s29], $0x1  }
0xb3: {  	[sflag:s29] =	ssyncadd.s32 $0xFFFFFFFF  }
0xb4: {  	_ =	strace $0x90000048  }
0xb5: {  	_ =	sfence  }
0xb6: {  	s30 =	sld [smem:$0x0];
	_ =	sdelay $0x2  }
0xb7: {  	s31 =	sshll.u32 s1, $0xD;
	s1 =	sshrl.u32 s1, $0x2  }
0xb8: {  	s3 =	sand.u32 $0x4000, s31;
	s1 =	sadd.s32 s1, s30  }
0xb9: {  	s0 =	sor.u32 s3, s0;
	s1 =	sshll.u32 s1, $0x11  }
0xba: {  	s0 =	sor.u32 s1, s0  }
0xbb: {  	s0 =	sadd.s32 $0x8F2B, s0  }
0xbc: {  	[sflag:s0] =	ssyncadd.remote.s32 $0x1  }
0xbd: {  	_ =	sfence.sel $0xFFFF  }
0xbe: {  	[dreg:$0x0] =	wrdreg $0xFFFFFFFF;
	(pc) =	sbr.abs _section_cstart, $3  }
0xbf: {  	[dreg:$0x1] =	wrdreg $0xFFFFFFFF  }
0xc0: {  	_ =	task.clear_ibuf [dreg:s6], $0x2FFFF;
	_ =	strace $0x9FFFFFFF  }
0xc1: {  	(tm) =	ssettm $0x7FFFFFFF  }
tec
execute0_lowered:
.L_overlay_start_1:
0x0: {  	(tag) =	ssettag $0x1  }
0x1: {  	s3 =	rddreg [dreg:$0x0];
	s2 =	srdreg.scid  }
0x2: {  	s0 =	rddreg [dreg:$0x1];
	s1 =	stileid.u32;
	s8 =	simm.s32 $0x4000  }
0x3: {  	s9 =	simm.s32 $0x4800;
	s10 =	simm.s32 $0x2;
	s11 =	simm.s32 $0x0  }
0x4: {  	s4 =	sand.u32 $0x1, s2;
	s2 =	simm.s32 $0x0;
	s5 =	sshll.u32 s1, $0x9  }
0x5: {  	s6 =	sshll.u32 s4, $0x8;
	[smem:$0x7FF] =	sst s2;
	s4 =	ssub.s32 $0x2, s4  }
0x6: {  	s5 =	sor.u32 s6, s5;
	_ =	strace $0x80000047;
	s7 =	sshrl.u32 s4, $0x1  }
0x7: {  	s6 =	sshll.u32 s5, $0x3;
	s5 =	sadd.s32 s5, s3;
	s7 =	ssub.s32 s4, s7  }
0x8: {  	s6 =	sadd.s32 s6, s3;
	s4 =	sadd.s32 $0x12C00, s5;
	s5 =	sadd.s32 $0x10C00, s5  }
0x9: {  	v0 =	vlaneseq.u32;
	v1 =	vimm.s32 $0x0;
	s3 =	sadd.s32 $0xC00, s6;
	s6 =	smax.u32 s7, $0x1;
	s7 =	simm.s32 $0x1  }
.LBB2_1:
0xa: {  	v2 =	vor.u32 s2, v0  }
0xb: {  	v3 =	vshll.u32 v2, $0x6  }
0xc: {  	v4 =	vor.u32 $0x1, v3  }
0xd: {  	[tilespmem:s2], [sflag:$0x1] =	stream.linear.gather [hbm4b:s3+s2], $0x4000, $0x38;
	[tilespmem:$0x5000] =	vst v63  }
0xe: {  	_ =	swait.ge [sflag:s7], $0x4000  }
0xf: {  	[sflag:s7] =	ssyncset.done $0x0  }
0x10: {  	[sflag:s7] =	ssyncadd.s32 $0xFFFFC000  }
0x11: {  	v5 =	vor.u32 $0x2, v3;
	v4 =	vld.idx.msk [tilespmem:v4+s2+$0x0], $0xffff;
	_ =	sdelay $0x1  }
0x12: {  	v6 =	vld.idx.msk [tilespmem:v3+s2+$0x0], $0xffff;
	_ =	sdelay $0x1  }
0x13: {  	v7 =	vor.u32 $0x3, v3  }
0x14: {  	v5 =	vld.idx.msk [tilespmem:v5+s2+$0x0], $0xffff;
	vm0 =	vlt.f32 v4, $-Inf;
	vm1 =	vgt.f32 v4, $-Inf  }
0x15: {  	v9 =	vimm.s32 $0x0;
	vm0 =	vmor vm1, vm0  }
0x16: {  	v8 =	vor.u32 $0x4, v3;
	vm15 =	vgt.f32 v4, v6;
	v9 =	vsel vm0, $0xFFFFFFFF, v9  }
0x17: {  	vm1 =	vmneg vm15;
	[tilespmem:$0x1FBC0] =	vst v9;
	v9 =	vnsel vm0, $0xFF800000, v4  }
0x18: {  	v7 =	vld.idx.msk [tilespmem:v7+s2+$0x0], $0xffff;
	v9 =	vsel vm1, v9, v6  }
0x19: {  	v4 =	vsel vm1, v6, v4;
	v6 =	vimm.s32 $0x0;
	vm9 =	vgt.f32 v5, v9  }
0x1a: {  	v10 =	vor.u32 $0x5, v3;
	v6 =	vsel vm9, $0xFFFFFFFF, v6  }
0x1b: {  	vm3 =	vgt.f32 v5, v4;
	[tilespmem:$0x1FBD0] =	vst v6;
	v6 =	vld.idx.msk [tilespmem:v8+s2+$0x0], $0xffff;
	v8 =	vsel vm9, v5, v9  }
0x1c: {  	v8 =	vsel vm3, v4, v8  }
0x1d: {  	v4 =	vsel vm3, v5, v4;
	v5 =	vimm.s32 $0x0;
	vm10 =	vgt.f32 v7, v8  }
0x1e: {  	v9 =	vor.u32 $0x6, v3;
	v5 =	vsel vm10, $0xFFFFFFFF, v5  }
0x1f: {  	vm4 =	vgt.f32 v7, v4;
	v8 =	vsel vm10, v7, v8;
	[tilespmem:$0x1FBE0] =	vst v5;
	v5 =	vld.idx.msk [tilespmem:v10+s2+$0x0], $0xffff  }
0x20: {  	v10 =	vor.u32 $0x7, v3;
	v8 =	vsel vm4, v4, v8  }
0x21: {  	v4 =	vsel vm4, v7, v4;
	v7 =	vimm.s32 $0x0;
	vm11 =	vgt.f32 v6, v8  }
0x22: {  	vm5 =	vgt.f32 v6, v4;
	v7 =	vsel vm11, $0xFFFFFFFF, v7;
	v8 =	vsel vm11, v6, v8  }
0x23: {  	[tilespmem:$0x1FBF0] =	vst v7;
	v7 =	vld.idx.msk [tilespmem:v9+s2+$0x0], $0xffff;
	v8 =	vsel vm5, v4, v8  }
0x24: {  	v4 =	vsel vm5, v6, v4;
	v6 =	vimm.s32 $0x0;
	vm12 =	vgt.f32 v5, v8  }
0x25: {  	v9 =	vor.u32 $0x8, v3;
	v6 =	vsel vm12, $0xFFFFFFFF, v6  }
0x26: {  	vm6 =	vgt.f32 v5, v4;
	v8 =	vsel vm12, v5, v8;
	[tilespmem:$0x1FC00] =	vst v6;
	v6 =	vld.idx.msk [tilespmem:v10+s2+$0x0], $0xffff  }
0x27: {  	v10 =	vor.u32 $0x9, v3;
	v8 =	vsel vm6, v4, v8  }
0x28: {  	v4 =	vsel vm6, v5, v4;
	v5 =	vimm.s32 $0x0;
	vm13 =	vgt.f32 v7, v8  }
0x29: {  	vm7 =	vgt.f32 v7, v4;
	v5 =	vsel vm13, $0xFFFFFFFF, v5;
	v8 =	vsel vm13, v7, v8  }
0x2a: {  	[tilespmem:$0x1FC10] =	vst v5;
	v5 =	vld.idx.msk [tilespmem:v9+s2+$0x0], $0xffff;
	v8 =	vsel vm7, v4, v8  }
0x2b: {  	v4 =	vsel vm7, v7, v4;
	v7 =	vimm.s32 $0x0;
	vm14 =	vgt.f32 v6, v8  }
0x2c: {  	v9 =	vor.u32 $0xA, v3;
	v7 =	vsel vm14, $0xFFFFFFFF, v7  }
0x2d: {  	vm8 =	vgt.f32 v6, v4;
	v8 =	vsel vm14, v6, v8;
	[tilespmem:$0x1FC20] =	vst v7;
	v7 =	vld.idx.msk [tilespmem:v10+s2+$0x0], $0xffff  }
0x2e: {  	v10 =	vor.u32 $0xB, v3;
	v8 =	vsel vm8, v4, v8  }
0x2f: {  	v4 =	vsel vm8, v6, v4;
	v6 =	vimm.s32 $0x0;
	vm11 =	vgt.f32 v5, v8  }
0x30: {  	vm9 =	vgt.f32 v5, v4;
	v6 =	vsel vm11, $0xFFFFFFFF, v6;
	v8 =	vsel vm11, v5, v8  }
0x31: {  	[tilespmem:$0x1FC30] =	vst v6;
	v6 =	vld.idx.msk [tilespmem:v9+s2+$0x0], $0xffff;
	v8 =	vsel vm9, v4, v8  }
0x32: {  	v4 =	vsel vm9, v5, v4;
	v5 =	vimm.s32 $0x0;
	vm12 =	vgt.f32 v7, v8  }
0x33: {  	v9 =	vor.u32 $0xC, v3;
	v5 =	vsel vm12, $0xFFFFFFFF, v5  }
0x34: {  	vm10 =	vgt.f32 v7, v4;
	v8 =	vsel vm12, v7, v8;
	[tilespmem:$0x1FC40] =	vst v5;
	v5 =	vld.idx.msk [tilespmem:v10+s2+$0x0], $0xffff  }
0x35: {  	v10 =	vor.u32 $0xD, v3;
	v8 =	vsel vm10, v4, v8  }
0x36: {  	v4 =	vsel vm10, v7, v4;
	v7 =	vimm.s32 $0x0;
	vm13 =	vgt.f32 v6, v8  }
0x37: {  	vm11 =	vgt.f32 v6, v4;
	v7 =	vsel vm13, $0xFFFFFFFF, v7;
	v8 =	vsel vm13, v6, v8  }
0x38: {  	[tilespmem:$0x1FC50] =	vst v7;
	v7 =	vld.idx.msk [tilespmem:v9+s2+$0x0], $0xffff;
	v8 =	vsel vm11, v4, v8  }
0x39: {  	v4 =	vsel vm11, v6, v4;
	v6 =	vimm.s32 $0x0;
	vm14 =	vgt.f32 v5, v8  }
0x3a: {  	v9 =	vor.u32 $0xE, v3;
	v6 =	vsel vm14, $0xFFFFFFFF, v6  }
0x3b: {  	vm2 =	vgt.f32 v5, v4;
	v8 =	vsel vm14, v5, v8;
	[tilespmem:$0x1FC60] =	vst v6;
	v6 =	vld.idx.msk [tilespmem:v10+s2+$0x0], $0xffff  }
0x3c: {  	v10 =	vor.u32 $0xF, v3;
	v8 =	vsel vm2, v4, v8  }
0x3d: {  	v4 =	vsel vm2, v5, v4;
	v5 =	vimm.s32 $0x0;
	vm12 =	vgt.f32 v7, v8  }
0x3e: {  	v5 =	vsel vm12, $0xFFFFFFFF, v5;
	v8 =	vsel vm12, v7, v8;
	vm12 =	vgt.f32 v7, v4  }
0x3f: {  	[tilespmem:$0x1FC70] =	vst v5;
	v5 =	vld.idx.msk [tilespmem:v9+s2+$0x0], $0xffff;
	v8 =	vsel vm12, v4, v8  }
0x40: {  	v4 =	vsel vm12, v7, v4;
	v7 =	vimm.s32 $0x0;
	vm13 =	vgt.f32 v6, v8  }
0x41: {  	v9 =	vor.u32 $0x10, v3;
	v7 =	vsel vm13, $0xFFFFFFFF, v7  }
0x42: {  	v8 =	vsel vm13, v6, v8;
	vm13 =	vgt.f32 v6, v4;
	[tilespmem:$0x1FC80] =	vst v7;
	v7 =	vld.idx.msk [tilespmem:v10+s2+$0x0], $0xffff  }
0x43: {  	v11 =	vld [tilespmem:$0x1FBC0];
	v8 =	vsel vm13, v4, v8  }
0x44: {  	v4 =	vsel vm13, v6, v4;
	v6 =	vimm.s32 $0x0;
	vm14 =	vgt.f32 v5, v8  }
0x45: {  	v6 =	vsel vm14, $0xFFFFFFFF, v6;
	v8 =	vsel vm14, v5, v8;
	vm14 =	vgt.f32 v5, v4  }
0x46: {  	v10 =	vor.u32 $0x11, v3;
	[tilespmem:$0x1FC90] =	vst v6;
	v6 =	vld.idx.msk [tilespmem:v9+s2+$0x0], $0xffff;
	v8 =	vsel vm14, v4, v8  }
0x47: {  	v4 =	vsel vm14, v5, v4;
	v5 =	vimm.s32 $0x0;
	vm0 =	vgt.f32 v7, v8  }
0x48: {  	v5 =	vsel vm0, $0xFFFFFFFF, v5;
	v8 =	vsel vm0, v7, v8;
	vm0 =	vnez.u8 v11  }
0x49: {  	[tilespmem:$0x1FCA0] =	vst v5;
	v5 =	vsel vm15, $0x1, v1;
	vm15 =	vgt.f32 v7, v4;
	vm0 =	vmand vm1, vm0  }
0x4a: {  	v8 =	vsel vm15, v4, v8;
	v12 =	vsel vm0, $0x1, v1  }
0x4b: {  	v4 =	vsel vm15, v7, v4;
	v7 =	vimm.s32 $0x0;
	vm0 =	vgt.f32 v6, v8  }
0x4c: {  	v7 =	vsel vm0, $0xFFFFFFFF, v7  }
0x4d: {  	[tilespmem:$0x1FCB0] =	vst v7;
	v7 =	vld [tilespmem:$0x1FBD0]  }
0x4e: {  	v10 =	vld.idx.msk [tilespmem:v10+s2+$0x0], $0xffff;
	_ =	sdelay $0x2  }
0x4f: {  	v9 =	vor.u32 $0x12, v3;
	v8 =	vsel vm0, v6, v8;
	vm0 =	vgt.f32 v6, v4  }
0x50: {  	v8 =	vsel vm0, v4, v8;
	v4 =	vsel vm0, v6, v4;
	vm1 =	vnez.u8 v7  }
0x51: {  	v6 =	vimm.s32 $0x0;
	v7 =	vsel vm1, $0x2, v12;
	vm1 =	vgt.f32 v10, v8  }
0x52: {  	v6 =	vsel vm1, $0xFFFFFFFF, v6  }
0x53: {  	[tilespmem:$0x1FCC0] =	vst v6;
	v6 =	vld [tilespmem:$0x1FBE0];
	_ =	sdelay $0x2  }
0x54: {  	v9 =	vld.idx.msk [tilespmem:v9+s2+$0x0], $0xffff;
	_ =	sdelay $0x1  }
0x55: {  	v7 =	vsel vm3, v5, v7;
	v5 =	vsel vm3, $0x2, v5;
	vm3 =	vnez.u8 v6  }
0x56: {  	v8 =	vsel vm1, v10, v8;
	v6 =	vsel vm3, $0x3, v7;
	vm3 =	vgt.f32 v10, v4  }
0x57: {  	v11 =	vor.u32 $0x13, v3;
	v13 =	vsel vm4, $0x3, v5;
	v8 =	vsel vm3, v4, v8  }
0x58: {  	v5 =	vsel vm4, v5, v6;
	v6 =	vimm.s32 $0x0;
	vm1 =	vgt.f32 v9, v8  }
0x59: {  	v6 =	vsel vm1, $0xFFFFFFFF, v6  }
0x5a: {  	[tilespmem:$0x1FCD0] =	vst v6;
	v6 =	vld [tilespmem:$0x1FBF0];
	_ =	sdelay $0x2  }
0x5b: {  	v7 =	vld.idx.msk [tilespmem:v11+s2+$0x0], $0xffff;
	_ =	sdelay $0x1  }
0x5c: {  	v4 =	vsel vm3, v10, v4;
	vm4 =	vnez.u8 v6  }
0x5d: {  	v8 =	vsel vm1, v9, v8;
	v5 =	vsel vm4, $0x4, v5;
	vm4 =	vgt.f32 v9, v4  }
0x5e: {  	v12 =	vor.u32 $0x14, v3;
	v8 =	vsel vm4, v4, v8  }
0x5f: {  	v4 =	vsel vm4, v9, v4;
	v9 =	vimm.s32 $0x0;
	vm1 =	vgt.f32 v7, v8  }
0x60: {  	v9 =	vsel vm1, $0xFFFFFFFF, v9  }
0x61: {  	[tilespmem:$0x1FCE0] =	vst v9;
	v9 =	vld [tilespmem:$0x1FC00];
	_ =	sdelay $0x2  }
0x62: {  	v6 =	vld.idx.msk [tilespmem:v12+s2+$0x0], $0xffff;
	_ =	sdelay $0x1  }
0x63: {  	v12 =	vsel vm5, $0x4, v13;
	v5 =	vsel vm5, v13, v5;
	vm5 =	vnez.u8 v9  }
0x64: {  	v8 =	vsel vm1, v7, v8;
	v5 =	vsel vm5, $0x5, v5;
	vm5 =	vgt.f32 v7, v4  }
0x65: {  	v11 =	vor.u32 $0x15, v3;
	v8 =	vsel vm5, v4, v8  }
0x66: {  	v4 =	vsel vm5, v7, v4;
	v7 =	vimm.s32 $0x0;
	vm1 =	vgt.f32 v6, v8  }
0x67: {  	v7 =	vsel vm1, $0xFFFFFFFF, v7  }
0x68: {  	[tilespmem:$0x1FCF0] =	vst v7;
	v7 =	vld [tilespmem:$0x1FC10]  }
0x69: {  	v13 =	vld [tilespmem:$0x1FC20]  }
0x6a: {  	v10 =	vor.u32 $0x16, v3  }
0x6b: {  	v9 =	vld.idx.msk [tilespmem:v11+s2+$0x0], $0xffff  }
0x6c: {  	v5 =	vsel vm6, v12, v5  }
0x6d: {  	v12 =	vsel vm6, $0x5, v12;
	v8 =	vsel vm1, v6, v8;
	vm6 =	vnez.u8 v7  }
0x6e: {  	vm1 =	vnez.u8 v13;
	v5 =	vsel vm6, $0x6, v5;
	vm6 =	vgt.f32 v6, v4  }
0x6f: {  	v7 =	vld.idx.msk [tilespmem:v10+s2+$0x0], $0xffff;
	v5 =	vsel vm7, v12, v5;
	v8 =	vsel vm6, v4, v8;
	v4 =	vsel vm6, v6, v4  }
0x70: {  	v6 =	vimm.s32 $0x0;
	v5 =	vsel vm1, $0x7, v5;
	vm1 =	vgt.f32 v9, v8  }
0x71: {  	v6 =	vsel vm1, $0xFFFFFFFF, v6  }
0x72: {  	v8 =	vsel vm1, v9, v8;
	[tilespmem:$0x1FD00] =	vst v6;
	v6 =	vsel vm7, $0x6, v12;
	vm7 =	vgt.f32 v9, v4  }
0x73: {  	v11 =	vor.u32 $0x17, v3;
	v13 =	vsel vm8, $0x7, v6;
	v8 =	vsel vm7, v4, v8  }
0x74: {  	v5 =	vsel vm8, v6, v5;
	v6 =	vimm.s32 $0x0;
	vm1 =	vgt.f32 v7, v8  }
0x75: {  	v6 =	vsel vm1, $0xFFFFFFFF, v6  }
0x76: {  	[tilespmem:$0x1FD10] =	vst v6;
	v6 =	vld [tilespmem:$0x1FC30];
	_ =	sdelay $0x2  }
0x77: {  	v11 =	vld.idx.msk [tilespmem:v11+s2+$0x0], $0xffff;
	_ =	sdelay $0x1  }
0x78: {  	v4 =	vsel vm7, v9, v4;
	vm8 =	vnez.u8 v6  }
0x79: {  	v8 =	vsel vm1, v7, v8;
	v5 =	vsel vm8, $0x8, v5;
	vm8 =	vgt.f32 v7, v4  }
0x7a: {  	v10 =	vor.u32 $0x18, v3;
	v8 =	vsel vm8, v4, v8  }
0x7b: {  	v4 =	vsel vm8, v7, v4;
	v7 =	vimm.s32 $0x0;
	vm1 =	vgt.f32 v11, v8  }
0x7c: {  	v7 =	vsel vm1, $0xFFFFFFFF, v7  }
0x7d: {  	[tilespmem:$0x1FD20] =	vst v7;
	v7 =	vld [tilespmem:$0x1FC40];
	_ =	sdelay $0x2  }
0x7e: {  	v6 =	vld.idx.msk [tilespmem:v10+s2+$0x0], $0xffff;
	_ =	sdelay $0x1  }
0x7f: {  	v10 =	vsel vm9, $0x8, v13;
	v5 =	vsel vm9, v13, v5;
	vm9 =	vnez.u8 v7  }
0x80: {  	v8 =	vsel vm1, v11, v8;
	v5 =	vsel vm9, $0x9, v5;
	vm9 =	vgt.f32 v11, v4  }
0x81: {  	v12 =	vor.u32 $0x19, v3;
	v13 =	vsel vm10, $0x9, v10;
	v8 =	vsel vm9, v4, v8  }
0x82: {  	v5 =	vsel vm10, v10, v5;
	v10 =	vimm.s32 $0x0;
	vm1 =	vgt.f32 v6, v8  }
0x83: {  	v10 =	vsel vm1, $0xFFFFFFFF, v10  }
0x84: {  	[tilespmem:$0x1FD30] =	vst v10;
	v10 =	vld [tilespmem:$0x1FC50];
	_ =	sdelay $0x2  }
0x85: {  	v7 =	vld.idx.msk [tilespmem:v12+s2+$0x0], $0xffff;
	_ =	sdelay $0x1  }
0x86: {  	v4 =	vsel vm9, v11, v4;
	vm10 =	vnez.u8 v10  }
0x87: {  	v8 =	vsel vm1, v6, v8;
	v5 =	vsel vm10, $0xA, v5;
	vm10 =	vgt.f32 v6, v4  }
0x88: {  	v9 =	vor.u32 $0x1A, v3;
	v8 =	vsel vm10, v4, v8  }
0x89: {  	v4 =	vsel vm10, v6, v4;
	v6 =	vimm.s32 $0x0;
	vm1 =	vgt.f32 v7, v8  }
0x8a: {  	v6 =	vsel vm1, $0xFFFFFFFF, v6  }
0x8b: {  	[tilespmem:$0x1FD40] =	vst v6;
	v6 =	vld [tilespmem:$0x1FC60];
	_ =	sdelay $0x2  }
0x8c: {  	v9 =	vld.idx.msk [tilespmem:v9+s2+$0x0], $0xffff  }
0x8d: {  	v12 =	vor.u32 $0x1B, v3  }
0x8e: {  	v11 =	vsel vm11, $0xA, v13;
	v5 =	vsel vm11, v13, v5;
	vm11 =	vnez.u8 v6  }
0x8f: {  	v8 =	vsel vm1, v7, v8;
	v5 =	vsel vm11, $0xB, v5;
	vm11 =	vgt.f32 v7, v4  }
0x90: {  	v8 =	vsel vm11, v4, v8  }
0x91: {  	v4 =	vsel vm11, v7, v4;
	v7 =	vimm.s32 $0x0;
	vm1 =	vgt.f32 v9, v8  }
0x92: {  	v7 =	vsel vm1, $0xFFFFFFFF, v7  }
0x93: {  	v10 =	vor.u32 $0x1C, v3;
	[tilespmem:$0x1FD50] =	vst v7;
	v7 =	vld [tilespmem:$0x1FC70]  }
0x94: {  	v6 =	vld.idx.msk [tilespmem:v12+s2+$0x0], $0xffff;
	_ =	sdelay $0x1  }
0x95: {  	v8 =	vsel vm1, v9, v8;
	vm1 =	vgt.f32 v9, v4  }
0x96: {  	v13 =	vsel vm2, $0xB, v11;
	v5 =	vsel vm2, v11, v5;
	v8 =	vsel vm1, v4, v8  }
0x97: {  	v4 =	vsel vm1, v9, v4;
	vm2 =	vnez.u8 v7;
	v7 =	vld.idx.msk [tilespmem:v10+s2+$0x0], $0xffff;
	v10 =	vimm.s32 $0x0  }
0x98: {  	v9 =	vimm.s32 $0x0;
	v10 =	vsel vm1, $0xFFFFFFFF, v10;
	vm1 =	vgt.f32 v6, v8  }
0x99: {  	v9 =	vsel vm1, $0xFFFFFFFF, v9  }
0x9a: {  	[tilespmem:$0x1FD70] =	vst v9;
	v9 =	vld [tilespmem:$0x1FC80];
	_ =	sdelay $0x3  }
0x9b: {  	v5 =	vsel vm2, $0xC, v5  }
0x9c: {  	v11 =	vsel vm12, $0xC, v13;
	v5 =	vsel vm12, v13, v5;
	vm12 =	vnez.u8 v9  }
0x9d: {  	v8 =	vsel vm1, v6, v8;
	v5 =	vsel vm12, $0xD, v5;
	vm12 =	vgt.f32 v6, v4  }
0x9e: {  	v12 =	vor.u32 $0x1D, v3;
	v8 =	vsel vm12, v4, v8  }
0x9f: {  	v4 =	vsel vm12, v6, v4;
	v6 =	vimm.s32 $0x0;
	vm1 =	vgt.f32 v7, v8  }
0xa0: {  	v6 =	vsel vm1, $0xFFFFFFFF, v6  }
0xa1: {  	[tilespmem:$0x1FD80] =	vst v6;
	v6 =	vld [tilespmem:$0x1FC90];
	_ =	sdelay $0x2  }
0xa2: {  	v9 =	vld.idx.msk [tilespmem:v12+s2+$0x0], $0xffff;
	_ =	sdelay $0x1  }
0xa3: {  	v5 =	vsel vm13, v11, v5;
	v11 =	vsel vm13, $0xD, v11;
	vm13 =	vnez.u8 v6  }
0xa4: {  	v8 =	vsel vm1, v7, v8;
	v5 =	vsel vm13, $0xE, v5;
	vm13 =	vgt.f32 v7, v4  }
0xa5: {  	[tilespmem:$0x1FD60] =	vst v10;
	v10 =	vor.u32 $0x1E, v3;
	v8 =	vsel vm13, v4, v8  }
0xa6: {  	v4 =	vsel vm13, v7, v4;
	v7 =	vimm.s32 $0x0;
	vm1 =	vgt.f32 v9, v8  }
0xa7: {  	v7 =	vsel vm1, $0xFFFFFFFF, v7  }
0xa8: {  	[tilespmem:$0x1FD90] =	vst v7;
	v7 =	vld [tilespmem:$0x1FCA0];
	_ =	sdelay $0x2  }
0xa9: {  	v6 =	vld.idx.msk [tilespmem:v10+s2+$0x0], $0xffff  }
0xaa: {  	v12 =	vor.u32 $0x1F, v3  }
0xab: {  	v13 =	vsel vm14, $0xE, v11;
	v5 =	vsel vm14, v11, v5;
	vm14 =	vnez.u8 v7  }
0xac: {  	v8 =	vsel vm1, v9, v8;
	v5 =	vsel vm14, $0xF, v5;
	vm14 =	vgt.f32 v9, v4  }
0xad: {  	v8 =	vsel vm14, v4, v8  }
0xae: {  	v4 =	vsel vm14, v9, v4;
	v9 =	vimm.s32 $0x0;
	vm1 =	vgt.f32 v6, v8  }
0xaf: {  	v7 =	vld.idx.msk [tilespmem:v12+s2+$0x0], $0xffff;
	v9 =	vsel vm1, $0xFFFFFFFF, v9  }
0xb0: {  	[tilespmem:$0x1FDA0] =	vst v9;
	v9 =	vld [tilespmem:$0x1FCB0]  }
0xb1: {  	v12 =	vsel vm15, $0xF, v13;
	v5 =	vsel vm15, v13, v5;
	v13 =	vld [tilespmem:$0x1FCC0]  }
0xb2: {  	v10 =	vor.u32 $0x20, v3;
	_ =	sdelay $0x2  }
0xb3: {  	v8 =	vsel vm1, v6, v8;
	vm15 =	vnez.u8 v9  }
0xb4: {  	vm1 =	vnez.u8 v13;
	v5 =	vsel vm15, $0x10, v5;
	vm15 =	vgt.f32 v6, v4  }
0xb5: {  	v9 =	vld.idx.msk [tilespmem:v10+s2+$0x0], $0xffff;
	v5 =	vsel vm0, v12, v5;
	v8 =	vsel vm15, v4, v8;
	v4 =	vsel vm15, v6, v4  }
0xb6: {  	v6 =	vimm.s32 $0x0;
	v5 =	vsel vm1, $0x11, v5;
	vm1 =	vgt.f32 v7, v8  }
0xb7: {  	v11 =	vor.u32 $0x21, v3;
	v6 =	vsel vm1, $0xFFFFFFFF, v6  }
0xb8: {  	v8 =	vsel vm1, v7, v8;
	[tilespmem:$0x1FDB0] =	vst v6;
	v6 =	vsel vm0, $0x10, v12;
	vm0 =	vgt.f32 v7, v4  }
0xb9: {  	v13 =	vsel vm3, $0x11, v6;
	v8 =	vsel vm0, v4, v8  }
0xba: {  	v5 =	vsel vm3, v6, v5;
	v6 =	vimm.s32 $0x0;
	vm1 =	vgt.f32 v9, v8  }
0xbb: {  	v6 =	vsel vm1, $0xFFFFFFFF, v6  }
0xbc: {  	[tilespmem:$0x1FDC0] =	vst v6;
	v6 =	vld [tilespmem:$0x1FCD0]  }
0xbd: {  	v11 =	vld.idx.msk [tilespmem:v11+s2+$0x0], $0xffff;
	_ =	sdelay $0x1  }
0xbe: {  	v4 =	vsel vm0, v7, v4  }
0xbf: {  	v10 =	vor.u32 $0x22, v3;
	v7 =	vsel vm1, v9, v8;
	vm1 =	vgt.f32 v9, v4  }
0xc0: {  	v7 =	vsel vm1, v4, v7;
	v4 =	vsel vm1, v9, v4;
	vm2 =	vnez.u8 v6  }
0xc1: {  	v9 =	vimm.s32 $0x0;
	v5 =	vsel vm2, $0x12, v5;
	vm2 =	vgt.f32 v11, v7  }
0xc2: {  	v9 =	vsel vm2, $0xFFFFFFFF, v9  }
0xc3: {  	[tilespmem:$0x1FDD0] =	vst v9;
	v9 =	vld [tilespmem:$0x1FCE0];
	_ =	sdelay $0x1  }
0xc4: {  	v6 =	vld.idx.msk [tilespmem:v10+s2+$0x0], $0xffff;
	_ =	sdelay $0x1  }
0xc5: {  	v12 =	vor.u32 $0x23, v3;
	v10 =	vsel vm4, $0x12, v13;
	v5 =	vsel vm4, v13, v5  }
0xc6: {  	v7 =	vsel vm2, v11, v7;
	vm4 =	vgt.f32 v11, v4;
	vm3 =	vnez.u8 v9  }
0xc7: {  	v13 =	vsel vm5, $0x13, v10;
	v7 =	vsel vm4, v4, v7;
	v5 =	vsel vm3, $0x13, v5  }
0xc8: {  	vm2 =	vgt.f32 v6, v7;
	v5 =	vsel vm5, v10, v5;
	v10 =	vimm.s32 $0x0  }
0xc9: {  	v10 =	vsel vm2, $0xFFFFFFFF, v10  }
0xca: {  	[tilespmem:$0x1FDE0] =	vst v10;
	v10 =	vld [tilespmem:$0x1FCF0]  }
0xcb: {  	v8 =	vor.u32 $0x24, v3;
	_ =	sdelay $0x1  }
0xcc: {  	v9 =	vld.idx.msk [tilespmem:v12+s2+$0x0], $0xffff;
	_ =	sdelay $0x1  }
0xcd: {  	v4 =	vsel vm4, v11, v4;
	vm3 =	vnez.u8 v10  }
0xce: {  	v8 =	vld.idx.msk [tilespmem:v8+s2+$0x0], $0xffff;
	v7 =	vsel vm2, v6, v7;
	v5 =	vsel vm3, $0x14, v5;
	vm3 =	vgt.f32 v6, v4  }
0xcf: {  	v11 =	vsel vm6, $0x14, v13;
	v7 =	vsel vm3, v4, v7;
	v5 =	vsel vm6, v13, v5  }
0xd0: {  	v4 =	vsel vm3, v6, v4;
	v6 =	vimm.s32 $0x0;
	vm2 =	vgt.f32 v9, v7  }
0xd1: {  	vm6 =	vgt.f32 v9, v4;
	v6 =	vsel vm2, $0xFFFFFFFF, v6;
	v7 =	vsel vm2, v9, v7  }
0xd2: {  	v12 =	vor.u32 $0x25, v3;
	[tilespmem:$0x1FDF0] =	vst v6;
	v6 =	vld [tilespmem:$0x1FD00];
	v7 =	vsel vm6, v4, v7  }
0xd3: {  	v4 =	vsel vm6, v9, v4;
	v9 =	vimm.s32 $0x0;
	vm2 =	vgt.f32 v8, v7  }
0xd4: {  	v9 =	vsel vm2, $0xFFFFFFFF, v9  }
0xd5: {  	v10 =	vor.u32 $0x26, v3;
	[tilespmem:$0x1FE00] =	vst v9;
	v9 =	vld [tilespmem:$0x1FD10];
	_ =	sdelay $0x1  }
0xd6: {  	vm5 =	vnez.u8 v6;
	v6 =	vld.idx.msk [tilespmem:v12+s2+$0x0], $0xffff;
	_ =	sdelay $0x1  }
0xd7: {  	v13 =	vsel vm7, $0x15, v11;
	v7 =	vsel vm2, v8, v7;
	vm2 =	vgt.f32 v8, v4  }
0xd8: {  	v7 =	vsel vm2, v4, v7;
	v5 =	vsel vm5, $0x15, v5;
	vm5 =	vnez.u8 v9;
	v9 =	vld.idx.msk [tilespmem:v10+s2+$0x0], $0xffff  }
0xd9: {  	v4 =	vsel vm2, v8, v4;
	v8 =	vimm.s32 $0x0;
	v5 =	vsel vm7, v11, v5  }
0xda: {  	v11 =	vsel vm8, $0x16, v13;
	v5 =	vsel vm5, $0x16, v5;
	vm5 =	vgt.f32 v6, v7  }
0xdb: {  	v5 =	vsel vm8, v13, v5;
	vm8 =	vgt.f32 v6, v4;
	v7 =	vsel vm5, v6, v7  }
0xdc: {  	v12 =	vor.u32 $0x27, v3;
	v8 =	vsel vm5, $0xFFFFFFFF, v8;
	v7 =	vsel vm8, v4, v7  }
0xdd: {  	[tilespmem:$0x1FE10] =	vst v8;
	v8 =	vld [tilespmem:$0x1FD20];
	v4 =	vsel vm8, v6, v4;
	v6 =	vimm.s32 $0x0;
	vm5 =	vgt.f32 v9, v7  }
0xde: {  	v6 =	vsel vm5, $0xFFFFFFFF, v6  }
0xdf: {  	[tilespmem:$0x1FE20] =	vst v6;
	v6 =	vld [tilespmem:$0x1FD30]  }
0xe0: {  	v10 =	vor.u32 $0x28, v3;
	_ =	sdelay $0x1  }
0xe1: {  	vm7 =	vnez.u8 v8;
	v8 =	vld.idx.msk [tilespmem:v12+s2+$0x0], $0xffff  }
0xe2: {  	v5 =	vsel vm7, $0x17, v5  }
0xe3: {  	v13 =	vsel vm9, $0x17, v11;
	v5 =	vsel vm9, v11, v5;
	vm9 =	vnez.u8 v6  }
0xe4: {  	v7 =	vsel vm5, v9, v7;
	v6 =	vld.idx.msk [tilespmem:v10+s2+$0x0], $0xffff;
	v5 =	vsel vm9, $0x18, v5;
	vm9 =	vgt.f32 v9, v4  }
0xe5: {  	v7 =	vsel vm9, v4, v7  }
0xe6: {  	v4 =	vsel vm9, v9, v4;
	v9 =	vimm.s32 $0x0;
	vm5 =	vgt.f32 v8, v7  }
0xe7: {  	v9 =	vsel vm5, $0xFFFFFFFF, v9;
	v7 =	vsel vm5, v8, v7;
	vm5 =	vgt.f32 v8, v4  }
0xe8: {  	v7 =	vsel vm5, v4, v7  }
0xe9: {  	[tilespmem:$0x1FE30] =	vst v9;
	v9 =	vld [tilespmem:$0x1FD40];
	v4 =	vsel vm5, v8, v4;
	v8 =	vimm.s32 $0x0;
	vm7 =	vgt.f32 v6, v7  }
0xea: {  	v8 =	vsel vm7, $0xFFFFFFFF, v8  }
0xeb: {  	[tilespmem:$0x1FE40] =	vst v8;
	v8 =	vld [tilespmem:$0x1FD50]  }
0xec: {  	v11 =	vsel vm10, $0x18, v13;
	v5 =	vsel vm10, v13, v5;
	v13 =	vld [tilespmem:$0x1FD60]  }
0xed: {  	v12 =	vor.u32 $0x29, v3  }
0xee: {  	vm10 =	vnez.u8 v9  }
0xef: {  	v5 =	vsel vm10, $0x19, v5  }
0xf0: {  	v5 =	vsel vm11, v11, v5;
	vm10 =	vnez.u8 v8  }
0xf1: {  	v10 =	vor.u32 $0x2A, v3;
	v5 =	vsel vm10, $0x1A, v5;
	vm10 =	vnez.u8 v13;
	v13 =	vld [tilespmem:$0x1FD70]  }
0xf2: {  	v9 =	vld.idx.msk [tilespmem:v12+s2+$0x0], $0xffff;
	_ =	sdelay $0x1  }
0xf3: {  	v7 =	vsel vm7, v6, v7;
	vm7 =	vgt.f32 v6, v4  }
0xf4: {  	v7 =	vsel vm7, v4, v7;
	v11 =	vsel vm11, $0x19, v11  }
0xf5: {  	v4 =	vsel vm7, v6, v4;
	v8 =	vld.idx.msk [tilespmem:v10+s2+$0x0], $0xffff;
	v5 =	vsel vm10, v11, v5;
	vm11 =	vnez.u8 v13  }
0xf6: {  	v6 =	vimm.s32 $0x0;
	v5 =	vsel vm11, $0x1B, v5;
	vm11 =	vgt.f32 v9, v7  }
0xf7: {  	v12 =	vor.u32 $0x2B, v3;
	v10 =	vimm.s32 $0x0;
	v6 =	vsel vm11, $0xFFFFFFFF, v6  }
0xf8: {  	v7 =	vsel vm11, v9, v7;
	vm11 =	vgt.f32 v9, v4;
	[tilespmem:$0x1FE60] =	vst v6;
	v6 =	vsel vm10, $0x1A, v11  }
0xf9: {  	v10 =	vsel vm7, $0xFFFFFFFF, v10;
	v7 =	vsel vm11, v4, v7;
	v13 =	vsel vm12, $0x1B, v6  }
0xfa: {  	v5 =	vsel vm12, v6, v5;
	vm7 =	vgt.f32 v8, v7;
	v6 =	vimm.s32 $0x0  }
0xfb: {  	v6 =	vsel vm7, $0xFFFFFFFF, v6  }
0xfc: {  	[tilespmem:$0x1FE80] =	vst v6;
	v6 =	vld [tilespmem:$0x1FD80];
	_ =	sdelay $0x1  }
0xfd: {  	[tilespmem:$0x1FE50] =	vst v10;
	v10 =	vor.u32 $0x2C, v3  }
0xfe: {  	v11 =	vld.idx.msk [tilespmem:v12+s2+$0x0], $0xffff  }
0xff: {  	v12 =	vimm.s32 $0x0  }
0x100: {  	v4 =	vsel vm11, v9, v4;
	v12 =	vsel vm11, $0xFFFFFFFF, v12;
	vm12 =	vnez.u8 v6  }
0x101: {  	v7 =	vsel vm7, v8, v7;
	v5 =	vsel vm12, $0x1C, v5;
	vm12 =	vgt.f32 v8, v4  }
0x102: {  	v6 =	vld.idx.msk [tilespmem:v10+s2+$0x0], $0xffff;
	v10 =	vsel vm13, $0x1C, v13;
	v7 =	vsel vm12, v4, v7;
	v5 =	vsel vm13, v13, v5  }
0x103: {  	v4 =	vsel vm12, v8, v4;
	v8 =	vimm.s32 $0x0;
	vm13 =	vgt.f32 v11, v7  }
0x104: {  	[tilespmem:$0x1FE70] =	vst v12;
	v8 =	vsel vm13, $0xFFFFFFFF, v8  }
0x105: {  	v12 =	vor.u32 $0x2D, v3;
	[tilespmem:$0x1FEA0] =	vst v8;
	v8 =	vld [tilespmem:$0x1FD90];
	_ =	sdelay $0x1  }
0x106: {  	v9 =	vimm.s32 $0x0  }
0x107: {  	v9 =	vsel vm12, $0xFFFFFFFF, v9  }
0x108: {  	v13 =	vsel vm14, $0x1D, v10;
	v7 =	vsel vm13, v11, v7;
	vm13 =	vgt.f32 v11, v4  }
0x109: {  	v7 =	vsel vm13, v4, v7;
	vm12 =	vnez.u8 v8;
	v8 =	vld.idx.msk [tilespmem:v12+s2+$0x0], $0xffff;
	v12 =	vimm.s32 $0x0  }
0x10a: {  	v4 =	vsel vm13, v11, v4;
	v5 =	vsel vm12, $0x1D, v5;
	v12 =	vsel vm13, $0xFFFFFFFF, v12  }
0x10b: {  	v5 =	vsel vm14, v10, v5;
	vm14 =	vgt.f32 v6, v7;
	v10 =	vimm.s32 $0x0  }
0x10c: {  	[tilespmem:$0x1FE90] =	vst v9;
	vm13 =	vgt.f32 v6, v4;
	v10 =	vsel vm14, $0xFFFFFFFF, v10;
	v7 =	vsel vm14, v6, v7  }
0x10d: {  	v9 =	vor.u32 $0x2E, v3;
	[tilespmem:$0x1FEC0] =	vst v10;
	v10 =	vld [tilespmem:$0x1FDA0];
	v7 =	vsel vm13, v4, v7  }
0x10e: {  	v4 =	vsel vm13, v6, v4;
	v6 =	vimm.s32 $0x0;
	vm14 =	vgt.f32 v8, v7  }
0x10f: {  	[tilespmem:$0x1FEB0] =	vst v12;
	v6 =	vsel vm14, $0xFFFFFFFF, v6  }
0x110: {  	v12 =	vor.u32 $0x2F, v3;
	[tilespmem:$0x1FEE0] =	vst v6;
	v6 =	vld [tilespmem:$0x1FDB0]  }
0x111: {  	vm7 =	vgt.f32 v8, v4  }
0x112: {  	v9 =	vld.idx.msk [tilespmem:v9+s2+$0x0], $0xffff;
	v7 =	vsel vm14, v8, v7;
	vm12 =	vnez.u8 v10;
	v10 =	vimm.s32 $0x0  }
0x113: {  	v7 =	vsel vm7, v4, v7;
	v10 =	vsel vm13, $0xFFFFFFFF, v10  }
0x114: {  	v4 =	vsel vm7, v8, v4;
	v8 =	vld [tilespmem:$0x1FDC0];
	v5 =	vsel vm12, $0x1E, v5;
	[tilespmem:$0x1FED0] =	vst v10;
	v10 =	vor.u32 $0x30, v3  }
0x115: {  	v11 =	vsel vm15, $0x1E, v13;
	v5 =	vsel vm15, v13, v5;
	vm15 =	vnez.u8 v6;
	v6 =	vld.idx.msk [tilespmem:v12+s2+$0x0], $0xffff  }
0x116: {  	v5 =	vsel vm15, $0x1F, v5  }
0x117: {  	v13 =	vsel vm0, $0x1F, v11;
	v5 =	vsel vm0, v11, v5;
	vm0 =	vgt.f32 v9, v7  }
0x118: {  	vm14 =	vgt.f32 v9, v4;
	v7 =	vsel vm0, v9, v7  }
0x119: {  	vm12 =	vnez.u8 v8;
	v8 =	vld.idx.msk [tilespmem:v10+s2+$0x0], $0xffff;
	v7 =	vsel vm14, v4, v7  }
0x11a: {  	v4 =	vsel vm14, v9, v4;
	v9 =	vimm.s32 $0x0;
	vm13 =	vgt.f32 v6, v7  }
0x11b: {  	v12 =	vor.u32 $0x31, v3;
	v9 =	vsel vm13, $0xFFFFFFFF, v9  }
0x11c: {  	v5 =	vsel vm12, $0x20, v5;
	vm12 =	vgt.f32 v6, v4;
	v7 =	vsel vm13, v6, v7;
	[tilespmem:$0x1FEF0] =	vst v9;
	v9 =	vld [tilespmem:$0x1FDD0]  }
0x11d: {  	v7 =	vsel vm12, v4, v7  }
0x11e: {  	v4 =	vsel vm12, v6, v4;
	v6 =	vimm.s32 $0x0;
	vm13 =	vgt.f32 v8, v7  }
0x11f: {  	v6 =	vsel vm13, $0xFFFFFFFF, v6  }
0x120: {  	v10 =	vor.u32 $0x32, v3;
	[tilespmem:$0x1FF10] =	vst v6;
	v6 =	vld [tilespmem:$0x1FDE0]  }
0x121: {  	vm15 =	vnez.u8 v9;
	v9 =	vld.idx.msk [tilespmem:v12+s2+$0x0], $0xffff;
	_ =	sdelay $0x1  }
0x122: {  	v11 =	vsel vm1, $0x20, v13;
	v7 =	vsel vm13, v8, v7;
	vm13 =	vgt.f32 v8, v4  }
0x123: {  	v5 =	vsel vm1, v13, v5;
	v7 =	vsel vm13, v4, v7;
	v4 =	vsel vm13, v8, v4  }
0x124: {  	v12 =	vimm.s32 $0x0;
	v5 =	vsel vm15, $0x21, v5;
	vm15 =	vnez.u8 v6;
	v6 =	vld.idx.msk [tilespmem:v10+s2+$0x0], $0xffff  }
0x125: {  	v8 =	vimm.s32 $0x0;
	v12 =	vsel vm12, $0xFFFFFFFF, v12;
	vm10 =	vgt.f32 v9, v7  }
0x126: {  	[tilespmem:$0x1FF00] =	vst v12;
	v12 =	vor.u32 $0x33, v3;
	v5 =	vsel vm4, v11, v5;
	v8 =	vsel vm10, $0xFFFFFFFF, v8  }
0x127: {  	v5 =	vsel vm15, $0x22, v5;
	vm15 =	vgt.f32 v9, v4;
	v7 =	vsel vm10, v9, v7;
	[tilespmem:$0x1FF20] =	vst v8;
	v8 =	vld [tilespmem:$0x1FDF0]  }
0x128: {  	v7 =	vsel vm15, v4, v7  }
0x129: {  	v4 =	vsel vm15, v9, v4;
	v9 =	vimm.s32 $0x0;
	vm12 =	vgt.f32 v6, v7  }
0x12a: {  	v9 =	vsel vm12, $0xFFFFFFFF, v9  }
0x12b: {  	v11 =	vsel vm4, $0x21, v11;
	v10 =	vor.u32 $0x34, v3;
	[tilespmem:$0x1FF30] =	vst v9;
	v9 =	vld [tilespmem:$0x1FE00]  }
0x12c: {  	v13 =	vsel vm3, $0x22, v11;
	v5 =	vsel vm3, v11, v5;
	vm11 =	vnez.u8 v8;
	v8 =	vld.idx.msk [tilespmem:v12+s2+$0x0], $0xffff  }
0x12d: {  	v11 =	vor.u32 $0x35, v3;
	vm10 =	vgt.f32 v6, v4;
	v5 =	vsel vm11, $0x23, v5  }
0x12e: {  	v7 =	vsel vm12, v6, v7;
	v12 =	vsel vm6, $0x23, v13;
	v5 =	vsel vm6, v13, v5;
	v13 =	vld [tilespmem:$0x1FE10]  }
0x12f: {  	v7 =	vsel vm10, v4, v7;
	v4 =	vsel vm10, v6, v4  }
0x130: {  	v6 =	vimm.s32 $0x0;
	vm6 =	vnez.u8 v9;
	v9 =	vld.idx.msk [tilespmem:v10+s2+$0x0], $0xffff;
	v10 =	vimm.s32 $0x0  }
0x131: {  	v5 =	vsel vm6, $0x24, v5;
	v10 =	vsel vm10, $0xFFFFFFFF, v10;
	vm12 =	vgt.f32 v8, v7  }
0x132: {  	vm4 =	vgt.f32 v8, v4;
	v5 =	vsel vm2, v12, v5;
	v6 =	vsel vm12, $0xFFFFFFFF, v6  }
0x133: {  	v11 =	vld.idx.msk [tilespmem:v11+s2+$0x0], $0xffff;
	v7 =	vsel vm12, v8, v7;
	vm11 =	vnez.u8 v13;
	[tilespmem:$0x1FF50] =	vst v6;
	v6 =	vsel vm2, $0x24, v12  }
0x134: {  	v7 =	vsel vm4, v4, v7;
	v4 =	vsel vm4, v8, v4;
	v5 =	vsel vm11, $0x25, v5  }
0x135: {  	v13 =	vsel vm8, $0x25, v6;
	v5 =	vsel vm8, v6, v5;
	vm6 =	vgt.f32 v9, v7  }
0x136: {  	v6 =	vimm.s32 $0x0;
	vm12 =	vgt.f32 v9, v4;
	v7 =	vsel vm6, v9, v7  }
0x137: {  	[tilespmem:$0x1FF40] =	vst v10;
	v10 =	vor.u32 $0x36, v3;
	v6 =	vsel vm6, $0xFFFFFFFF, v6;
	v7 =	vsel vm12, v4, v7  }
0x138: {  	[tilespmem:$0x1FF70] =	vst v6;
	v6 =	vld [tilespmem:$0x1FE20];
	v4 =	vsel vm12, v9, v4;
	v9 =	vimm.s32 $0x0;
	vm10 =	vgt.f32 v11, v7  }
0x139: {  	v12 =	vimm.s32 $0x0;
	v9 =	vsel vm10, $0xFFFFFFFF, v9  }
0x13a: {  	v12 =	vsel vm4, $0xFFFFFFFF, v12;
	[tilespmem:$0x1FF80] =	vst v9;
	v9 =	vld [tilespmem:$0x1FE30]  }
0x13b: {  	[tilespmem:$0x1FF60] =	vst v12;
	v12 =	vor.u32 $0x37, v3;
	_ =	sdelay $0x1  }
0x13c: {  	vm8 =	vnez.u8 v6;
	v6 =	vld.idx.msk [tilespmem:v10+s2+$0x0], $0xffff  }
0x13d: {  	v5 =	vsel vm8, $0x26, v5  }
0x13e: {  	v5 =	vsel vm9, v13, v5;
	vm11 =	vnez.u8 v9  }
0x13f: {  	v7 =	vsel vm10, v11, v7;
	v9 =	vld.idx.msk [tilespmem:v12+s2+$0x0], $0xffff;
	v5 =	vsel vm11, $0x27, v5;
	vm11 =	vgt.f32 v11, v4  }
0x140: {  	v10 =	vsel vm9, $0x26, v13;
	v13 =	vld [tilespmem:$0x1FE40];
	v7 =	vsel vm11, v4, v7  }
0x141: {  	v4 =	vsel vm11, v11, v4;
	vm6 =	vgt.f32 v6, v7  }
0x142: {  	vm9 =	vgt.f32 v6, v4;
	v7 =	vsel vm6, v6, v7  }
0x143: {  	v8 =	vor.u32 $0x38, v3;
	v7 =	vsel vm9, v4, v7  }
0x144: {  	v4 =	vsel vm9, v6, v4;
	v6 =	vimm.s32 $0x0;
	vm10 =	vgt.f32 v9, v7  }
0x145: {  	vm4 =	vnez.u8 v13;
	v13 =	vld [tilespmem:$0x1FE50];
	v6 =	vsel vm10, $0xFFFFFFFF, v6  }
0x146: {  	v12 =	vor.u32 $0x39, v3;
	[tilespmem:$0x1FFA0] =	vst v6;
	v6 =	vld [tilespmem:$0x1FE60];
	_ =	sdelay $0x2  }
0x147: {  	v8 =	vld.idx.msk [tilespmem:v8+s2+$0x0], $0xffff;
	v5 =	vsel vm5, v10, v5  }
0x148: {  	v11 =	vimm.s32 $0x0;
	v10 =	vsel vm5, $0x27, v10;
	v5 =	vsel vm4, $0x28, v5  }
0x149: {  	v7 =	vsel vm10, v9, v7;
	vm8 =	vnez.u8 v13;
	vm4 =	vnez.u8 v6;
	v6 =	vld.idx.msk [tilespmem:v12+s2+$0x0], $0xffff  }
0x14a: {  	v13 =	vsel vm8, $0x28, v10;
	v5 =	vsel vm8, v10, v5;
	vm8 =	vgt.f32 v9, v4;
	v12 =	vld [tilespmem:$0x1FE70]  }
0x14b: {  	v11 =	vsel vm6, $0xFFFFFFFF, v11;
	v7 =	vsel vm8, v4, v7  }
0x14c: {  	v4 =	vsel vm8, v9, v4;
	v9 =	vimm.s32 $0x0;
	vm6 =	vgt.f32 v8, v7  }
0x14d: {  	[tilespmem:$0x1FF90] =	vst v11;
	v9 =	vsel vm6, $0xFFFFFFFF, v9;
	v7 =	vsel vm6, v8, v7;
	vm6 =	vgt.f32 v8, v4  }
0x14e: {  	v11 =	vor.u32 $0x3A, v3;
	v5 =	vsel vm4, $0x29, v5;
	[tilespmem:$0x1FFB0] =	vst v9;
	v9 =	vld [tilespmem:$0x1FE80];
	v7 =	vsel vm6, v4, v7  }
0x14f: {  	v4 =	vsel vm6, v8, v4;
	v8 =	vimm.s32 $0x0;
	vm5 =	vnez.u8 v12  }
0x150: {  	v12 =	vsel vm5, $0x29, v13;
	v5 =	vsel vm5, v13, v5;
	vm5 =	vgt.f32 v6, v7  }
0x151: {  	v13 =	vld [tilespmem:$0x1FE90];
	v8 =	vsel vm5, $0xFFFFFFFF, v8  }
0x152: {  	[tilespmem:$0x1FFC0] =	vst v8;
	v8 =	vld [tilespmem:$0x1FEA0]  }
0x153: {  	vm10 =	vnez.u8 v9;
	v9 =	vld.idx.msk [tilespmem:v11+s2+$0x0], $0xffff;
	_ =	sdelay $0x1  }
0x154: {  	v10 =	vor.u32 $0x3B, v3;
	v7 =	vsel vm5, v6, v7;
	vm5 =	vgt.f32 v6, v4  }
0x155: {  	v5 =	vsel vm10, $0x2A, v5;
	v7 =	vsel vm5, v4, v7;
	vm4 =	vnez.u8 v13  }
0x156: {  	v4 =	vsel vm5, v6, v4;
	v5 =	vsel vm4, v12, v5;
	vm10 =	vnez.u8 v8  }
0x157: {  	v6 =	vimm.s32 $0x0;
	v5 =	vsel vm10, $0x2B, v5;
	vm10 =	vgt.f32 v9, v7  }
0x158: {  	v13 =	vsel vm4, $0x2A, v12;
	v12 =	vld [tilespmem:$0x1FEB0];
	v6 =	vsel vm10, $0xFFFFFFFF, v6  }
0x159: {  	[tilespmem:$0x1FFD0] =	vst v6;
	v6 =	vld [tilespmem:$0x1FEC0];
	_ =	sdelay $0x2  }
0x15a: {  	v8 =	vld.idx.msk [tilespmem:v10+s2+$0x0], $0xffff  }
0x15b: {  	v11 =	vor.u32 $0x3C, v3;
	vm4 =	vnez.u8 v12  }
0x15c: {  	v12 =	vsel vm4, $0x2B, v13;
	v5 =	vsel vm4, v13, v5;
	vm4 =	vnez.u8 v6  }
0x15d: {  	v7 =	vsel vm10, v9, v7;
	v5 =	vsel vm4, $0x2C, v5;
	vm4 =	vgt.f32 v9, v4  }
0x15e: {  	v13 =	vld [tilespmem:$0x1FED0];
	v7 =	vsel vm4, v4, v7  }
0x15f: {  	v4 =	vsel vm4, v9, v4;
	v9 =	vimm.s32 $0x0;
	vm2 =	vgt.f32 v8, v7  }
0x160: {  	v9 =	vsel vm2, $0xFFFFFFFF, v9  }
0x161: {  	[tilespmem:$0x1FFE0] =	vst v9;
	v9 =	vld [tilespmem:$0x1FEE0]  }
0x162: {  	v6 =	vld.idx.msk [tilespmem:v11+s2+$0x0], $0xffff  }
0x163: {  	v10 =	vor.u32 $0x3D, v3;
	vm10 =	vnez.u8 v13  }
0x164: {  	v11 =	vor.u32 $0x3E, v3;
	v5 =	vsel vm10, v12, v5  }
0x165: {  	v12 =	vsel vm10, $0x2C, v12;
	vm3 =	vgt.f32 v8, v4;
	v7 =	vsel vm2, v8, v7  }
0x166: {  	v7 =	vsel vm3, v4, v7;
	v4 =	vsel vm3, v8, v4;
	vm10 =	vnez.u8 v9  }
0x167: {  	v8 =	vimm.s32 $0x0;
	v5 =	vsel vm10, $0x2D, v5;
	vm10 =	vgt.f32 v6, v7  }
0x168: {  	v9 =	vld.idx.msk [tilespmem:v10+s2+$0x0], $0xffff;
	v5 =	vsel vm7, v12, v5;
	v8 =	vsel vm10, $0xFFFFFFFF, v8  }
0x169: {  	v10 =	vsel vm7, $0x2D, v12;
	[tilespmem:$0x1FFF0] =	vst v8;
	v5 =	vsel vm0, $0x2E, v5;
	v8 =	vld.idx.msk [tilespmem:v11+s2+$0x0], $0xffff  }
0x16a: {  	v11 =	vsel vm14, $0x2E, v10;
	v5 =	vsel vm14, v10, v5;
	v10 =	vld [tilespmem:$0x1FEF0];
	_ =	sdelay $0x2  }
0x16b: {  	vm2 =	vgt.f32 v6, v4;
	v7 =	vsel vm10, v6, v7  }
0x16c: {  	v7 =	vsel vm2, v4, v7;
	v4 =	vsel vm2, v6, v4;
	v6 =	vld [tilespmem:$0x1FF00]  }
0x16d: {  	vm7 =	vnez.u8 v10;
	v10 =	vld [tilespmem:$0x1FF10];
	_ =	sdelay $0x2  }
0x16e: {  	v3 =	vor.u32 $0x3F, v3;
	vm14 =	vgt.f32 v9, v7;
	vm1 =	vgt.f32 v9, v4  }
0x16f: {  	vm10 =	vnez.u8 v6;
	v6 =	vsel vm14, v9, v7;
	v5 =	vsel vm7, $0x2F, v5  }
0x170: {  	v7 =	vsel vm10, $0x2F, v11;
	v5 =	vsel vm10, v11, v5;
	vm10 =	vnez.u8 v10  }
0x171: {  	v6 =	vsel vm1, v4, v6;
	v4 =	vsel vm1, v9, v4;
	v5 =	vsel vm10, $0x30, v5  }
0x172: {  	v10 =	vsel vm13, $0x30, v7;
	vm10 =	vgt.f32 v8, v6;
	v5 =	vsel vm13, v7, v5;
	v7 =	vld [tilespmem:$0x1FF20]  }
0x173: {  	v6 =	vsel vm10, v8, v6;
	vm13 =	vgt.f32 v8, v4  }
0x174: {  	v6 =	vsel vm13, v4, v6;
	v4 =	vsel vm13, v8, v4;
	v8 =	vld [tilespmem:$0x1FF30];
	_ =	sdelay $0x2  }
0x175: {  	v3 =	vld.idx.msk [tilespmem:v3+s2+$0x0], $0xffff;
	vm0 =	vnez.u8 v7  }
0x176: {  	v5 =	vsel vm0, $0x31, v5  }
0x177: {  	v7 =	vsel vm15, $0x31, v10;
	v5 =	vsel vm15, v10, v5;
	vm15 =	vnez.u8 v8;
	v8 =	vld [tilespmem:$0x1FF40];
	_ =	sdelay $0x2  }
0x178: {  	vm7 =	vgt.f32 v3, v6  }
0x179: {  	v6 =	vsel vm7, v3, v6;
	v5 =	vsel vm15, $0x32, v5;
	vm15 =	vgt.f32 v3, v4  }
0x17a: {  	v6 =	vsel vm15, v4, v6;
	vm0 =	vnez.u8 v8  }
0x17b: {  	v3 =	vsel vm15, v3, v4;
	v5 =	vsel vm0, v7, v5;
	v4 =	vsel vm0, $0x32, v7;
	v7 =	vld [tilespmem:$0x1FF50]  }
0x17c: {  	v3 =	vsub.f32 v6, v3;
	v6 =	vld [tilespmem:$0x1FF60];
	_ =	sdelay $0x3  }
0x17d: {  	vm0 =	vnez.u8 v7  }
0x17e: {  	v5 =	vsel vm0, $0x33, v5;
	vm0 =	vnez.u8 v6;
	v6 =	vld [tilespmem:$0x1FF70];
	_ =	sdelay $0x4  }
0x17f: {  	v5 =	vsel vm0, v4, v5;
	v4 =	vsel vm0, $0x33, v4;
	vm0 =	vnez.u8 v6;
	v6 =	vld [tilespmem:$0x1FF80];
	_ =	sdelay $0x3  }
0x180: {  	v3 =	vmul.f32 $1.442695020e+00, v3;
	v5 =	vsel vm0, $0x34, v5  }
0x181: {  	v5 =	vsel vm12, v4, v5;
	v4 =	vsel vm12, $0x34, v4;
	vm12 =	vnez.u8 v6  }
0x182: {  	v5 =	vsel vm12, $0x35, v5  }
0x183: {  	(erf) = vpow2.f32 v3;
	v3 =	vsel vm11, v4, v5;
	v5 =	vld [tilespmem:$0x1FF90];
	_ =	sdelay $0x4  }
0x184: {  	vm12 =	vnez.u8 v5;
	v5 =	vld [tilespmem:$0x1FFA0];
	_ =	sdelay $0x4  }
0x185: {  	v4 =	vsel vm11, $0x35, v4;
	vm11 =	vnez.u8 v5;
	v5 =	vld [tilespmem:$0x1FFB0];
	_ =	sdelay $0x4  }
0x186: {  	v3 =	vsel vm12, $0x36, v3;
	vm12 =	vnez.u8 v5;
	v5 =	vld [tilespmem:$0x1FFC0];
	_ =	sdelay $0x2  }
0x187: {  	v3 =	vsel vm9, v4, v3  }
0x188: {  	v4 =	vsel vm9, $0x36, v4;
	v3 =	vsel vm11, $0x37, v3  }
0x189: {  	v3 =	vsel vm8, v4, v3;
	v4 =	vsel vm8, $0x37, v4;
	vm8 =	vnez.u8 v5;
	v5 =	vld [tilespmem:$0x1FFD0];
	_ =	sdelay $0x3  }
0x18a: {  	v7 =	vpop (erf)  }
0x18b: {  	v6 =	vld [tilespmem:$0x1FFE0];
	v3 =	vsel vm12, $0x38, v3;
	vm9 =	vnez.u8 v5;
	v5 =	vadd.f32 $1.000000000e+00, v7  }
0x18c: {  	v3 =	vsel vm6, v4, v3  }
0x18d: {  	v4 =	vsel vm6, $0x38, v4;
	v3 =	vsel vm8, $0x39, v3;
	(erf) = vrcp.f32 v5;
	v5 =	vld [tilespmem:$0x1FFF0]  }
0x18e: {  	v3 =	vsel vm5, v4, v3  }
0x18f: {  	v4 =	vsel vm5, $0x39, v4;
	v3 =	vsel vm9, $0x3A, v3  }
0x190: {  	vm11 =	vnez.u8 v6;
	v3 =	vsel vm4, v4, v3  }
0x191: {  	v4 =	vsel vm4, $0x3A, v4;
	v3 =	vsel vm11, $0x3B, v3  }
0x192: {  	v3 =	vsel vm3, v4, v3;
	vm12 =	vnez.u8 v5  }
0x193: {  	v4 =	vsel vm3, $0x3B, v4;
	v3 =	vsel vm12, $0x3C, v3  }
0x194: {  	v3 =	vsel vm2, v4, v3  }
0x195: {  	v4 =	vsel vm2, $0x3C, v4;
	v3 =	vsel vm14, $0x3D, v3  }
0x196: {  	v3 =	vsel vm1, v4, v3  }
0x197: {  	v8 =	vshll.u32 v2, $0x3;
	v4 =	vsel vm1, $0x3D, v4;
	v3 =	vsel vm10, $0x3E, v3  }
0x198: {  	s12 =	simm.s32 $0x10;
	v5 =	vor.u32 $0x1, v8;
	v2 =	vsel vm13, v4, v3  }
0x199: {  	v10 =	vpop (erf);
	v6 =	vsel vm13, $0x3E, v4;
	v3 =	vsel vm7, $0x3F, v2;
	v2 =	vor.u32 s12, v0  }
0x19a: {  	v7 =	vmul.f32 v10, v7;
	v4 =	vsel vm15, v6, v3;
	v3 =	vshll.u32 v2, $0x6  }
0x19b: {  	v9 =	vsel vm15, $0x3F, v6;
	v6 =	vor.u32 $0x1, v3;
	v19 =	vor.u32 $0x2, v3  }
0x19c: {  	[tilespmem:v8+s8+$0x0] =	vst.idx.msk $0xffff, v10;
	v15 =	vor.u32 $0x3, v3;
	v16 =	vor.u32 $0x4, v3;
	v17 =	vor.u32 $0x5, v3  }
0x19d: {  	[tilespmem:v5+s8+$0x0] =	vst.idx.msk $0xffff, v7;
	v18 =	vor.u32 $0x6, v3;
	v13 =	vor.u32 $0x7, v3;
	v12 =	vor.u32 $0x8, v3  }
0x19e: {  	s12 =	simm.s32 $0x20;
	[tilespmem:v8+s9+$0x0] =	vst.idx.msk $0xffff, v9;
	v11 =	vor.u32 $0x9, v3;
	v20 =	vor.u32 $0xA, v3;
	v10 =	vor.u32 $0xB, v3  }
.LBB2_2:
0x19f: {  	p0 =	sne.s32 s12, $0xF0;
	v26 =	vor.u32 $0xC, v3;
	v27 =	vor.u32 $0xD, v3;
	v24 =	vor.u32 $0xE, v3;
	[tilespmem:v5+s9+$0x0] =	vst.idx.msk $0xffff, v4;
	s13 =	smov.u32 s12;
	s12 =	sadd.s32 $0x10, s12  }
0x1a0: {  	v23 =	vor.u32 $0xF, v3;
	v14 =	vor.u32 $0x10, v3;
	v8 =	vor.u32 $0x11, v3;
	v22 =	vld.idx.msk [tilespmem:v6+s2+$0x0], $0xffff  }
0x1a1: {  	v7 =	vor.u32 $0x12, v3;
	v5 =	vor.u32 $0x14, v3;
	v6 =	vor.u32 $0x13, v3;
	v28 =	vld.idx.msk [tilespmem:v3+s2+$0x0], $0xffff  }
0x1a2: {  	v4 =	vor.u32 $0x15, v3;
	v40 =	vor.u32 $0x16, v3;
	v39 =	vor.u32 $0x17, v3  }
0x1a3: {  	v38 =	vor.u32 $0x18, v3;
	v9 =	vor.u32 $0x19, v3;
	v37 =	vor.u32 $0x1A, v3  }
0x1a4: {  	v34 =	vor.u32 $0x1B, v3;
	v30 =	vor.u32 $0x1C, v3;
	v21 =	vor.u32 $0x1D, v3;
	v19 =	vld.idx.msk [tilespmem:v19+s2+$0x0], $0xffff  }
0x1a5: {  	v36 =	vor.u32 $0x1E, v3;
	v35 =	vor.u32 $0x1F, v3;
	v31 =	vor.u32 $0x20, v3  }
0x1a6: {  	v25 =	vor.u32 $0x21, v3;
	vm0 =	vlt.f32 v22, $-Inf;
	vm1 =	vgt.f32 v22, $-Inf  }
0x1a7: {  	vm2 =	vgt.f32 v22, v28;
	vm0 =	vmor vm1, vm0;
	v29 =	vld.idx.msk [tilespmem:v15+s2+$0x0], $0xffff;
	v15 =	vor.u32 $0x22, v3  }
0x1a8: {  	vm1 =	vmneg vm2;
	v32 =	vnsel vm0, $0xFF800000, v22;
	v33 =	vsel vm2, $0x1, v1  }
0x1a9: {  	v32 =	vsel vm1, v32, v28;
	vm0 =	vmand vm1, vm0;
	v22 =	vsel vm1, v28, v22  }
0x1aa: {  	v28 =	vsel vm0, $0x1, v1;
	vm0 =	vgt.f32 v19, v32;
	v41 =	vld.idx.msk [tilespmem:v16+s2+$0x0], $0xffff;
	v16 =	vor.u32 $0x23, v3  }
0x1ab: {  	vm1 =	vgt.f32 v19, v22;
	v32 =	vsel vm0, v19, v32;
	v28 =	vsel vm0, $0x2, v28  }
0x1ac: {  	v19 =	vsel vm1, v19, v22;
	v32 =	vsel vm1, v22, v32;
	v28 =	vsel vm1, v33, v28  }
0x1ad: {  	v22 =	vsel vm1, $0x2, v33;
	vm0 =	vgt.f32 v29, v32;
	v33 =	vld.idx.msk [tilespmem:v17+s2+$0x0], $0xffff;
	v17 =	vor.u32 $0x24, v3  }
0x1ae: {  	vm1 =	vgt.f32 v29, v19;
	v32 =	vsel vm0, v29, v32;
	v28 =	vsel vm0, $0x3, v28  }
0x1af: {  	v32 =	vsel vm1, v19, v32;
	v19 =	vsel vm1, v29, v19;
	v29 =	vsel vm1, $0x3, v22  }
0x1b0: {  	v22 =	vsel vm1, v22, v28;
	vm0 =	vgt.f32 v41, v32;
	v28 =	vld.idx.msk [tilespmem:v18+s2+$0x0], $0xffff;
	v18 =	vor.u32 $0x25, v3  }
0x1b1: {  	vm1 =	vgt.f32 v41, v19;
	v32 =	vsel vm0, v41, v32;
	v22 =	vsel vm0, $0x4, v22  }
0x1b2: {  	v32 =	vsel vm1, v19, v32;
	v22 =	vsel vm1, v29, v22;
	v29 =	vsel vm1, $0x4, v29  }
0x1b3: {  	v41 =	vsel vm1, v41, v19;
	v19 =	vor.u32 $0x26, v3;
	vm0 =	vgt.f32 v33, v32;
	v42 =	vld.idx.msk [tilespmem:v13+s2+$0x0], $0xffff  }
0x1b4: {  	vm1 =	vgt.f32 v33, v41;
	v13 =	vsel vm0, v33, v32;
	v22 =	vsel vm0, $0x5, v22  }
0x1b5: {  	v32 =	vsel vm1, v41, v13;
	v22 =	vsel vm1, v29, v22;
	v13 =	vor.u32 $0x27, v3  }
0x1b6: {  	v33 =	vsel vm1, v33, v41;
	v29 =	vsel vm1, $0x5, v29;
	vm0 =	vgt.f32 v28, v32;
	v41 =	vld.idx.msk [tilespmem:v12+s2+$0x0], $0xffff  }
0x1b7: {  	vm1 =	vgt.f32 v28, v33;
	v12 =	vsel vm0, v28, v32;
	v22 =	vsel vm0, $0x6, v22  }
0x1b8: {  	v28 =	vsel vm1, v28, v33;
	v32 =	vsel vm1, v33, v12;
	v43 =	vsel vm1, v29, v22  }
0x1b9: {  	v22 =	vor.u32 $0x28, v3;
	v12 =	vor.u32 $0x29, v3;
	vm0 =	vgt.f32 v42, v32;
	v33 =	vld.idx.msk [tilespmem:v11+s2+$0x0], $0xffff  }
0x1ba: {  	vm2 =	vgt.f32 v42, v28;
	v11 =	vsel vm0, v42, v32;
	v32 =	vsel vm0, $0x7, v43  }
0x1bb: {  	v29 =	vsel vm1, $0x6, v29;
	v43 =	vsel vm2, v28, v11;
	v11 =	vor.u32 $0x2A, v3  }
0x1bc: {  	v28 =	vsel vm2, v42, v28;
	v42 =	vsel vm2, $0x7, v29;
	vm0 =	vgt.f32 v41, v43;
	v20 =	vld.idx.msk [tilespmem:v20+s2+$0x0], $0xffff  }
0x1bd: {  	v29 =	vsel vm2, v29, v32;
	vm1 =	vgt.f32 v41, v28;
	v32 =	vsel vm0, v41, v43  }
0x1be: {  	v29 =	vsel vm0, $0x8, v29;
	v43 =	vsel vm1, $0x8, v42;
	v32 =	vsel vm1, v28, v32  }
0x1bf: {  	v29 =	vsel vm1, v42, v29;
	v28 =	vsel vm1, v41, v28;
	vm0 =	vgt.f32 v33, v32;
	v10 =	vld.idx.msk [tilespmem:v10+s2+$0x0], $0xffff  }
0x1c0: {  	vm1 =	vgt.f32 v33, v28;
	v32 =	vsel vm0, v33, v32;
	v29 =	vsel vm0, $0x9, v29  }
0x1c1: {  	v32 =	vsel vm1, v28, v32;
	v28 =	vsel vm1, v33, v28;
	v33 =	vsel vm1, $0x9, v43  }
0x1c2: {  	v29 =	vsel vm1, v43, v29;
	vm0 =	vgt.f32 v20, v32;
	v41 =	vld.idx.msk [tilespmem:v26+s2+$0x0], $0xffff;
	v26 =	vor.u32 $0x2B, v3  }
0x1c3: {  	vm1 =	vgt.f32 v20, v28;
	v32 =	vsel vm0, v20, v32;
	v29 =	vsel vm0, $0xA, v29  }
0x1c4: {  	v20 =	vsel vm1, v20, v28;
	v32 =	vsel vm1, v28, v32;
	v29 =	vsel vm1, v33, v29  }
0x1c5: {  	v28 =	vsel vm1, $0xA, v33;
	vm0 =	vgt.f32 v10, v32;
	v33 =	vld.idx.msk [tilespmem:v27+s2+$0x0], $0xffff;
	v27 =	vor.u32 $0x2C, v3  }
0x1c6: {  	vm1 =	vgt.f32 v10, v20;
	v32 =	vsel vm0, v10, v32;
	v29 =	vsel vm0, $0xB, v29  }
0x1c7: {  	v10 =	vsel vm1, v10, v20;
	v32 =	vsel vm1, v20, v32;
	v20 =	vsel vm1, $0xB, v28  }
0x1c8: {  	v29 =	vsel vm1, v28, v29;
	v28 =	vor.u32 $0x2D, v3;
	vm0 =	vgt.f32 v41, v32;
	v42 =	vld.idx.msk [tilespmem:v24+s2+$0x0], $0xffff  }
0x1c9: {  	vm1 =	vgt.f32 v41, v10;
	v24 =	vsel vm0, v41, v32;
	v29 =	vsel vm0, $0xC, v29  }
0x1ca: {  	v43 =	vsel vm1, $0xC, v20;
	v24 =	vsel vm1, v10, v24;
	v32 =	vsel vm1, v20, v29  }
0x1cb: {  	v10 =	vsel vm1, v41, v10;
	v29 =	vor.u32 $0x2E, v3;
	vm0 =	vgt.f32 v33, v24;
	v23 =	vld.idx.msk [tilespmem:v23+s2+$0x0], $0xffff  }
0x1cc: {  	vm1 =	vgt.f32 v33, v10;
	v20 =	vsel vm0, v33, v24;
	v24 =	vsel vm0, $0xD, v32  }
0x1cd: {  	v32 =	vsel vm1, v10, v20;
	v41 =	vsel vm1, v43, v24;
	v24 =	vor.u32 $0x2F, v3  }
0x1ce: {  	v10 =	vsel vm1, v33, v10;
	v20 =	vor.u32 $0x30, v3;
	vm0 =	vgt.f32 v42, v32;
	v14 =	vld.idx.msk [tilespmem:v14+s2+$0x0], $0xffff  }
0x1cf: {  	v33 =	vsel vm1, $0xD, v43;
	vm1 =	vgt.f32 v42, v10;
	v32 =	vsel vm0, v42, v32  }
0x1d0: {  	v41 =	vsel vm0, $0xE, v41;
	v43 =	vsel vm1, $0xE, v33;
	v32 =	vsel vm1, v10, v32  }
0x1d1: {  	v33 =	vsel vm1, v33, v41;
	v10 =	vsel vm1, v42, v10;
	vm0 =	vgt.f32 v23, v32;
	v8 =	vld.idx.msk [tilespmem:v8+s2+$0x0], $0xffff  }
0x1d2: {  	vm1 =	vgt.f32 v23, v10;
	v32 =	vsel vm0, v23, v32;
	v33 =	vsel vm0, $0xF, v33  }
0x1d3: {  	v42 =	vsel vm1, $0xF, v43;
	v32 =	vsel vm1, v10, v32;
	v41 =	vsel vm1, v43, v33  }
0x1d4: {  	v10 =	vsel vm1, v23, v10;
	v33 =	vor.u32 $0x31, v3;
	vm1 =	vgt.f32 v14, v32;
	v43 =	vld.idx.msk [tilespmem:v7+s2+$0x0], $0xffff  }
0x1d5: {  	vm0 =	vgt.f32 v14, v10;
	v7 =	vsel vm1, v14, v32;
	v23 =	vsel vm1, $0x10, v41  }
0x1d6: {  	v44 =	vsel vm0, v14, v10;
	v7 =	vsel vm0, v10, v7;
	v41 =	vsel vm0, v42, v23  }
0x1d7: {  	v32 =	vor.u32 $0x32, v3;
	v23 =	vor.u32 $0x33, v3;
	vm2 =	vgt.f32 v8, v7;
	v45 =	vld.idx.msk [tilespmem:v6+s2+$0x0], $0xffff  }
0x1d8: {  	vm1 =	vgt.f32 v8, v44;
	v6 =	vsel vm2, v8, v7;
	v41 =	vsel vm2, $0x11, v41  }
0x1d9: {  	v14 =	vor.u32 $0x34, v3;
	v10 =	vor.u32 $0x35, v3;
	v6 =	vsel vm1, v44, v6  }
0x1da: {  	v44 =	vsel vm1, v8, v44;
	v8 =	vor.u32 $0x36, v3;
	vm3 =	vgt.f32 v43, v6;
	v46 =	vld.idx.msk [tilespmem:v5+s2+$0x0], $0xffff  }
0x1db: {  	v7 =	vor.u32 $0x37, v3;
	vm2 =	vgt.f32 v43, v44;
	v5 =	vsel vm3, v43, v6  }
0x1dc: {  	v6 =	vor.u32 $0x38, v3;
	v47 =	vsel vm2, v44, v5;
	v5 =	vor.u32 $0x39, v3  }
0x1dd: {  	v43 =	vsel vm2, v43, v44;
	vm4 =	vgt.f32 v45, v47;
	v44 =	vld.idx.msk [tilespmem:v4+s2+$0x0], $0xffff;
	v4 =	vor.u32 $0x3A, v3  }
0x1de: {  	v42 =	vsel vm0, $0x10, v42;
	vm0 =	vgt.f32 v45, v43;
	v47 =	vsel vm4, v45, v47  }
0x1df: {  	v48 =	vsel vm1, $0x11, v42;
	v47 =	vsel vm0, v43, v47;
	v43 =	vsel vm0, v45, v43  }
0x1e0: {  	v41 =	vsel vm1, v42, v41;
	v42 =	vsel vm2, $0x12, v48;
	vm1 =	vgt.f32 v46, v47;
	v40 =	vld.idx.msk [tilespmem:v40+s2+$0x0], $0xffff  }
0x1e1: {  	v45 =	vsel vm0, $0x13, v42;
	vm5 =	vgt.f32 v46, v43;
	v47 =	vsel vm1, v46, v47  }
0x1e2: {  	v41 =	vsel vm3, $0x12, v41;
	v49 =	vsel vm5, $0x14, v45;
	v47 =	vsel vm5, v43, v47  }
0x1e3: {  	v41 =	vsel vm2, v48, v41;
	v43 =	vsel vm5, v46, v43;
	vm2 =	vgt.f32 v44, v47;
	v39 =	vld.idx.msk [tilespmem:v39+s2+$0x0], $0xffff  }
0x1e4: {  	v41 =	vsel vm4, $0x13, v41;
	vm3 =	vgt.f32 v44, v43;
	v46 =	vsel vm2, v44, v47  }
0x1e5: {  	v41 =	vsel vm0, v42, v41;
	v42 =	vsel vm3, v43, v46;
	v46 =	vsel vm3, $0x15, v49  }
0x1e6: {  	v41 =	vsel vm1, $0x14, v41;
	v43 =	vsel vm3, v44, v43;
	vm0 =	vgt.f32 v40, v42;
	v38 =	vld.idx.msk [tilespmem:v38+s2+$0x0], $0xffff  }
0x1e7: {  	v41 =	vsel vm5, v45, v41;
	vm1 =	vgt.f32 v40, v43;
	v42 =	vsel vm0, v40, v42  }
0x1e8: {  	v40 =	vsel vm1, v40, v43;
	v42 =	vsel vm1, v43, v42;
	v43 =	vsel vm1, $0x16, v46  }
0x1e9: {  	v41 =	vsel vm2, $0x15, v41;
	vm2 =	vgt.f32 v39, v42;
	v44 =	vld.idx.msk [tilespmem:v9+s2+$0x0], $0xffff;
	v9 =	vor.u32 $0x3B, v3  }
0x1ea: {  	v41 =	vsel vm3, v49, v41;
	vm3 =	vgt.f32 v39, v40;
	v42 =	vsel vm2, v39, v42  }
0x1eb: {  	v41 =	vsel vm0, $0x16, v41;
	v45 =	vsel vm3, $0x17, v43;
	v42 =	vsel vm3, v40, v42  }
0x1ec: {  	v41 =	vsel vm1, v46, v41;
	v39 =	vsel vm3, v39, v40;
	vm0 =	vgt.f32 v38, v42;
	v37 =	vld.idx.msk [tilespmem:v37+s2+$0x0], $0xffff  }
0x1ed: {  	v40 =	vsel vm2, $0x17, v41;
	vm1 =	vgt.f32 v38, v39;
	v41 =	vsel vm0, v38, v42  }
0x1ee: {  	v40 =	vsel vm3, v43, v40;
	v42 =	vsel vm1, $0x18, v45;
	v41 =	vsel vm1, v39, v41  }
0x1ef: {  	v40 =	vsel vm0, $0x18, v40;
	v38 =	vsel vm1, v38, v39;
	vm0 =	vgt.f32 v44, v41;
	v39 =	vld.idx.msk [tilespmem:v34+s2+$0x0], $0xffff  }
0x1f0: {  	v34 =	vsel vm1, v45, v40;
	vm1 =	vgt.f32 v44, v38;
	v40 =	vsel vm0, v44, v41  }
0x1f1: {  	v40 =	vsel vm1, v38, v40;
	v34 =	vsel vm0, $0x19, v34;
	v38 =	vsel vm1, v44, v38  }
0x1f2: {  	v41 =	vsel vm1, $0x19, v42;
	v34 =	vsel vm1, v42, v34;
	vm0 =	vgt.f32 v37, v40;
	v42 =	vld.idx.msk [tilespmem:v30+s2+$0x0], $0xffff  }
0x1f3: {  	vm1 =	vgt.f32 v37, v38;
	v30 =	vsel vm0, v37, v40;
	v34 =	vsel vm0, $0x1A, v34  }
0x1f4: {  	v37 =	vsel vm1, v37, v38;
	v40 =	vsel vm1, v38, v30;
	v43 =	vsel vm1, v41, v34  }
0x1f5: {  	v34 =	vor.u32 $0x3C, v3;
	v30 =	vor.u32 $0x3D, v3;
	vm0 =	vgt.f32 v39, v40;
	v38 =	vld.idx.msk [tilespmem:v21+s2+$0x0], $0xffff  }
0x1f6: {  	vm2 =	vgt.f32 v39, v37;
	v40 =	vsel vm0, v39, v40;
	v21 =	vor.u32 $0x3E, v3  }
0x1f7: {  	v3 =	vor.u32 $0x3F, v3;
	v40 =	vsel vm2, v37, v40  }
0x1f8: {  	v37 =	vsel vm2, v39, v37;
	vm3 =	vgt.f32 v42, v40;
	v36 =	vld.idx.msk [tilespmem:v36+s2+$0x0], $0xffff  }
0x1f9: {  	vm4 =	vgt.f32 v42, v37;
	v39 =	vsel vm3, v42, v40  }
0x1fa: {  	v40 =	vsel vm0, $0x1B, v43;
	v39 =	vsel vm4, v37, v39  }
0x1fb: {  	v41 =	vsel vm1, $0x1A, v41;
	v37 =	vsel vm4, v42, v37;
	vm0 =	vgt.f32 v38, v39;
	v35 =	vld.idx.msk [tilespmem:v35+s2+$0x0], $0xffff  }
0x1fc: {  	v42 =	vsel vm2, $0x1B, v41;
	vm1 =	vgt.f32 v38, v37;
	v39 =	vsel vm0, v38, v39  }
0x1fd: {  	v40 =	vsel vm2, v41, v40;
	v41 =	vsel vm4, $0x1C, v42;
	v39 =	vsel vm1, v37, v39  }
0x1fe: {  	v37 =	vsel vm1, v38, v37;
	v38 =	vsel vm1, $0x1D, v41;
	vm2 =	vgt.f32 v36, v39;
	v31 =	vld.idx.msk [tilespmem:v31+s2+$0x0], $0xffff  }
0x1ff: {  	v40 =	vsel vm3, $0x1C, v40;
	vm3 =	vgt.f32 v36, v37;
	v39 =	vsel vm2, v36, v39  }
0x200: {  	v40 =	vsel vm4, v42, v40;
	v42 =	vsel vm3, $0x1E, v38;
	v39 =	vsel vm3, v37, v39  }
0x201: {  	v40 =	vsel vm0, $0x1D, v40;
	v36 =	vsel vm3, v36, v37;
	vm0 =	vgt.f32 v35, v39;
	v25 =	vld.idx.msk [tilespmem:v25+s2+$0x0], $0xffff  }
0x202: {  	v37 =	vsel vm1, v41, v40;
	vm1 =	vgt.f32 v35, v36;
	v39 =	vsel vm0, v35, v39  }
0x203: {  	v37 =	vsel vm2, $0x1E, v37;
	v40 =	vsel vm1, $0x1F, v42;
	v39 =	vsel vm1, v36, v39  }
0x204: {  	v37 =	vsel vm3, v38, v37;
	v35 =	vsel vm1, v35, v36;
	vm2 =	vgt.f32 v31, v39;
	v15 =	vld.idx.msk [tilespmem:v15+s2+$0x0], $0xffff  }
0x205: {  	v36 =	vsel vm0, $0x1F, v37;
	vm0 =	vgt.f32 v31, v35;
	v37 =	vsel vm2, v31, v39  }
0x206: {  	v36 =	vsel vm1, v42, v36;
	v38 =	vsel vm0, $0x20, v40;
	v37 =	vsel vm0, v35, v37  }
0x207: {  	v36 =	vsel vm2, $0x20, v36;
	v31 =	vsel vm0, v31, v35;
	vm1 =	vgt.f32 v25, v37;
	v16 =	vld.idx.msk [tilespmem:v16+s2+$0x0], $0xffff  }
0x208: {  	v35 =	vsel vm0, v40, v36;
	vm0 =	vgt.f32 v25, v31;
	v36 =	vsel vm1, v25, v37  }
0x209: {  	v35 =	vsel vm1, $0x21, v35;
	v36 =	vsel vm0, v31, v36  }
0x20a: {  	v25 =	vsel vm0, v25, v31;
	v35 =	vsel vm0, v38, v35;
	vm1 =	vgt.f32 v15, v36;
	v17 =	vld.idx.msk [tilespmem:v17+s2+$0x0], $0xffff  }
0x20b: {  	v31 =	vsel vm0, $0x21, v38;
	vm0 =	vgt.f32 v15, v25;
	v36 =	vsel vm1, v15, v36  }
0x20c: {  	v35 =	vsel vm1, $0x22, v35;
	v37 =	vsel vm0, $0x22, v31;
	v36 =	vsel vm0, v25, v36  }
0x20d: {  	v15 =	vsel vm0, v15, v25;
	v31 =	vsel vm0, v31, v35;
	vm0 =	vgt.f32 v16, v36;
	v18 =	vld.idx.msk [tilespmem:v18+s2+$0x0], $0xffff  }
0x20e: {  	vm1 =	vgt.f32 v16, v15;
	v25 =	vsel vm0, v16, v36;
	v31 =	vsel vm0, $0x23, v31  }
0x20f: {  	v25 =	vsel vm1, v15, v25;
	v15 =	vsel vm1, v16, v15;
	v16 =	vsel vm1, $0x23, v37  }
0x210: {  	v31 =	vsel vm1, v37, v31;
	vm0 =	vgt.f32 v17, v25;
	v19 =	vld.idx.msk [tilespmem:v19+s2+$0x0], $0xffff  }
0x211: {  	vm1 =	vgt.f32 v17, v15;
	v25 =	vsel vm0, v17, v25;
	v31 =	vsel vm0, $0x24, v31  }
0x212: {  	v25 =	vsel vm1, v15, v25;
	v31 =	vsel vm1, v16, v31  }
0x213: {  	v15 =	vsel vm1, v17, v15;
	vm0 =	vgt.f32 v18, v25;
	v13 =	vld.idx.msk [tilespmem:v13+s2+$0x0], $0xffff  }
0x214: {  	vm2 =	vgt.f32 v18, v15;
	v17 =	vsel vm0, v18, v25;
	v25 =	vsel vm0, $0x25, v31  }
0x215: {  	v17 =	vsel vm2, v15, v17  }
0x216: {  	v16 =	vsel vm1, $0x24, v16;
	v15 =	vsel vm2, v18, v15;
	vm0 =	vgt.f32 v19, v17;
	v18 =	vld.idx.msk [tilespmem:v22+s2+$0x0], $0xffff  }
0x217: {  	vm1 =	vgt.f32 v19, v15;
	v22 =	vsel vm2, $0x25, v16;
	v17 =	vsel vm0, v19, v17  }
0x218: {  	v17 =	vsel vm1, v15, v17;
	v15 =	vsel vm1, v19, v15;
	v19 =	vsel vm1, $0x26, v22  }
0x219: {  	v16 =	vsel vm2, v16, v25;
	vm2 =	vgt.f32 v13, v17;
	v12 =	vld.idx.msk [tilespmem:v12+s2+$0x0], $0xffff  }
0x21a: {  	v16 =	vsel vm0, $0x26, v16;
	vm0 =	vgt.f32 v13, v15;
	v17 =	vsel vm2, v13, v17  }
0x21b: {  	v16 =	vsel vm1, v22, v16;
	v17 =	vsel vm0, v15, v17  }
0x21c: {  	v16 =	vsel vm2, $0x27, v16;
	v13 =	vsel vm0, v13, v15;
	vm1 =	vgt.f32 v18, v17;
	v11 =	vld.idx.msk [tilespmem:v11+s2+$0x0], $0xffff  }
0x21d: {  	v15 =	vsel vm0, v19, v16;
	vm2 =	vgt.f32 v18, v13;
	v16 =	vsel vm1, v18, v17  }
0x21e: {  	v15 =	vsel vm1, $0x28, v15;
	v16 =	vsel vm2, v13, v16  }
0x21f: {  	v13 =	vsel vm2, v18, v13;
	vm1 =	vgt.f32 v12, v16;
	v17 =	vld.idx.msk [tilespmem:v26+s2+$0x0], $0xffff  }
0x220: {  	v18 =	vsel vm0, $0x27, v19;
	vm0 =	vgt.f32 v12, v13;
	v16 =	vsel vm1, v12, v16  }
0x221: {  	v19 =	vsel vm2, $0x28, v18;
	v12 =	vsel vm0, v12, v13;
	v16 =	vsel vm0, v13, v16  }
0x222: {  	v13 =	vsel vm2, v18, v15;
	v15 =	vsel vm0, $0x29, v19;
	vm2 =	vgt.f32 v11, v16;
	v18 =	vld.idx.msk [tilespmem:v27+s2+$0x0], $0xffff  }
0x223: {  	v13 =	vsel vm1, $0x29, v13;
	vm1 =	vgt.f32 v11, v12;
	v16 =	vsel vm2, v11, v16  }
0x224: {  	v13 =	vsel vm0, v19, v13;
	v19 =	vsel vm1, $0x2A, v15;
	v16 =	vsel vm1, v12, v16  }
0x225: {  	v11 =	vsel vm1, v11, v12;
	v13 =	vsel vm2, $0x2A, v13;
	vm0 =	vgt.f32 v17, v16;
	v12 =	vld.idx.msk [tilespmem:v28+s2+$0x0], $0xffff  }
0x226: {  	v13 =	vsel vm1, v15, v13;
	vm1 =	vgt.f32 v17, v11;
	v15 =	vsel vm0, v17, v16  }
0x227: {  	v13 =	vsel vm0, $0x2B, v13;
	v16 =	vsel vm1, $0x2B, v19;
	v15 =	vsel vm1, v11, v15  }
0x228: {  	v13 =	vsel vm1, v19, v13;
	v11 =	vsel vm1, v17, v11;
	vm0 =	vgt.f32 v18, v15;
	v17 =	vld.idx.msk [tilespmem:v29+s2+$0x0], $0xffff  }
0x229: {  	vm1 =	vgt.f32 v18, v11;
	v15 =	vsel vm0, v18, v15;
	v13 =	vsel vm0, $0x2C, v13  }
0x22a: {  	v15 =	vsel vm1, v11, v15;
	v13 =	vsel vm1, v16, v13  }
0x22b: {  	v11 =	vsel vm1, v18, v11;
	vm0 =	vgt.f32 v12, v15;
	v18 =	vld.idx.msk [tilespmem:v24+s2+$0x0], $0xffff  }
0x22c: {  	vm2 =	vgt.f32 v12, v11;
	v15 =	vsel vm0, v12, v15  }
0x22d: {  	v15 =	vsel vm2, v11, v15;
	v11 =	vsel vm2, v12, v11  }
0x22e: {  	vm3 =	vgt.f32 v17, v15;
	v12 =	vld.idx.msk [tilespmem:v20+s2+$0x0], $0xffff  }
0x22f: {  	vm4 =	vgt.f32 v17, v11;
	v15 =	vsel vm3, v17, v15  }
0x230: {  	v15 =	vsel vm4, v11, v15;
	v11 =	vsel vm4, v17, v11  }
0x231: {  	v16 =	vsel vm1, $0x2C, v16;
	v13 =	vsel vm0, $0x2D, v13;
	vm0 =	vgt.f32 v18, v15;
	v17 =	vld.idx.msk [tilespmem:v33+s2+$0x0], $0xffff  }
0x232: {  	v19 =	vsel vm2, $0x2D, v16;
	vm1 =	vgt.f32 v18, v11;
	v15 =	vsel vm0, v18, v15  }
0x233: {  	v13 =	vsel vm2, v16, v13;
	v15 =	vsel vm1, v11, v15;
	v11 =	vsel vm1, v18, v11  }
0x234: {  	v13 =	vsel vm3, $0x2E, v13;
	v16 =	vsel vm4, $0x2E, v19;
	vm2 =	vgt.f32 v12, v15;
	v18 =	vld.idx.msk [tilespmem:v32+s2+$0x0], $0xffff  }
0x235: {  	v20 =	vsel vm1, $0x2F, v16;
	vm3 =	vgt.f32 v12, v11;
	v15 =	vsel vm2, v12, v15  }
0x236: {  	v13 =	vsel vm4, v19, v13;
	v19 =	vsel vm3, $0x30, v20;
	v15 =	vsel vm3, v11, v15  }
0x237: {  	v13 =	vsel vm0, $0x2F, v13;
	v11 =	vsel vm3, v12, v11;
	vm0 =	vgt.f32 v17, v15;
	v12 =	vld.idx.msk [tilespmem:v23+s2+$0x0], $0xffff  }
0x238: {  	v13 =	vsel vm1, v16, v13;
	vm1 =	vgt.f32 v17, v11;
	v15 =	vsel vm0, v17, v15  }
0x239: {  	v13 =	vsel vm2, $0x30, v13;
	v16 =	vsel vm1, $0x31, v19;
	v15 =	vsel vm1, v11, v15  }
0x23a: {  	v13 =	vsel vm3, v20, v13;
	v11 =	vsel vm1, v17, v11;
	vm2 =	vgt.f32 v18, v15;
	v14 =	vld.idx.msk [tilespmem:v14+s2+$0x0], $0xffff  }
0x23b: {  	v13 =	vsel vm0, $0x31, v13;
	vm0 =	vgt.f32 v18, v11;
	v15 =	vsel vm2, v18, v15  }
0x23c: {  	v13 =	vsel vm1, v19, v13;
	v17 =	vsel vm0, $0x32, v16;
	v15 =	vsel vm0, v11, v15  }
0x23d: {  	v13 =	vsel vm2, $0x32, v13;
	v11 =	vsel vm0, v18, v11;
	vm1 =	vgt.f32 v12, v15;
	v10 =	vld.idx.msk [tilespmem:v10+s2+$0x0], $0xffff  }
0x23e: {  	v13 =	vsel vm0, v16, v13;
	vm0 =	vgt.f32 v12, v11;
	v15 =	vsel vm1, v12, v15  }
0x23f: {  	v13 =	vsel vm1, $0x33, v13;
	v16 =	vsel vm0, $0x33, v17;
	v15 =	vsel vm0, v11, v15  }
0x240: {  	v13 =	vsel vm0, v17, v13;
	v11 =	vsel vm0, v12, v11;
	vm0 =	vgt.f32 v14, v15;
	v8 =	vld.idx.msk [tilespmem:v8+s2+$0x0], $0xffff  }
0x241: {  	vm1 =	vgt.f32 v14, v11;
	v12 =	vsel vm0, v14, v15;
	v13 =	vsel vm0, $0x34, v13  }
0x242: {  	v12 =	vsel vm1, v11, v12;
	v13 =	vsel vm1, v16, v13  }
0x243: {  	v11 =	vsel vm1, v14, v11;
	vm0 =	vgt.f32 v10, v12;
	v7 =	vld.idx.msk [tilespmem:v7+s2+$0x0], $0xffff  }
0x244: {  	vm2 =	vgt.f32 v10, v11;
	v12 =	vsel vm0, v10, v12  }
0x245: {  	v14 =	vsel vm1, $0x34, v16;
	v13 =	vsel vm0, $0x35, v13;
	v12 =	vsel vm2, v11, v12  }
0x246: {  	v10 =	vsel vm2, v10, v11;
	v11 =	vsel vm2, $0x35, v14;
	vm0 =	vgt.f32 v8, v12;
	v6 =	vld.idx.msk [tilespmem:v6+s2+$0x0], $0xffff  }
0x247: {  	v13 =	vsel vm2, v14, v13;
	vm1 =	vgt.f32 v8, v10;
	v12 =	vsel vm0, v8, v12  }
0x248: {  	v13 =	vsel vm0, $0x36, v13;
	v8 =	vsel vm1, v8, v10;
	v12 =	vsel vm1, v10, v12  }
0x249: {  	v10 =	vsel vm1, v11, v13;
	v11 =	vsel vm1, $0x36, v11;
	vm0 =	vgt.f32 v7, v12;
	v5 =	vld.idx.msk [tilespmem:v5+s2+$0x0], $0xffff  }
0x24a: {  	vm1 =	vgt.f32 v7, v8;
	v12 =	vsel vm0, v7, v12;
	v10 =	vsel vm0, $0x37, v10  }
0x24b: {  	v7 =	vsel vm1, v7, v8;
	v12 =	vsel vm1, v8, v12;
	v8 =	vsel vm1, $0x37, v11  }
0x24c: {  	v10 =	vsel vm1, v11, v10;
	vm0 =	vgt.f32 v6, v12;
	v4 =	vld.idx.msk [tilespmem:v4+s2+$0x0], $0xffff  }
0x24d: {  	vm1 =	vgt.f32 v6, v7;
	v11 =	vsel vm0, v6, v12;
	v10 =	vsel vm0, $0x38, v10  }
0x24e: {  	v6 =	vsel vm1, v6, v7;
	v11 =	vsel vm1, v7, v11;
	v10 =	vsel vm1, v8, v10  }
0x24f: {  	v7 =	vsel vm1, $0x38, v8;
	vm0 =	vgt.f32 v5, v11;
	v8 =	vld.idx.msk [tilespmem:v9+s2+$0x0], $0xffff  }
0x250: {  	vm1 =	vgt.f32 v5, v6;
	v9 =	vsel vm0, v5, v11;
	v10 =	vsel vm0, $0x39, v10  }
0x251: {  	v5 =	vsel vm1, v5, v6;
	v9 =	vsel vm1, v6, v9;
	v10 =	vsel vm1, v7, v10  }
0x252: {  	v6 =	vsel vm1, $0x39, v7;
	vm0 =	vgt.f32 v4, v9;
	v7 =	vld.idx.msk [tilespmem:v34+s2+$0x0], $0xffff  }
0x253: {  	vm1 =	vgt.f32 v4, v5;
	v9 =	vsel vm0, v4, v9;
	v10 =	vsel vm0, $0x3A, v10  }
0x254: {  	v4 =	vsel vm1, v4, v5;
	v9 =	vsel vm1, v5, v9;
	v5 =	vsel vm1, $0x3A, v6  }
0x255: {  	v6 =	vsel vm1, v6, v10;
	vm0 =	vgt.f32 v8, v9;
	v10 =	vld.idx.msk [tilespmem:v30+s2+$0x0], $0xffff  }
0x256: {  	vm1 =	vgt.f32 v8, v4;
	v9 =	vsel vm0, v8, v9;
	v6 =	vsel vm0, $0x3B, v6  }
0x257: {  	v9 =	vsel vm1, v4, v9;
	v6 =	vsel vm1, v5, v6;
	v4 =	vsel vm1, v8, v4  }
0x258: {  	v5 =	vsel vm1, $0x3B, v5;
	vm0 =	vgt.f32 v7, v9;
	v8 =	vld.idx.msk [tilespmem:v21+s2+$0x0], $0xffff  }
0x259: {  	vm1 =	vgt.f32 v7, v4;
	v9 =	vsel vm0, v7, v9;
	v6 =	vsel vm0, $0x3C, v6  }
0x25a: {  	v9 =	vsel vm1, v4, v9;
	v6 =	vsel vm1, v5, v6;
	v4 =	vsel vm1, v7, v4  }
0x25b: {  	v5 =	vsel vm1, $0x3C, v5;
	vm0 =	vgt.f32 v10, v9;
	v3 =	vld.idx.msk [tilespmem:v3+s2+$0x0], $0xffff  }
0x25c: {  	vm1 =	vgt.f32 v10, v4;
	v7 =	vsel vm0, v10, v9;
	v6 =	vsel vm0, $0x3D, v6  }
0x25d: {  	v7 =	vsel vm1, v4, v7;
	v6 =	vsel vm1, v5, v6;
	v4 =	vsel vm1, v10, v4  }
0x25e: {  	v5 =	vsel vm1, $0x3D, v5;
	vm0 =	vgt.f32 v8, v7  }
0x25f: {  	vm1 =	vgt.f32 v8, v4;
	v7 =	vsel vm0, v8, v7;
	v6 =	vsel vm0, $0x3E, v6  }
0x260: {  	v7 =	vsel vm1, v4, v7;
	v6 =	vsel vm1, v5, v6  }
0x261: {  	v8 =	vsel vm1, v8, v4;
	v9 =	vsel vm1, $0x3E, v5;
	vm1 =	vgt.f32 v3, v7  }
0x262: {  	vm0 =	vgt.f32 v3, v8;
	v4 =	vsel vm1, v3, v7;
	v5 =	vsel vm1, $0x3F, v6  }
0x263: {  	v3 =	vsel vm0, v3, v8;
	v6 =	vsel vm0, v8, v4;
	v4 =	vsel vm0, v9, v5  }
0x264: {  	v3 =	vsub.f32 v6, v3;
	_ =	sdelay $0x1  }
0x265: {  	v3 =	vmul.f32 $1.442695020e+00, v3;
	_ =	sdelay $0x1  }
0x266: {  	(erf) = vpow2.f32 v3;
	_ =	sdelay $0x8  }
0x267: {  	v7 =	vpop (erf)  }
0x268: {  	v3 =	vadd.f32 $1.000000000e+00, v7;
	_ =	sdelay $0x1  }
0x269: {  	(erf) = vrcp.f32 v3;
	_ =	sdelay $0x4  }
0x26a: {  	v8 =	vshll.u32 v2, $0x3;
	_ =	sdelay $0x1  }
0x26b: {  	v5 =	vor.u32 $0x1, v8  }
0x26c: {  	v2 =	vor.u32 s13, v0  }
.Ltmp0:
0x26d: {  	v9 =	vsel vm0, $0x3F, v9;
	v3 =	vshll.u32 v2, $0x6;
	v10 =	vpop (erf);
	(pc) =	sbr.rel @p0 .LBB2_2-.Ltmp0, $4  }
0x26e: {  	v6 =	vor.u32 $0x1, v3;
	v19 =	vor.u32 $0x2, v3;
	[tilespmem:v8+s8+$0x0] =	vst.idx.msk $0xffff, v10;
	v7 =	vmul.f32 v10, v7  }
0x26f: {  	v15 =	vor.u32 $0x3, v3;
	v16 =	vor.u32 $0x4, v3;
	v17 =	vor.u32 $0x5, v3  }
0x270: {  	v18 =	vor.u32 $0x6, v3;
	v13 =	vor.u32 $0x7, v3;
	v12 =	vor.u32 $0x8, v3;
	[tilespmem:v5+s8+$0x0] =	vst.idx.msk $0xffff, v7  }
0x271: {  	v11 =	vor.u32 $0x9, v3;
	v20 =	vor.u32 $0xA, v3;
	v10 =	vor.u32 $0xB, v3;
	[tilespmem:v8+s9+$0x0] =	vst.idx.msk $0xffff, v9  }
0x272: {  	_ =	sdelay $0x3  }
0x273: {  	[tilespmem:v5+s9+$0x0] =	vst.idx.msk $0xffff, v4  }
0x274: {  	v7 =	vimm.s32 $0x0;
	v4 =	vld.idx.msk [tilespmem:v6+s2+$0x0], $0xffff  }
0x275: {  	v22 =	vimm.s32 $0x0;
	v24 =	vimm.s32 $0x0;
	v26 =	vimm.s32 $0x0;
	v5 =	vld.idx.msk [tilespmem:v3+s2+$0x0], $0xffff  }
0x276: {  	v28 =	vimm.s32 $0x0;
	v30 =	vimm.s32 $0x0;
	v9 =	vor.u32 $0xC, v3  }
0x277: {  	v32 =	vimm.s32 $0x0;
	v34 =	vor.u32 $0xD, v3;
	v35 =	vimm.s32 $0x0  }
0x278: {  	v37 =	vor.u32 $0xE, v3;
	v38 =	vimm.s32 $0x0;
	v40 =	vor.u32 $0xF, v3;
	v63 =	vld.idx.msk [tilespmem:v19+s2+$0x0], $0xffff  }
0x279: {  	v41 =	vimm.s32 $0x0;
	vm0 =	vlt.f32 v4, $-Inf;
	vm1 =	vgt.f32 v4, $-Inf  }
0x27a: {  	v43 =	vor.u32 $0x10, v3;
	vm3 =	vgt.f32 v4, v5;
	vm0 =	vmor vm1, vm0  }
0x27b: {  	v44 =	vimm.s32 $0x0;
	v14 =	vld.idx.msk [tilespmem:v15+s2+$0x0], $0xffff;
	vm1 =	vmneg vm3;
	v8 =	vnsel vm0, $0xFF800000, v4  }
0x27c: {  	v46 =	vor.u32 $0x11, v3;
	v47 =	vimm.s32 $0x0;
	v8 =	vsel vm1, v8, v5  }
0x27d: {  	v49 =	vor.u32 $0x12, v3;
	v4 =	vsel vm1, v5, v4;
	vm8 =	vgt.f32 v63, v8  }
0x27e: {  	v50 =	vimm.s32 $0x0;
	v16 =	vld.idx.msk [tilespmem:v16+s2+$0x0], $0xffff;
	vm4 =	vgt.f32 v63, v4;
	v8 =	vsel vm8, v63, v8  }
0x27f: {  	v52 =	vimm.s32 $0x0;
	v53 =	vor.u32 $0x13, v3;
	v8 =	vsel vm4, v4, v8  }
0x280: {  	v54 =	vimm.s32 $0x0;
	v4 =	vsel vm4, v63, v4;
	vm9 =	vgt.f32 v14, v8  }
0x281: {  	v56 =	vimm.s32 $0x0;
	v21 =	vld.idx.msk [tilespmem:v17+s2+$0x0], $0xffff;
	vm5 =	vgt.f32 v14, v4;
	v8 =	vsel vm9, v14, v8  }
0x282: {  	v57 =	vor.u32 $0x14, v3;
	v58 =	vimm.s32 $0x0;
	v8 =	vsel vm5, v4, v8  }
0x283: {  	v60 =	vimm.s32 $0x0;
	v23 =	vld.idx.msk [tilespmem:v18+s2+$0x0], $0xffff;
	v4 =	vsel vm5, v14, v4;
	vm10 =	vgt.f32 v16, v8  }
0x284: {  	v45 =	vld.idx.msk [tilespmem:v40+s2+$0x0], $0xffff;
	v40 =	vor.u32 $0x1B, v3;
	vm6 =	vgt.f32 v16, v4;
	v8 =	vsel vm10, v16, v8  }
0x285: {  	v62 =	vor.u32 $0x15, v3;
	v15 =	vimm.s32 $0x0;
	v8 =	vsel vm6, v4, v8  }
0x286: {  	v25 =	vld.idx.msk [tilespmem:v13+s2+$0x0], $0xffff;
	v7 =	vsel vm0, $0xFFFFFFFF, v7;
	v4 =	vsel vm6, v16, v4;
	vm11 =	vgt.f32 v21, v8  }
0x287: {  	v19 =	vimm.s32 $0x0;
	v55 =	vld.idx.msk [tilespmem:v49+s2+$0x0], $0xffff;
	[tilespmem:$0x1F710] =	vst v7;
	vm7 =	vgt.f32 v21, v4;
	v8 =	vsel vm11, v21, v8  }
0x288: {  	v18 =	vor.u32 $0x16, v3;
	v59 =	vsel vm3, $0x1, v1;
	v61 =	vld [tilespmem:$0x1F710];
	v8 =	vsel vm7, v4, v8  }
0x289: {  	v49 =	vld.idx.msk [tilespmem:v40+s2+$0x0], $0xffff;
	v40 =	vimm.s32 $0x0;
	v4 =	vsel vm7, v21, v4;
	vm12 =	vgt.f32 v23, v8  }
0x28a: {  	v27 =	vld.idx.msk [tilespmem:v12+s2+$0x0], $0xffff;
	v5 =	vsel vm8, $0xFFFFFFFF, v15;
	vm8 =	vgt.f32 v23, v4;
	v8 =	vsel vm12, v23, v8  }
0x28b: {  	v15 =	vimm.s32 $0x0;
	v6 =	vsel vm9, $0xFFFFFFFF, v19;
	v8 =	vsel vm8, v4, v8  }
0x28c: {  	v19 =	vimm.s32 $0x0;
	v4 =	vsel vm8, v23, v4;
	vm13 =	vgt.f32 v25, v8  }
0x28d: {  	v29 =	vld.idx.msk [tilespmem:v11+s2+$0x0], $0xffff;
	[tilespmem:$0x1F720] =	vst v5;
	vm3 =	vnez.u8 v61;
	vm9 =	vgt.f32 v25, v4;
	v8 =	vsel vm13, v25, v8  }
0x28e: {  	v17 =	vld [tilespmem:$0x1F720];
	v61 =	vimm.s32 $0x0;
	v14 =	vimm.s32 $0x0;
	v8 =	vsel vm9, v4, v8  }
0x28f: {  	vm1 =	vmand vm1, vm3;
	v4 =	vsel vm9, v25, v4;
	vm14 =	vgt.f32 v27, v8  }
0x290: {  	v31 =	vld.idx.msk [tilespmem:v20+s2+$0x0], $0xffff;
	v7 =	vsel vm10, $0xFFFFFFFF, v22;
	vm10 =	vgt.f32 v27, v4;
	v8 =	vsel vm14, v27, v8  }
0x291: {  	v63 =	vsel vm1, $0x1, v1;
	v22 =	vor.u32 $0x17, v3;
	v8 =	vsel vm10, v4, v8  }
0x292: {  	v16 =	vimm.s32 $0x0;
	v4 =	vsel vm10, v27, v4;
	vm15 =	vgt.f32 v29, v8  }
0x293: {  	v33 =	vld.idx.msk [tilespmem:v10+s2+$0x0], $0xffff;
	vm1 =	vnez.u8 v17;
	vm2 =	vgt.f32 v29, v4;
	v8 =	vsel vm15, v29, v8  }
0x294: {  	[tilespmem:$0x1F730] =	vst v6;
	v5 =	vsel vm11, $0xFFFFFFFF, v24;
	v24 =	vimm.s32 $0x0;
	v8 =	vsel vm2, v4, v8  }
0x295: {  	[tilespmem:$0x1F740] =	vst v7;
	v7 =	vsel vm13, $0xFFFFFFFF, v28;
	v4 =	vsel vm2, v29, v4;
	vm11 =	vgt.f32 v31, v8  }
0x296: {  	v36 =	vld.idx.msk [tilespmem:v9+s2+$0x0], $0xffff;
	[tilespmem:$0x1F770] =	vst v7;
	v7 =	vsel vm11, $0xFFFFFFFF, v35;
	v8 =	vsel vm11, v31, v8;
	vm11 =	vgt.f32 v31, v4  }
0x297: {  	[tilespmem:$0x1F750] =	vst v5;
	v6 =	vsel vm12, $0xFFFFFFFF, v26;
	v26 =	vld.idx.msk [tilespmem:v18+s2+$0x0], $0xffff;
	v18 =	vimm.s32 $0x0;
	v8 =	vsel vm11, v4, v8  }
0x298: {  	v5 =	vsel vm14, $0xFFFFFFFF, v30;
	v30 =	vld [tilespmem:$0x1F750];
	v4 =	vsel vm11, v31, v4;
	vm12 =	vgt.f32 v33, v8  }
0x299: {  	v39 =	vld.idx.msk [tilespmem:v34+s2+$0x0], $0xffff;
	[tilespmem:$0x1F780] =	vst v5;
	v5 =	vsel vm12, $0xFFFFFFFF, v38;
	v8 =	vsel vm12, v33, v8;
	vm12 =	vgt.f32 v33, v4  }
0x29a: {  	[tilespmem:$0x1F760] =	vst v6;
	v27 =	vor.u32 $0x18, v3;
	v6 =	vsel vm15, $0xFFFFFFFF, v32;
	v8 =	vsel vm12, v4, v8  }
0x29b: {  	v32 =	vor.u32 $0x19, v3;
	v4 =	vsel vm12, v33, v4;
	vm13 =	vgt.f32 v36, v8  }
0x29c: {  	v42 =	vld.idx.msk [tilespmem:v37+s2+$0x0], $0xffff;
	[tilespmem:$0x1F790] =	vst v6;
	v6 =	vsel vm13, $0xFFFFFFFF, v41;
	v8 =	vsel vm13, v36, v8;
	vm13 =	vgt.f32 v36, v4  }
0x29d: {  	v29 =	vimm.s32 $0x0;
	vm3 =	vnez.u8 v30;
	v8 =	vsel vm13, v4, v8  }
0x29e: {  	v30 =	vor.u32 $0x23, v3;
	v4 =	vsel vm13, v36, v4;
	vm14 =	vgt.f32 v39, v8  }
0x29f: {  	v35 =	vld.idx.msk [tilespmem:v27+s2+$0x0], $0xffff;
	[tilespmem:$0x1F7A0] =	vst v7;
	v7 =	vsel vm14, $0xFFFFFFFF, v44;
	v8 =	vsel vm14, v39, v8;
	vm14 =	vgt.f32 v39, v4  }
0x2a0: {  	v27 =	vimm.s32 $0x0;
	v31 =	vld.idx.msk [tilespmem:v22+s2+$0x0], $0xffff;
	v22 =	vimm.s32 $0x0;
	v8 =	vsel vm14, v4, v8  }
0x2a1: {  	v38 =	vimm.s32 $0x0;
	v4 =	vsel vm14, v39, v4;
	vm15 =	vgt.f32 v42, v8  }
0x2a2: {  	v48 =	vld.idx.msk [tilespmem:v43+s2+$0x0], $0xffff;
	[tilespmem:$0x1F7B0] =	vst v5;
	v5 =	vsel vm15, $0xFFFFFFFF, v47;
	v8 =	vsel vm15, v42, v8;
	vm15 =	vgt.f32 v42, v4  }
0x2a3: {  	v33 =	vimm.s32 $0x0;
	v36 =	vor.u32 $0x1A, v3;
	v8 =	vsel vm15, v4, v8  }
0x2a4: {  	v47 =	vimm.s32 $0x0;
	v4 =	vsel vm15, v42, v4;
	vm0 =	vgt.f32 v45, v8  }
0x2a5: {  	v51 =	vld.idx.msk [tilespmem:v46+s2+$0x0], $0xffff;
	[tilespmem:$0x1F7C0] =	vst v6;
	v6 =	vsel vm0, $0xFFFFFFFF, v50;
	v8 =	vsel vm0, v45, v8;
	vm0 =	vgt.f32 v45, v4  }
0x2a6: {  	v42 =	vimm.s32 $0x0;
	v50 =	vor.u32 $0x1D, v3;
	v8 =	vsel vm0, v4, v8  }
0x2a7: {  	v10 =	vsel vm0, $0xFFFFFFFF, v52;
	v4 =	vsel vm0, v45, v4;
	vm0 =	vgt.f32 v48, v8  }
0x2a8: {  	[tilespmem:$0x1F7D0] =	vst v7;
	v7 =	vsel vm0, $0xFFFFFFFF, v54;
	v8 =	vsel vm0, v48, v8;
	vm0 =	vgt.f32 v48, v4  }
0x2a9: {  	v45 =	vor.u32 $0x1C, v3;
	v52 =	vimm.s32 $0x0;
	v8 =	vsel vm0, v4, v8  }
0x2aa: {  	[tilespmem:$0x1F7E0] =	vst v5;
	v9 =	vsel vm0, $0xFFFFFFFF, v56;
	v4 =	vsel vm0, v48, v4;
	vm0 =	vgt.f32 v51, v8  }
0x2ab: {  	[tilespmem:$0x1F7F0] =	vst v6;
	v5 =	vsel vm0, $0xFFFFFFFF, v58;
	v8 =	vsel vm0, v51, v8;
	vm0 =	vgt.f32 v51, v4  }
0x2ac: {  	v54 =	vimm.s32 $0x0;
	[tilespmem:$0x1F820] =	vst v9;
	v9 =	vld.idx.msk [tilespmem:v57+s2+$0x0], $0xffff;
	v57 =	vimm.s32 $0x0;
	v11 =	vsel vm0, $0xFFFFFFFF, v60  }
0x2ad: {  	v20 =	vld [tilespmem:$0x1F730];
	[tilespmem:$0x1F830] =	vst v5;
	v8 =	vsel vm0, v4, v8;
	v4 =	vsel vm0, v51, v4;
	v5 =	vsel vm4, $0x2, v59  }
0x2ae: {  	[tilespmem:$0x1F800] =	vst v10;
	v10 =	vld.idx.msk [tilespmem:v53+s2+$0x0], $0xffff;
	v60 =	vor.u32 $0x1F, v3;
	vm0 =	vgt.f32 v55, v8;
	v23 =	vsel vm5, $0x3, v5  }
0x2af: {  	[tilespmem:$0x1F840] =	vst v11;
	v11 =	vld.idx.msk [tilespmem:v32+s2+$0x0], $0xffff;
	v32 =	vimm.s32 $0x0;
	v6 =	vsel vm0, $0xFFFFFFFF, v16;
	v8 =	vsel vm0, v55, v8  }
0x2b0: {  	v28 =	vsel vm6, $0x4, v23;
	v16 =	vor.u32 $0x20, v3;
	[tilespmem:$0x1F850] =	vst v6;
	v6 =	vsel vm1, $0x2, v63  }
0x2b1: {  	v25 =	vld [tilespmem:$0x1F740];
	vm1 =	vgt.f32 v55, v4;
	v12 =	vsel vm7, $0x5, v28;
	v6 =	vsel vm4, v59, v6  }
0x2b2: {  	v8 =	vsel vm1, v4, v8;
	v4 =	vsel vm1, v55, v4;
	vm4 =	vnez.u8 v20  }
0x2b3: {  	v39 =	vsel vm8, $0x6, v12;
	v55 =	vor.u32 $0x1E, v3;
	v59 =	vld.idx.msk [tilespmem:v50+s2+$0x0], $0xffff;
	v50 =	vimm.s32 $0x0  }
0x2b4: {  	vm0 =	vgt.f32 v10, v8;
	v6 =	vsel vm4, $0x3, v6;
	vm4 =	vgt.f32 v10, v4  }
0x2b5: {  	[tilespmem:$0x1F810] =	vst v7;
	v41 =	vsel vm9, $0x7, v39;
	v7 =	vsel vm0, $0xFFFFFFFF, v19;
	v8 =	vsel vm0, v10, v8  }
0x2b6: {  	v34 =	vld [tilespmem:$0x1F760];
	v5 =	vsel vm5, v5, v6;
	vm5 =	vnez.u8 v25;
	v46 =	vsel vm10, $0x8, v41  }
0x2b7: {  	v25 =	vor.u32 $0x22, v3;
	v8 =	vsel vm4, v4, v8;
	v4 =	vsel vm4, v10, v4  }
0x2b8: {  	v21 =	vld.idx.msk [tilespmem:v62+s2+$0x0], $0xffff;
	v5 =	vsel vm5, $0x4, v5;
	v51 =	vsel vm2, $0x9, v46;
	vm0 =	vgt.f32 v9, v8  }
0x2b9: {  	v43 =	vld [tilespmem:$0x1F780];
	vm5 =	vgt.f32 v9, v4;
	v5 =	vsel vm6, v23, v5;
	v56 =	vsel vm11, $0xA, v51  }
0x2ba: {  	v6 =	vsel vm0, $0xFFFFFFFF, v24;
	v8 =	vsel vm0, v9, v8;
	v5 =	vsel vm3, $0x5, v5  }
0x2bb: {  	vm3 =	vnez.u8 v34;
	v13 =	vsel vm12, $0xB, v56;
	v63 =	vld.idx.msk [tilespmem:v55+s2+$0x0], $0xffff;
	v55 =	vimm.s32 $0x0  }
0x2bc: {  	v8 =	vsel vm5, v4, v8;
	v4 =	vsel vm5, v9, v4;
	v5 =	vsel vm7, v28, v5  }
0x2bd: {  	v37 =	vld [tilespmem:$0x1F770];
	v17 =	vsel vm13, $0xC, v13;
	vm0 =	vgt.f32 v21, v8;
	vm6 =	vgt.f32 v21, v4  }
0x2be: {  	v5 =	vsel vm3, $0x6, v5;
	vm3 =	vnez.u8 v43;
	v43 =	vimm.s32 $0x0  }
0x2bf: {  	v34 =	vld.idx.msk [tilespmem:v25+s2+$0x0], $0xffff;
	v25 =	vimm.s32 $0x0;
	v9 =	vsel vm0, $0xFFFFFFFF, v29;
	v8 =	vsel vm0, v21, v8  }
0x2c0: {  	v5 =	vsel vm8, v12, v5;
	v8 =	vsel vm6, v4, v8;
	v4 =	vsel vm6, v21, v4  }
0x2c1: {  	v48 =	vld [tilespmem:$0x1F790];
	v21 =	vor.u32 $0x21, v3;
	vm0 =	vgt.f32 v26, v8;
	vm7 =	vgt.f32 v26, v4  }
0x2c2: {  	[tilespmem:$0x1F860] =	vst v7;
	v7 =	vsel vm0, $0xFFFFFFFF, v33;
	v8 =	vsel vm0, v26, v8;
	vm0 =	vnez.u8 v37  }
0x2c3: {  	v8 =	vsel vm7, v4, v8;
	v5 =	vsel vm0, $0x7, v5;
	v4 =	vsel vm7, v26, v4  }
0x2c4: {  	v28 =	vld [tilespmem:$0x1F7F0];
	vm0 =	vgt.f32 v31, v8;
	vm8 =	vgt.f32 v31, v4;
	v5 =	vsel vm9, v39, v5  }
0x2c5: {  	[tilespmem:$0x1F870] =	vst v6;
	v6 =	vsel vm0, $0xFFFFFFFF, v38;
	v8 =	vsel vm0, v31, v8;
	v5 =	vsel vm3, $0x8, v5  }
0x2c6: {  	v53 =	vld [tilespmem:$0x1F7A0];
	vm3 =	vnez.u8 v48;
	v38 =	vimm.s32 $0x0;
	v48 =	vor.u32 $0x26, v3  }
0x2c7: {  	v8 =	vsel vm8, v4, v8;
	v4 =	vsel vm8, v31, v4;
	v5 =	vsel vm10, v41, v5  }
0x2c8: {  	v41 =	vor.u32 $0x25, v3;
	vm0 =	vgt.f32 v35, v8;
	vm9 =	vgt.f32 v35, v4  }
0x2c9: {  	v58 =	vld [tilespmem:$0x1F7B0];
	v5 =	vsel vm3, $0x9, v5;
	vm3 =	vnez.u8 v28;
	v28 =	vimm.s32 $0x0  }
0x2ca: {  	[tilespmem:$0x1F8A0] =	vst v6;
	v6 =	vsel vm0, $0xFFFFFFFF, v42;
	v8 =	vsel vm0, v35, v8;
	v5 =	vsel vm2, v46, v5  }
0x2cb: {  	v62 =	vld [tilespmem:$0x1F7C0];
	vm2 =	vnez.u8 v53;
	v53 =	vor.u32 $0x27, v3;
	v8 =	vsel vm9, v4, v8  }
0x2cc: {  	v44 =	vld.idx.msk [tilespmem:v36+s2+$0x0], $0xffff;
	v4 =	vsel vm9, v35, v4;
	v5 =	vsel vm2, $0xA, v5;
	v35 =	vor.u32 $0x24, v3  }
0x2cd: {  	vm0 =	vgt.f32 v11, v8;
	vm10 =	vgt.f32 v11, v4;
	v5 =	vsel vm11, v51, v5  }
0x2ce: {  	[tilespmem:$0x1F890] =	vst v7;
	vm11 =	vnez.u8 v58;
	v7 =	vsel vm0, $0xFFFFFFFF, v47;
	v8 =	vsel vm0, v11, v8  }
0x2cf: {  	v19 =	vld [tilespmem:$0x1F7D0];
	v5 =	vsel vm11, $0xB, v5;
	v47 =	vimm.s32 $0x0;
	v8 =	vsel vm10, v4, v8  }
0x2d0: {  	v4 =	vsel vm10, v11, v4;
	v5 =	vsel vm12, v56, v5;
	vm12 =	vnez.u8 v62  }
0x2d1: {  	v23 =	vld [tilespmem:$0x1F7E0];
	v11 =	vsel vm14, $0xD, v17;
	v62 =	vor.u32 $0x29, v3;
	vm0 =	vgt.f32 v44, v8  }
0x2d2: {  	[tilespmem:$0x1F880] =	vst v9;
	v9 =	vld.idx.msk [tilespmem:v45+s2+$0x0], $0xffff;
	v5 =	vsel vm12, $0xC, v5;
	v26 =	vsel vm15, $0xE, v11;
	v10 =	vsel vm0, $0xFFFFFFFF, v52  }
0x2d3: {  	v31 =	vld [tilespmem:$0x1F800];
	v8 =	vsel vm0, v44, v8;
	vm0 =	vgt.f32 v44, v4;
	v5 =	vsel vm13, v13, v5  }
0x2d4: {  	vm13 =	vnez.u8 v19;
	v45 =	vld.idx.msk [tilespmem:v35+s2+$0x0], $0xffff;
	v35 =	vor.u32 $0x2D, v3;
	[tilespmem:$0x1F8D0] =	vst v10;
	v10 =	vsel vm0, $0xFFFFFFFF, v54  }
0x2d5: {  	v8 =	vsel vm0, v4, v8;
	v4 =	vsel vm0, v44, v4;
	v5 =	vsel vm13, $0xD, v5  }
0x2d6: {  	vm0 =	vgt.f32 v49, v8;
	vm11 =	vgt.f32 v49, v4;
	v5 =	vsel vm14, v17, v5  }
0x2d7: {  	v37 =	vld [tilespmem:$0x1F830];
	[tilespmem:$0x1F8B0] =	vst v6;
	vm14 =	vnez.u8 v23;
	v23 =	vor.u32 $0x2B, v3;
	v6 =	vsel vm0, $0xFFFFFFFF, v57  }
0x2d8: {  	v8 =	vsel vm0, v49, v8;
	v5 =	vsel vm14, $0xE, v5;
	vm14 =	vnez.u8 v31  }
0x2d9: {  	v57 =	vor.u32 $0x28, v3;
	v31 =	vimm.s32 $0x0;
	v8 =	vsel vm11, v4, v8  }
0x2da: {  	v33 =	vld [tilespmem:$0x1F810];
	v4 =	vsel vm11, v49, v4;
	v5 =	vsel vm15, v11, v5;
	vm0 =	vgt.f32 v9, v8  }
0x2db: {  	v12 =	vsel vm14, $0xF, v26;
	vm12 =	vgt.f32 v9, v4;
	v8 =	vsel vm0, v9, v8  }
0x2dc: {  	v5 =	vsel vm3, $0xF, v5;
	vm3 =	vnez.u8 v37;
	v8 =	vsel vm12, v4, v8  }
0x2dd: {  	[tilespmem:$0x1F8C0] =	vst v7;
	v7 =	vsel vm0, $0xFFFFFFFF, v61;
	v4 =	vsel vm12, v9, v4;
	vm0 =	vgt.f32 v59, v8  }
0x2de: {  	v20 =	vld.idx.msk [tilespmem:v60+s2+$0x0], $0xffff;
	v5 =	vsel vm14, v26, v5;
	vm13 =	vgt.f32 v59, v4;
	v8 =	vsel vm0, v59, v8  }
0x2df: {  	vm14 =	vnez.u8 v33;
	v61 =	vld.idx.msk [tilespmem:v53+s2+$0x0], $0xffff;
	v53 =	vor.u32 $0x30, v3;
	v8 =	vsel vm13, v4, v8  }
0x2e0: {  	v36 =	vld [tilespmem:$0x1F820];
	v9 =	vsel vm0, $0xFFFFFFFF, v18;
	v4 =	vsel vm13, v59, v4;
	vm0 =	vgt.f32 v63, v8  }
0x2e1: {  	v24 =	vld.idx.msk [tilespmem:v16+s2+$0x0], $0xffff;
	[tilespmem:$0x1F8F0] =	vst v6;
	v6 =	vsel vm0, $0xFFFFFFFF, v22;
	v8 =	vsel vm0, v63, v8;
	vm0 =	vgt.f32 v63, v4  }
0x2e2: {  	v5 =	vsel vm14, $0x10, v5;
	v33 =	vld.idx.msk [tilespmem:v23+s2+$0x0], $0xffff;
	v23 =	vor.u32 $0x34, v3;
	v8 =	vsel vm0, v4, v8  }
0x2e3: {  	v18 =	vor.u32 $0x2A, v3;
	v4 =	vsel vm0, v63, v4;
	vm2 =	vgt.f32 v20, v8  }
0x2e4: {  	v29 =	vld.idx.msk [tilespmem:v21+s2+$0x0], $0xffff;
	v59 =	vimm.s32 $0x0;
	vm15 =	vgt.f32 v20, v4;
	v8 =	vsel vm2, v20, v8  }
0x2e5: {  	[tilespmem:$0x1F900] =	vst v7;
	v22 =	vld.idx.msk [tilespmem:v62+s2+$0x0], $0xffff;
	v62 =	vor.u32 $0x32, v3;
	v7 =	vsel vm2, $0xFFFFFFFF, v27;
	v8 =	vsel vm15, v4, v8  }
0x2e6: {  	v42 =	vld [tilespmem:$0x1F840];
	v4 =	vsel vm15, v20, v4;
	v20 =	vimm.s32 $0x0;
	vm2 =	vgt.f32 v24, v8  }
0x2e7: {  	[tilespmem:$0x1F910] =	vst v9;
	v9 =	vsel vm2, $0xFFFFFFFF, v32;
	v8 =	vsel vm2, v24, v8;
	vm2 =	vnez.u8 v36  }
0x2e8: {  	vm14 =	vgt.f32 v24, v4;
	v36 =	vimm.s32 $0x0;
	v5 =	vsel vm2, v12, v5  }
0x2e9: {  	v44 =	vld [tilespmem:$0x1F850];
	v8 =	vsel vm14, v4, v8;
	v4 =	vsel vm14, v24, v4;
	v39 =	vsel vm2, $0x10, v12  }
0x2ea: {  	v5 =	vsel vm3, $0x11, v5;
	vm3 =	vgt.f32 v29, v8;
	vm2 =	vgt.f32 v29, v4  }
0x2eb: {  	v60 =	vld [tilespmem:$0x1F880];
	[tilespmem:$0x1F920] =	vst v6;
	v6 =	vsel vm3, $0xFFFFFFFF, v38;
	v8 =	vsel vm3, v29, v8;
	vm3 =	vnez.u8 v42  }
0x2ec: {  	v12 =	vsel vm2, $0xFFFFFFFF, v40;
	v40 =	vor.u32 $0x2E, v3;
	v13 =	vsel vm3, $0x11, v39  }
0x2ed: {  	v51 =	vld [tilespmem:$0x1F860];
	v8 =	vsel vm2, v4, v8;
	v5 =	vsel vm3, v39, v5;
	v4 =	vsel vm2, v29, v4  }
0x2ee: {  	vm3 =	vnez.u8 v44;
	v29 =	vor.u32 $0x2C, v3;
	v39 =	vimm.s32 $0x0  }
0x2ef: {  	v56 =	vld [tilespmem:$0x1F870];
	vm2 =	vgt.f32 v34, v8;
	v5 =	vsel vm3, $0x12, v5;
	v49 =	vsel vm1, $0x12, v13  }
0x2f0: {  	[tilespmem:$0x1F950] =	vst v6;
	vm3 =	vnez.u8 v60;
	v60 =	vimm.s32 $0x0;
	v6 =	vsel vm2, $0xFFFFFFFF, v43  }
0x2f1: {  	v11 =	vld.idx.msk [tilespmem:v30+s2+$0x0], $0xffff;
	v46 =	vsel vm2, v34, v8;
	vm2 =	vgt.f32 v34, v4;
	v5 =	vsel vm1, v13, v5  }
0x2f2: {  	vm1 =	vnez.u8 v51;
	v54 =	vsel vm4, $0x13, v49;
	v43 =	vimm.s32 $0x0  }
0x2f3: {  	[tilespmem:$0x1F930] =	vst v7;
	v8 =	vsel vm2, $0xFFFFFFFF, v47;
	v7 =	vsel vm2, v4, v46;
	v4 =	vsel vm2, v34, v4  }
0x2f4: {  	v5 =	vsel vm1, $0x13, v5;
	vm1 =	vnez.u8 v56;
	v58 =	vsel vm5, $0x14, v54  }
0x2f5: {  	v34 =	vimm.s32 $0x0;
	v46 =	vimm.s32 $0x0;
	v47 =	vor.u32 $0x2F, v3  }
0x2f6: {  	vm2 =	vgt.f32 v11, v7;
	v5 =	vsel vm4, v49, v5;
	v63 =	vsel vm6, $0x15, v58  }
0x2f7: {  	[tilespmem:$0x1F940] =	vst v9;
	v49 =	vimm.s32 $0x0;
	v51 =	vld.idx.msk [tilespmem:v40+s2+$0x0], $0xffff;
	v40 =	vor.u32 $0x37, v3;
	v9 =	vsel vm2, $0xFFFFFFFF, v50  }
0x2f8: {  	v16 =	vld [tilespmem:$0x1F890];
	v7 =	vsel vm2, v11, v7;
	vm2 =	vgt.f32 v11, v4;
	v5 =	vsel vm1, $0x14, v5  }
0x2f9: {  	v19 =	vsel vm7, $0x16, v63;
	v38 =	vld.idx.msk [tilespmem:v29+s2+$0x0], $0xffff;
	v29 =	vor.u32 $0x35, v3;
	v7 =	vsel vm2, v4, v7  }
0x2fa: {  	v21 =	vld [tilespmem:$0x1F8A0];
	v4 =	vsel vm2, v11, v4;
	vm4 =	vmmov vm2;
	v5 =	vsel vm5, v54, v5  }
0x2fb: {  	v52 =	vld.idx.msk [tilespmem:v41+s2+$0x0], $0xffff;
	v24 =	vsel vm8, $0x17, v19;
	vm2 =	vgt.f32 v45, v7;
	v5 =	vsel vm3, $0x15, v5  }
0x2fc: {  	[tilespmem:$0x1F8E0] =	vst v10;
	v26 =	vld [tilespmem:$0x1F8B0];
	v30 =	vsel vm9, $0x18, v24;
	v10 =	vsel vm2, $0xFFFFFFFF, v55;
	v7 =	vsel vm2, v45, v7  }
0x2fd: {  	v17 =	vld.idx.msk [tilespmem:v57+s2+$0x0], $0xffff;
	vm2 =	vgt.f32 v45, v4;
	v5 =	vsel vm6, v58, v5;
	vm6 =	vnez.u8 v16  }
0x2fe: {  	[tilespmem:$0x1F980] =	vst v8;
	v8 =	vld.idx.msk [tilespmem:v48+s2+$0x0], $0xffff;
	v11 =	vsel vm10, $0x19, v30;
	v55 =	vimm.s32 $0x0;
	v58 =	vor.u32 $0x31, v3  }
0x2ff: {  	v57 =	vld.idx.msk [tilespmem:v47+s2+$0x0], $0xffff;
	v47 =	vimm.s32 $0x0;
	v7 =	vsel vm2, v4, v7;
	v4 =	vsel vm2, v45, v4  }
0x300: {  	v5 =	vsel vm6, $0x16, v5;
	v45 =	vld.idx.msk [tilespmem:v35+s2+$0x0], $0xffff;
	v35 =	vor.u32 $0x36, v3;
	vm1 =	vgt.f32 v52, v7  }
0x301: {  	vm5 =	vgt.f32 v52, v4;
	v5 =	vsel vm7, v63, v5;
	v7 =	vsel vm1, v52, v7  }
0x302: {  	vm7 =	vnez.u8 v21;
	v21 =	vld.idx.msk [tilespmem:v62+s2+$0x0], $0xffff;
	v62 =	vor.u32 $0x3C, v3;
	v7 =	vsel vm5, v4, v7  }
0x303: {  	[tilespmem:$0x1F970] =	vst v6;
	v6 =	vsel vm1, $0xFFFFFFFF, v59;
	v4 =	vsel vm5, v52, v4;
	vm3 =	vgt.f32 v8, v7  }
0x304: {  	v5 =	vsel vm7, $0x17, v5;
	vm6 =	vgt.f32 v8, v4;
	v7 =	vsel vm3, v8, v7  }
0x305: {  	vm7 =	vnez.u8 v26;
	v5 =	vsel vm8, v19, v5;
	v7 =	vsel vm6, v4, v7  }
0x306: {  	[tilespmem:$0x1F990] =	vst v9;
	v9 =	vsel vm3, $0xFFFFFFFF, v15;
	v4 =	vsel vm6, v8, v4;
	vm3 =	vgt.f32 v61, v7  }
0x307: {  	v8 =	vsel vm3, $0xFFFFFFFF, v20;
	v7 =	vsel vm3, v61, v7;
	vm3 =	vgt.f32 v61, v4  }
0x308: {  	v32 =	vld [tilespmem:$0x1F8C0];
	v52 =	vimm.s32 $0x0;
	v19 =	vimm.s32 $0x0;
	v7 =	vsel vm3, v4, v7  }
0x309: {  	v41 =	vld [tilespmem:$0x1F8E0];
	v5 =	vsel vm7, $0x18, v5;
	v4 =	vsel vm3, v61, v4;
	vm1 =	vgt.f32 v17, v7  }
0x30a: {  	[tilespmem:$0x1F9B0] =	vst v6;
	v5 =	vsel vm9, v24, v5;
	vm8 =	vgt.f32 v17, v4;
	v6 =	vsel vm1, $0xFFFFFFFF, v25  }
0x30b: {  	[tilespmem:$0x1F9A0] =	vst v10;
	v7 =	vsel vm1, v17, v7;
	v10 =	vsel vm8, $0xFFFFFFFF, v28;
	v25 =	vimm.s32 $0x0  }
0x30c: {  	v37 =	vld [tilespmem:$0x1F8D0];
	v28 =	vimm.s32 $0x0;
	v7 =	vsel vm8, v4, v7;
	v4 =	vsel vm8, v17, v4  }
0x30d: {  	vm8 =	vnez.u8 v32;
	v17 =	vor.u32 $0x33, v3;
	vm9 =	vgt.f32 v22, v7  }
0x30e: {  	v27 =	vld.idx.msk [tilespmem:v18+s2+$0x0], $0xffff;
	[tilespmem:$0x1F9C0] =	vst v9;
	v5 =	vsel vm8, $0x19, v5;
	vm8 =	vnez.u8 v41;
	v9 =	vsel vm9, $0xFFFFFFFF, v31  }
0x30f: {  	v7 =	vsel vm9, v22, v7;
	vm9 =	vgt.f32 v22, v4;
	v5 =	vsel vm10, v30, v5  }
0x310: {  	[tilespmem:$0x1F960] =	vst v12;
	v44 =	vsel vm8, $0x1A, v11;
	v31 =	vimm.s32 $0x0;
	v12 =	vsel vm9, $0xFFFFFFFF, v34  }
0x311: {  	v42 =	vld [tilespmem:$0x1F8F0];
	v7 =	vsel vm9, v4, v7;
	v4 =	vsel vm9, v22, v4;
	vm9 =	vnez.u8 v37  }
0x312: {  	v48 =	vsel vm11, $0x1B, v44;
	v22 =	vimm.s32 $0x0;
	v34 =	vimm.s32 $0x0  }
0x313: {  	v37 =	vimm.s32 $0x0;
	vm10 =	vgt.f32 v27, v7;
	v5 =	vsel vm9, $0x1A, v5  }
0x314: {  	[tilespmem:$0x1F9D0] =	vst v8;
	vm1 =	vgt.f32 v27, v4;
	v54 =	vsel vm12, $0x1C, v48;
	v8 =	vsel vm10, $0xFFFFFFFF, v36  }
0x315: {  	[tilespmem:$0x1F9F0] =	vst v10;
	v30 =	vld [tilespmem:$0x1F960];
	v7 =	vsel vm10, v27, v7;
	v10 =	vsel vm1, $0xFFFFFFFF, v39;
	v5 =	vsel vm8, v11, v5  }
0x316: {  	v50 =	vld [tilespmem:$0x1F900];
	vm10 =	vnez.u8 v42;
	v59 =	vsel vm13, $0x1D, v54;
	v42 =	vimm.s32 $0x0  }
0x317: {  	v39 =	vld.idx.msk [tilespmem:v29+s2+$0x0], $0xffff;
	v29 =	vimm.s32 $0x0;
	v7 =	vsel vm1, v4, v7;
	v5 =	vsel vm10, $0x1B, v5  }
0x318: {  	v61 =	vld [tilespmem:$0x1F920];
	v4 =	vsel vm1, v27, v4;
	v63 =	vsel vm0, $0x1E, v59;
	vm9 =	vgt.f32 v33, v7  }
0x319: {  	vm10 =	vgt.f32 v33, v4;
	v5 =	vsel vm11, v44, v5;
	v18 =	vsel vm15, $0x1F, v63  }
0x31a: {  	v56 =	vld [tilespmem:$0x1F910];
	[tilespmem:$0x1F9E0] =	vst v6;
	vm8 =	vnez.u8 v30;
	v6 =	vsel vm9, $0xFFFFFFFF, v43;
	v7 =	vsel vm9, v33, v7  }
0x31b: {  	[tilespmem:$0x1FA10] =	vst v12;
	v12 =	vsel vm10, $0xFFFFFFFF, v46;
	vm9 =	vnez.u8 v50;
	v24 =	vsel vm14, $0x20, v18  }
0x31c: {  	v15 =	vld [tilespmem:$0x1F930];
	v7 =	vsel vm10, v4, v7;
	v4 =	vsel vm10, v33, v4;
	v5 =	vsel vm9, $0x1C, v5  }
0x31d: {  	vm9 =	vnez.u8 v61;
	v11 =	vsel vm8, $0x21, v24;
	v61 =	vimm.s32 $0x0  }
0x31e: {  	v33 =	vld.idx.msk [tilespmem:v23+s2+$0x0], $0xffff;
	v23 =	vor.u32 $0x3E, v3;
	vm11 =	vgt.f32 v38, v7;
	vm10 =	vgt.f32 v38, v4  }
0x31f: {  	v20 =	vld [tilespmem:$0x1F940];
	[tilespmem:$0x1FA00] =	vst v9;
	v5 =	vsel vm12, v48, v5;
	vm12 =	vnez.u8 v56;
	v56 =	vimm.s32 $0x0  }
0x320: {  	[tilespmem:$0x1FA40] =	vst v6;
	v6 =	vsel vm11, $0xFFFFFFFF, v49;
	v7 =	vsel vm11, v38, v7;
	v9 =	vsel vm10, $0xFFFFFFFF, v52  }
0x321: {  	v5 =	vsel vm12, $0x1D, v5;
	vm12 =	vnez.u8 v15;
	v49 =	vor.u32 $0x39, v3  }
0x322: {  	v15 =	vimm.s32 $0x0;
	v7 =	vsel vm10, v4, v7;
	v4 =	vsel vm10, v38, v4  }
0x323: {  	v52 =	vld [tilespmem:$0x1F9C0];
	v5 =	vsel vm13, v54, v5;
	v54 =	vor.u32 $0x3A, v3;
	vm11 =	vgt.f32 v45, v7  }
0x324: {  	v5 =	vsel vm9, $0x1E, v5;
	vm9 =	vnez.u8 v20;
	v20 =	vimm.s32 $0x0  }
0x325: {  	[tilespmem:$0x1FA20] =	vst v8;
	v8 =	vsel vm11, $0xFFFFFFFF, v55;
	v7 =	vsel vm11, v45, v7;
	vm11 =	vgt.f32 v45, v4  }
0x326: {  	v26 =	vld [tilespmem:$0x1F950];
	v5 =	vsel vm0, v59, v5;
	v59 =	vor.u32 $0x3B, v3;
	v7 =	vsel vm11, v4, v7  }
0x327: {  	v4 =	vsel vm11, v45, v4;
	v5 =	vsel vm12, $0x1F, v5;
	v45 =	vor.u32 $0x38, v3  }
0x328: {  	v36 =	vld [tilespmem:$0x1F980];
	vm13 =	vgt.f32 v51, v7;
	v5 =	vsel vm15, v63, v5;
	vm7 =	vnez.u8 v52  }
0x329: {  	[tilespmem:$0x1FA30] =	vst v10;
	v10 =	vsel vm13, $0xFFFFFFFF, v60;
	v7 =	vsel vm13, v51, v7;
	vm13 =	vgt.f32 v51, v4  }
0x32a: {  	v38 =	vld [tilespmem:$0x1F990];
	v5 =	vsel vm9, $0x20, v5;
	v7 =	vsel vm13, v4, v7;
	v4 =	vsel vm13, v51, v4  }
0x32b: {  	[tilespmem:$0x1FA70] =	vst v9;
	v9 =	vld.idx.msk [tilespmem:v53+s2+$0x0], $0xffff;
	v5 =	vsel vm14, v18, v5;
	vm14 =	vnez.u8 v26;
	v51 =	vimm.s32 $0x0  }
0x32c: {  	v18 =	vor.u32 $0x3D, v3;
	v3 =	vor.u32 $0x3F, v3;
	vm10 =	vgt.f32 v57, v7  }
0x32d: {  	vm1 =	vgt.f32 v57, v4;
	v5 =	vsel vm14, $0x21, v5;
	vm14 =	vnez.u8 v36  }
0x32e: {  	v32 =	vld [tilespmem:$0x1F970];
	[tilespmem:$0x1FA60] =	vst v6;
	v6 =	vsel vm10, $0xFFFFFFFF, v14;
	v7 =	vsel vm10, v57, v7;
	v5 =	vsel vm8, v24, v5  }
0x32f: {  	v16 =	vld.idx.msk [tilespmem:v58+s2+$0x0], $0xffff;
	v13 =	vsel vm14, $0x22, v11;
	vm8 =	vnez.u8 v38;
	v7 =	vsel vm1, v4, v7  }
0x330: {  	v43 =	vld [tilespmem:$0x1F9A0];
	v4 =	vsel vm1, v57, v4;
	v41 =	vsel vm4, $0x23, v13;
	vm15 =	vgt.f32 v9, v7  }
0x331: {  	[tilespmem:$0x1FA80] =	vst v8;
	vm10 =	vgt.f32 v9, v4;
	v48 =	vsel vm2, $0x24, v41;
	v8 =	vsel vm15, $0xFFFFFFFF, v19  }
0x332: {  	[tilespmem:$0x1FA90] =	vst v10;
	v7 =	vsel vm15, v9, v7;
	v10 =	vsel vm10, $0xFFFFFFFF, v22;
	v50 =	vsel vm5, $0x25, v48  }
0x333: {  	v7 =	vsel vm10, v4, v7;
	v4 =	vsel vm10, v9, v4;
	vm10 =	vnez.u8 v32  }
0x334: {  	v55 =	vsel vm6, $0x26, v50;
	vm12 =	vgt.f32 v16, v7;
	vm15 =	vgt.f32 v16, v4  }
0x335: {  	v32 =	vld [tilespmem:$0x1FA70];
	v5 =	vsel vm10, $0x22, v5;
	vm10 =	vnez.u8 v43;
	v9 =	vsel vm12, $0xFFFFFFFF, v25  }
0x336: {  	v27 =	vld.idx.msk [tilespmem:v17+s2+$0x0], $0xffff;
	[tilespmem:$0x1FA50] =	vst v12;
	v7 =	vsel vm12, v16, v7;
	v12 =	vsel vm15, $0xFFFFFFFF, v28;
	v5 =	vsel vm14, v11, v5  }
0x337: {  	v46 =	vld [tilespmem:$0x1F9B0];
	v25 =	vimm.s32 $0x0;
	v7 =	vsel vm15, v4, v7;
	v4 =	vsel vm15, v16, v4  }
0x338: {  	v5 =	vsel vm8, $0x23, v5;
	vm9 =	vgt.f32 v21, v7;
	vm12 =	vgt.f32 v21, v4  }
0x339: {  	[tilespmem:$0x1FAA0] =	vst v6;
	v5 =	vsel vm4, v13, v5;
	v6 =	vsel vm9, $0xFFFFFFFF, v31;
	v7 =	vsel vm9, v21, v7  }
0x33a: {  	[tilespmem:$0x1FAC0] =	vst v10;
	v10 =	vsel vm12, $0xFFFFFFFF, v34;
	v5 =	vsel vm10, $0x24, v5;
	vm0 =	vnez.u8 v32  }
0x33b: {  	v34 =	vimm.s32 $0x0;
	v7 =	vsel vm12, v4, v7;
	v4 =	vsel vm12, v21, v4  }
0x33c: {  	v5 =	vsel vm2, v41, v5;
	vm12 =	vnez.u8 v46;
	vm15 =	vgt.f32 v27, v7  }
0x33d: {  	v57 =	vld [tilespmem:$0x1F9D0];
	[tilespmem:$0x1FAB0] =	vst v8;
	v8 =	vsel vm15, $0xFFFFFFFF, v37;
	v7 =	vsel vm15, v27, v7;
	vm15 =	vgt.f32 v27, v4  }
0x33e: {  	[tilespmem:$0x1FB00] =	vst v10;
	v10 =	vsel vm3, $0x27, v55;
	v5 =	vsel vm12, $0x25, v5;
	v7 =	vsel vm15, v4, v7  }
0x33f: {  	v63 =	vld [tilespmem:$0x1F9F0];
	v5 =	vsel vm5, v48, v5;
	v4 =	vsel vm15, v27, v4;
	vm9 =	vgt.f32 v33, v7  }
0x340: {  	v44 =	vld.idx.msk [tilespmem:v35+s2+$0x0], $0xffff;
	v5 =	vsel vm7, $0x26, v5;
	vm14 =	vgt.f32 v33, v4;
	v7 =	vsel vm9, v33, v7  }
0x341: {  	v60 =	vld [tilespmem:$0x1F9E0];
	[tilespmem:$0x1FAD0] =	vst v9;
	v5 =	vsel vm6, v50, v5;
	v9 =	vsel vm9, $0xFFFFFFFF, v42;
	v7 =	vsel vm14, v4, v7  }
0x342: {  	v11 =	vld.idx.msk [tilespmem:v40+s2+$0x0], $0xffff;
	vm9 =	vnez.u8 v57;
	v4 =	vsel vm14, v33, v4;
	vm4 =	vgt.f32 v39, v7  }
0x343: {  	v16 =	vld [tilespmem:$0x1FA00];
	v5 =	vsel vm9, $0x27, v5;
	vm12 =	vgt.f32 v39, v4;
	v7 =	vsel vm4, v39, v7  }
0x344: {  	vm6 =	vnez.u8 v63;
	v5 =	vsel vm3, v55, v5;
	v7 =	vsel vm12, v4, v7  }
0x345: {  	v53 =	vld.idx.msk [tilespmem:v45+s2+$0x0], $0xffff;
	[tilespmem:$0x1FAF0] =	vst v6;
	v6 =	vsel vm4, $0xFFFFFFFF, v47;
	v4 =	vsel vm12, v39, v4;
	vm5 =	vgt.f32 v44, v7  }
0x346: {  	v21 =	vld [tilespmem:$0x1FA20];
	vm4 =	vnez.u8 v60;
	vm10 =	vgt.f32 v44, v4;
	v7 =	vsel vm5, v44, v7  }
0x347: {  	v13 =	vsel vm6, $0x28, v10;
	v5 =	vsel vm4, $0x28, v5;
	v7 =	vsel vm10, v4, v7  }
0x348: {  	v19 =	vld [tilespmem:$0x1FA10];
	vm4 =	vnez.u8 v16;
	v4 =	vsel vm10, v44, v4;
	vm8 =	vgt.f32 v11, v7  }
0x349: {  	v58 =	vld.idx.msk [tilespmem:v49+s2+$0x0], $0xffff;
	v5 =	vsel vm6, v10, v5;
	vm9 =	vgt.f32 v11, v4;
	v7 =	vsel vm8, v11, v7  }
0x34a: {  	[tilespmem:$0x1FB30] =	vst v6;
	v6 =	vsel vm5, $0xFFFFFFFF, v51;
	v5 =	vsel vm4, $0x29, v5;
	v7 =	vsel vm9, v4, v7  }
0x34b: {  	v24 =	vld [tilespmem:$0x1FA30];
	[tilespmem:$0x1FB10] =	vst v8;
	vm4 =	vnez.u8 v21;
	v4 =	vsel vm9, v11, v4;
	vm5 =	vgt.f32 v53, v7  }
0x34c: {  	v8 =	vld.idx.msk [tilespmem:v54+s2+$0x0], $0xffff;
	[tilespmem:$0x1FB20] =	vst v9;
	v9 =	vsel vm8, $0xFFFFFFFF, v56;
	vm8 =	vgt.f32 v53, v4;
	v7 =	vsel vm5, v53, v7  }
0x34d: {  	v11 =	vsel vm5, $0xFFFFFFFF, v61;
	vm5 =	vnez.u8 v19;
	v7 =	vsel vm8, v4, v7  }
0x34e: {  	v26 =	vld [tilespmem:$0x1FA40];
	[tilespmem:$0x1FAE0] =	vst v12;
	v4 =	vsel vm8, v53, v4;
	v12 =	vsel vm5, $0x29, v13;
	vm7 =	vgt.f32 v58, v7  }
0x34f: {  	v17 =	vld.idx.msk [tilespmem:v59+s2+$0x0], $0xffff;
	[tilespmem:$0x1FB40] =	vst v6;
	v6 =	vsel vm7, $0xFFFFFFFF, v15;
	v7 =	vsel vm7, v58, v7;
	vm7 =	vgt.f32 v58, v4  }
0x350: {  	v28 =	vld [tilespmem:$0x1FA50];
	v5 =	vsel vm5, v13, v5;
	vm5 =	vnez.u8 v24;
	v7 =	vsel vm7, v4, v7  }
0x351: {  	v5 =	vsel vm4, $0x2A, v5;
	v4 =	vsel vm7, v58, v4;
	vm6 =	vgt.f32 v8, v7  }
0x352: {  	v30 =	vld [tilespmem:$0x1FA60];
	[tilespmem:$0x1FB50] =	vst v9;
	v9 =	vsel vm6, $0xFFFFFFFF, v20;
	v7 =	vsel vm6, v8, v7;
	vm6 =	vgt.f32 v8, v4  }
0x353: {  	v22 =	vld.idx.msk [tilespmem:v62+s2+$0x0], $0xffff;
	v13 =	vsel vm5, $0x2A, v12;
	v5 =	vsel vm5, v12, v5;
	v7 =	vsel vm6, v4, v7  }
0x354: {  	vm5 =	vnez.u8 v26;
	v4 =	vsel vm6, v8, v4;
	vm4 =	vgt.f32 v17, v7  }
0x355: {  	v33 =	vld [tilespmem:$0x1FA80];
	v8 =	vsel vm4, $0xFFFFFFFF, v25;
	v7 =	vsel vm4, v17, v7;
	vm4 =	vnez.u8 v28  }
0x356: {  	v5 =	vsel vm5, $0x2B, v5;
	vm5 =	vgt.f32 v17, v4;
	v10 =	vsel vm4, $0x2B, v13  }
0x357: {  	v27 =	vld.idx.msk [tilespmem:v18+s2+$0x0], $0xffff;
	v7 =	vsel vm5, v4, v7;
	v5 =	vsel vm4, v13, v5;
	vm4 =	vnez.u8 v30  }
0x358: {  	v36 =	vld [tilespmem:$0x1FA90];
	v4 =	vsel vm5, v17, v4;
	vm2 =	vgt.f32 v22, v7;
	v5 =	vsel vm4, $0x2C, v5  }
0x359: {  	[tilespmem:$0x1FB70] =	vst v6;
	vm4 =	vgt.f32 v22, v4;
	v6 =	vsel vm2, $0xFFFFFFFF, v29;
	v7 =	vsel vm2, v22, v7  }
0x35a: {  	v40 =	vld [tilespmem:$0x1FAB0];
	v5 =	vsel vm0, v10, v5;
	v10 =	vsel vm0, $0x2C, v10;
	vm0 =	vnez.u8 v33  }
0x35b: {  	v38 =	vld [tilespmem:$0x1FAA0];
	v7 =	vsel vm4, v4, v7;
	v5 =	vsel vm0, $0x2D, v5;
	v4 =	vsel vm4, v22, v4  }
0x35c: {  	v31 =	vld.idx.msk [tilespmem:v23+s2+$0x0], $0xffff;
	v35 =	vsel vm11, $0x2D, v10;
	vm0 =	vgt.f32 v27, v7;
	v5 =	vsel vm11, v10, v5  }
0x35d: {  	vm3 =	vgt.f32 v27, v4;
	vm11 =	vnez.u8 v36;
	v37 =	vsel vm13, $0x2E, v35  }
0x35e: {  	v3 =	vld.idx.msk [tilespmem:v3+s2+$0x0], $0xffff;
	[tilespmem:$0x1FB80] =	vst v9;
	v9 =	vsel vm0, $0xFFFFFFFF, v34;
	v7 =	vsel vm0, v27, v7;
	v5 =	vsel vm11, $0x2E, v5  }
0x35f: {  	v42 =	vld [tilespmem:$0x1FAC0];
	vm11 =	vmmov vm13;
	v39 =	vsel vm1, $0x2F, v37;
	vm0 =	vnez.u8 v40  }
0x360: {  	v7 =	vsel vm3, v4, v7;
	v5 =	vsel vm11, v35, v5;
	vm11 =	vnez.u8 v38  }
0x361: {  	v44 =	vld [tilespmem:$0x1FAD0];
	v4 =	vsel vm3, v27, v4;
	vm13 =	vgt.f32 v31, v7;
	v5 =	vsel vm11, $0x2F, v5  }
0x362: {  	v45 =	vld [tilespmem:$0x1FAE0];
	vm2 =	vgt.f32 v31, v4;
	v7 =	vsel vm13, v31, v7;
	v5 =	vsel vm1, v37, v5  }
0x363: {  	v46 =	vld [tilespmem:$0x1FAF0];
	v7 =	vsel vm2, v4, v7;
	v4 =	vsel vm2, v31, v4;
	v5 =	vsel vm0, $0x30, v5  }
0x364: {  	v47 =	vld [tilespmem:$0x1FB00];
	vm0 =	vnez.u8 v42;
	vm11 =	vgt.f32 v3, v7;
	vm1 =	vgt.f32 v3, v4  }
0x365: {  	v48 =	vld [tilespmem:$0x1FB10];
	v5 =	vsel vm0, v39, v5;
	v43 =	vsel vm0, $0x30, v39;
	v41 =	vsel vm11, v3, v7  }
0x366: {  	[tilespmem:$0x1FBA0] =	vst v6;
	vm0 =	vnez.u8 v44;
	v3 =	vsel vm1, v3, v4;
	v6 =	vsel vm1, v4, v41  }
0x367: {  	v49 =	vld [tilespmem:$0x1FB20];
	v5 =	vsel vm0, $0x31, v5;
	vm0 =	vnez.u8 v45;
	v3 =	vsub.f32 v6, v3  }
0x368: {  	v5 =	vsel vm0, v43, v5;
	v4 =	vsel vm0, $0x31, v43;
	vm0 =	vnez.u8 v46  }
0x369: {  	v50 =	vld [tilespmem:$0x1FB30];
	v5 =	vsel vm0, $0x32, v5;
	vm0 =	vnez.u8 v47;
	v3 =	vmul.f32 $1.442695020e+00, v3  }
0x36a: {  	v5 =	vsel vm0, v4, v5;
	v4 =	vsel vm0, $0x32, v4;
	vm0 =	vnez.u8 v48  }
0x36b: {  	v51 =	vld [tilespmem:$0x1FB40];
	v5 =	vsel vm0, $0x33, v5;
	(erf) = vpow2.f32 v3  }
0x36c: {  	v3 =	vsel vm15, v4, v5;
	v4 =	vsel vm15, $0x33, v4;
	vm15 =	vnez.u8 v49  }
0x36d: {  	v52 =	vld [tilespmem:$0x1FB50];
	v3 =	vsel vm15, $0x34, v3  }
0x36e: {  	[tilespmem:$0x1FB60] =	vst v11;
	vm15 =	vnez.u8 v50;
	v3 =	vsel vm14, v4, v3  }
0x36f: {  	v54 =	vld [tilespmem:$0x1FB60];
	v4 =	vsel vm14, $0x34, v4;
	v3 =	vsel vm15, $0x35, v3  }
0x370: {  	v3 =	vsel vm12, v4, v3;
	v4 =	vsel vm12, $0x35, v4;
	vm12 =	vnez.u8 v51  }
0x371: {  	v56 =	vld [tilespmem:$0x1FB70];
	v3 =	vsel vm12, $0x36, v3  }
0x372: {  	vm14 =	vnez.u8 v52;
	v3 =	vsel vm10, v4, v3  }
0x373: {  	v57 =	vld [tilespmem:$0x1FB80];
	v4 =	vsel vm10, $0x36, v4;
	v3 =	vsel vm14, $0x37, v3  }
0x374: {  	[tilespmem:$0x1FB90] =	vst v8;
	vm15 =	vnez.u8 v54;
	v3 =	vsel vm9, v4, v3;
	v53 =	vpop (erf)  }
0x375: {  	v58 =	vld [tilespmem:$0x1FB90];
	v4 =	vsel vm9, $0x37, v4;
	v3 =	vsel vm15, $0x38, v3;
	v55 =	vadd.f32 $1.000000000e+00, v53  }
0x376: {  	vm9 =	vnez.u8 v56;
	v3 =	vsel vm8, v4, v3  }
0x377: {  	v59 =	vld [tilespmem:$0x1FBA0];
	v4 =	vsel vm8, $0x38, v4;
	v3 =	vsel vm9, $0x39, v3;
	(erf) = vrcp.f32 v55  }
0x378: {  	[tilespmem:$0x1FBB0] =	vst v9;
	vm10 =	vnez.u8 v57;
	v3 =	vsel vm7, v4, v3  }
0x379: {  	v61 =	vld [tilespmem:$0x1FBB0];
	v4 =	vsel vm7, $0x39, v4;
	v3 =	vsel vm10, $0x3A, v3  }
0x37a: {  	vm12 =	vnez.u8 v58;
	v3 =	vsel vm6, v4, v3  }
0x37b: {  	v4 =	vsel vm6, $0x3A, v4;
	v3 =	vsel vm12, $0x3B, v3  }
0x37c: {  	vm14 =	vnez.u8 v59;
	v3 =	vsel vm5, v4, v3  }
0x37d: {  	v2 =	vshll.u32 v2, $0x3;
	v4 =	vsel vm5, $0x3B, v4;
	v3 =	vsel vm14, $0x3C, v3  }
0x37e: {  	v60 =	vor.u32 $0x1, v2;
	vm15 =	vnez.u8 v61;
	v3 =	vsel vm4, v4, v3  }
0x37f: {  	v4 =	vsel vm4, $0x3C, v4;
	v3 =	vsel vm15, $0x3D, v3  }
0x380: {  	v3 =	vsel vm3, v4, v3;
	v62 =	vpop (erf)  }
0x381: {  	v4 =	vsel vm3, $0x3D, v4;
	v3 =	vsel vm13, $0x3E, v3;
	v5 =	vmul.f32 v62, v53  }
0x382: {  	v3 =	vsel vm2, v4, v3;
	v4 =	vsel vm2, $0x3E, v4;
	[tilespmem:v2+s8+$0x0] =	vst.idx.msk $0xffff, v62  }
0x383: {  	v3 =	vsel vm11, $0x3F, v3;
	v63 =	vsel vm1, $0x3F, v4;
	[tilespmem:v60+s8+$0x0] =	vst.idx.msk $0xffff, v5  }
0x384: {  	v3 =	vsel vm1, v4, v3;
	[tilespmem:v2+s9+$0x0] =	vst.idx.msk $0xffff, v63  }
0x385: {  	[tilespmem:v60+s9+$0x0] =	vst.idx.msk $0xffff, v3  }
0x386: {  	[hbm4b:s4+s2] =	stream.linear.scatter [tilespmem:s8], [sflag:$0x2], $0x800, $0x38;
	[tilespmem:$0x5000] =	vst v63  }
0x387: {  	s11 =	sadd.s32 $0x1, s11;
	_ =	swait.ge [sflag:s10], $0x800  }
0x388: {  	p0 =	sne.s32 s11, s6;
	[sflag:s10] =	ssyncset.done $0x0  }
.Ltmp1:
0x389: {  	[sflag:s10] =	ssyncadd.s32 $0xFFFFF800;
	(pc) =	sbr.rel @p0 .LBB2_1-.Ltmp1, $4  }
0x38a: {  	[hbm4b:s5+s2] =	stream.linear.scatter [tilespmem:s9], [sflag:$0x2], $0x800, $0x38;
	[tilespmem:$0x5000] =	vst v63  }
0x38b: {  	_ =	swait.ge [sflag:s10], $0x800  }
0x38c: {  	[sflag:s10] =	ssyncset.done $0x0  }
0x38d: {  	[sflag:s10] =	ssyncadd.s32 $0xFFFFF800  }
0x38e: {  	_ =	sfence.sel $0x180000  }
0x38f: {  	[bflag:$0x0] =	sbarrier.arrive $0xFFFF  }
0x390: {  	p0 =	sne.s32 s1, $0x0;
	_ =	strace $0x90000047  }
0x391: {  	s0 =	sadd.s32 @!p0 $0x100000, s0;
	[bflag:$0x2] =	sbarrier.arrive $0xFFFF  }
0x392: {  	[sflag:s0] =	ssyncadd.tile.s32 @!p0 $0x1;
	_ =	shalt  }
.Lfunc_end2:
_tile_overlayer_lowered:
.L_overlay_start_2:
0x393: {  	(tag) =	ssettag $0x2  }
0x394: {  	s0 =	rddreg [dreg:$0x0];
	s2 =	stileid.u32  }
0x395: {  	s1 =	rddreg [dreg:$0x1];
	p0 =	sne.s32 s2, $0x0  }
0x396: {  	s3 =	rddreg [dreg:$0x2];
	[bflag:$0x3] =	sbarrier.arrive $0xFFFF;
	s2 =	simm.s32 @!p0 $0x1C02  }
0x397: {  	[timem:s3], [sflag:s2] =	dma.local @!p0 [hbm:s0], s1  }
0x398: {  	s0 =	simm.s32 @!p0 $0x2  }
0x399: {  	_ =	swait.ge @!p0 [sflag:s0], s1  }
0x39a: {  	s1 =	ssub.s32 @!p0 $0x0, s1;
	[sflag:s0] =	ssyncset.done @!p0 $0x0  }
0x39b: {  	[sflag:s0] =	ssyncadd.s32 @!p0 s1  }
0x39c: {  	[bflag:$0x3] =	sbarrier.arrive $0xFFFF  }
0x39d: {  	_ =	shalt  }

</sc_bundles>
